<compile_context>
chip_gen: v7x
topology: tpu7x:2x2x1
jax: 0.10.2.dev20260603
libtpu: 0.0.44.dev20260713+nightly
codegen_flags: <defaults>
</compile_context>

<pallas_src>
import jax
import jax.numpy as jnp
from jax import lax
from jax.experimental import pallas as pl
from jax.experimental.pallas import tpu as pltpu
from jax.experimental.pallas import tpu_sc as plsc

_N = 20000
_MAX_OUT = 100
_IOU_T = 0.5
_L = 16
_NTILES = 16
_CHUNK = 1280
_NPAD = _NTILES * _CHUNK
_NSLICE = _CHUNK // _L
_KSLICE = 128 // _L
_NEG = float("-inf")
_BIGI = 2**30


def _fullf(v):
    return jnp.full((_L,), v, jnp.float32)


def _fulli(v):
    return jnp.full((_L,), v, jnp.int32)


def _sc_body(x1_hbm, y1_hbm, x2_hbm, y2_hbm, sc_hbm,
             o1, o2, o3, o4, o5,
             x1, y1, x2, y2, ms,
             kx1, ky1, kx2, ky2, ks, ka,
             rec, table, shared, pad_ref):
    tid = lax.axis_index("s")
    cid = lax.axis_index("c")
    base = tid * _CHUNK
    lanes = lax.iota(jnp.int32, _L)

    pltpu.sync_copy(x1_hbm.at[pl.ds(base, _CHUNK)], x1)
    pltpu.sync_copy(y1_hbm.at[pl.ds(base, _CHUNK)], y1)
    pltpu.sync_copy(x2_hbm.at[pl.ds(base, _CHUNK)], x2)
    pltpu.sync_copy(y2_hbm.at[pl.ds(base, _CHUNK)], y2)
    pltpu.sync_copy(sc_hbm.at[pl.ds(base, _CHUNK)], ms)
    zv = _fullf(0.0)
    for j in range(_KSLICE):
        kx1[pl.ds(j * _L, _L)] = zv
        ky1[pl.ds(j * _L, _L)] = zv
        kx2[pl.ds(j * _L, _L)] = zv
        ky2[pl.ds(j * _L, _L)] = zv
        ks[pl.ds(j * _L, _L)] = zv
        ka[pl.ds(j * _L, _L)] = zv

    def body(carry):
        nk, alive, lgm, lwi = carry
        bm = _fullf(_NEG)
        bi = _fulli(0)
        for k in range(_NSLICE):
            v = ms[pl.ds(k * _L, _L)]
            idxv = lanes + (base + k * _L)
            elig = jnp.logical_or(
                v < lgm,
                jnp.logical_and(v == lgm, idxv > lwi))
            gt = jnp.logical_and(elig, v > bm)
            bm = jnp.where(gt, v, bm)
            bi = jnp.where(gt, idxv, bi)
        lm = jnp.max(bm)
        li = jnp.min(jnp.where(bm == lm, bi, _BIGI))
        lloc = jnp.clip(li - base, 0, _CHUNK - 1)
        gi = _fulli(lloc)
        cx1v = plsc.load_gather(x1, [gi])
        cy1v = plsc.load_gather(y1, [gi])
        cx2v = plsc.load_gather(x2, [gi])
        cy2v = plsc.load_gather(y2, [gi])
        rvec = jnp.where(lanes == 0, _fullf(lm),
               jnp.where(lanes == 1,
                         plsc.bitcast(_fulli(li), jnp.float32),
               jnp.where(lanes == 2, cx1v,
               jnp.where(lanes == 3, cy1v,
               jnp.where(lanes == 4, cx2v,
               jnp.where(lanes == 5, cy2v, _fullf(0.0)))))))
        rec[...] = rvec
        pltpu.sync_copy(rec, shared.at[tid])
        plsc.subcore_barrier()
        pltpu.sync_copy(shared, table)
        plsc.subcore_barrier()
        mvec = plsc.load_gather(table, [lanes, _fulli(0)])
        ivec = plsc.bitcast(plsc.load_gather(table, [lanes, _fulli(1)]),
                            jnp.int32)
        gm = jnp.max(mvec)
        alive = gm > _NEG
        widx = jnp.min(jnp.where(mvec == gm, ivec, _BIGI))
        wrow = _fulli(jnp.clip(widx // _CHUNK, 0, _NTILES - 1))
        wsv = plsc.load_gather(table, [wrow, _fulli(0)])
        wx1 = plsc.load_gather(table, [wrow, _fulli(2)])
        wy1 = plsc.load_gather(table, [wrow, _fulli(3)])
        wx2 = plsc.load_gather(table, [wrow, _fulli(4)])
        wy2 = plsc.load_gather(table, [wrow, _fulli(5)])
        warea = jnp.maximum(wx2 - wx1, 0.0) * jnp.maximum(wy2 - wy1, 0.0)
        mxiou = _fullf(0.0)
        for j in range(_KSLICE - 1):
            s = pl.ds(j * _L, _L)
            xx1 = jnp.maximum(kx1[s], wx1)
            yy1 = jnp.maximum(ky1[s], wy1)
            xx2 = jnp.minimum(kx2[s], wx2)
            yy2 = jnp.minimum(ky2[s], wy2)
            inter = jnp.maximum(xx2 - xx1, 0.0) * jnp.maximum(yy2 - yy1, 0.0)
            iou = inter / (ka[s] + warea - inter + 1e-9)
            mxiou = jnp.maximum(mxiou, iou)
        keep = jnp.logical_and(alive, jnp.max(mxiou) <= _IOU_T)

        kf = jnp.where(keep, _fullf(1.0), _fullf(0.0))
        for j in range(_KSLICE):
            s2 = pl.ds(j * _L, _L)
            lpred = (lanes + j * _L) == nk
            pad_ref[s2] = jnp.where(lpred, kf, pad_ref[s2])

        for j in range(_KSLICE - 1):
            s = pl.ds(j * _L, _L)
            apred = jnp.logical_and(lanes + j * _L == nk, keep)
            kx1[s] = jnp.where(apred, wx1, kx1[s])
            ky1[s] = jnp.where(apred, wy1, ky1[s])
            kx2[s] = jnp.where(apred, wx2, kx2[s])
            ky2[s] = jnp.where(apred, wy2, ky2[s])
            ks[s] = jnp.where(apred, wsv, ks[s])
            ka[s] = jnp.where(apred, warea, ka[s])

        return (nk + keep.astype(jnp.int32), alive, gm, widx)

    lax.while_loop(
        lambda c: jnp.logical_and(c[0] < _MAX_OUT, c[1]),
        body, (jnp.int32(0), jnp.bool_(True), jnp.float32(jnp.inf),
               jnp.int32(-1)))

    @pl.when(jnp.logical_and(cid == 0, tid == 0))
    def _():
        pltpu.sync_copy(kx1, o1)
        pltpu.sync_copy(ky1, o2)
        pltpu.sync_copy(kx2, o3)
        pltpu.sync_copy(ky2, o4)
        pltpu.sync_copy(ks, o5)


@jax.jit
def kernel(boxes, scores):
    pad = _NPAD - _N
    x1 = jnp.pad(boxes[:, 0], (0, pad))
    y1 = jnp.pad(boxes[:, 1], (0, pad))
    x2 = jnp.pad(boxes[:, 2], (0, pad))
    y2 = jnp.pad(boxes[:, 3], (0, pad))
    sc = jnp.pad(scores, (0, pad), constant_values=_NEG)
    mesh = plsc.VectorSubcoreMesh(core_axis_name="c", subcore_axis_name="s")
    f128 = jax.ShapeDtypeStruct((128,), jnp.float32)
    run = pl.kernel(
        _sc_body, mesh=mesh,
        compiler_params=pltpu.CompilerParams(needs_layout_passes=False),
        out_type=(f128, f128, f128, f128, f128),
        scratch_types=[
            pltpu.VMEM((_CHUNK,), jnp.float32),
            pltpu.VMEM((_CHUNK,), jnp.float32),
            pltpu.VMEM((_CHUNK,), jnp.float32),
            pltpu.VMEM((_CHUNK,), jnp.float32),
            pltpu.VMEM((_CHUNK,), jnp.float32),
            pltpu.VMEM((128,), jnp.float32),
            pltpu.VMEM((128,), jnp.float32),
            pltpu.VMEM((128,), jnp.float32),
            pltpu.VMEM((128,), jnp.float32),
            pltpu.VMEM((128,), jnp.float32),
            pltpu.VMEM((128,), jnp.float32),
            pltpu.VMEM((_L,), jnp.float32),
            pltpu.VMEM((_NTILES, _L), jnp.float32),
            pltpu.VMEM_SHARED((_NTILES, _L), jnp.float32),
            pltpu.VMEM((128,), jnp.float32),
        ],
    )
    r1, r2, r3, r4, r5 = run(x1, y1, x2, y2, sc)
    res = jnp.stack([r1, r2, r3, r4, r5], axis=1)
    return res[:_MAX_OUT, :]

# --- scband reference (transcript-rebuilt; emitter-appended) ---
"""Pipeline reference for scband-clip-matcher-56367150793379 (READ-ONLY COPY).

The authoritative reference and input builder live on the scoring server;
editing this copy changes nothing except your own understanding.
"""

import jax, jax.numpy as jnp
import numpy as np

IOU_THRESHOLD = 0.5
MAX_OUT = 100
N = 20000


def setup_inputs(seed: int = 0) -> dict:
    key = jax.random.key(seed)
    k1, k2, k3 = jax.random.split(key, 3)
    xy = jax.random.uniform(k1, (N, 2), dtype=jnp.float32) * 960.0
    wh = jax.random.uniform(k2, (N, 2), dtype=jnp.float32) * 96.0 + 4.0
    boxes = jnp.concatenate([xy, xy + wh], axis=1)
    scores = jax.random.uniform(k3, (N,), dtype=jnp.float32)
    return {"boxes": boxes, "scores": scores}


def _nms_indices(boxes, scores):
    # score-sorted greedy NMS (torchvision.ops.nms semantics), jit-friendly
    order = jnp.argsort(-scores).astype(jnp.int32)
    b = boxes[order]
    areas = jnp.maximum(b[:, 2] - b[:, 0], 0.0) * jnp.maximum(b[:, 3] - b[:, 1], 0.0)

    def body(i, carry):
        suppressed, sel, valid = carry
        cand = jnp.argmax(jnp.logical_not(suppressed)).astype(jnp.int32)
        is_valid = jnp.logical_not(suppressed[cand])
        ref = b[cand]
        xx1 = jnp.maximum(ref[0], b[:, 0])
        yy1 = jnp.maximum(ref[1], b[:, 1])
        xx2 = jnp.minimum(ref[2], b[:, 2])
        yy2 = jnp.minimum(ref[3], b[:, 3])
        inter = jnp.maximum(xx2 - xx1, 0.0) * jnp.maximum(yy2 - yy1, 0.0)
        iou = inter / (areas[cand] + areas - inter + 1e-9)
        new_supp = jnp.logical_or(suppressed, iou > IOU_THRESHOLD)
        new_supp = new_supp.at[cand].set(True)
        suppressed = jnp.where(is_valid, new_supp, suppressed)
        sel = sel.at[i].set(jnp.where(is_valid, order[cand], jnp.int32(0)))
        valid = valid.at[i].set(is_valid)
        return (suppressed, sel, valid)

    n = b.shape[0]
    suppressed0 = jnp.zeros((n,), dtype=bool)
    sel0 = jnp.zeros((MAX_OUT,), dtype=jnp.int32)
    valid0 = jnp.zeros((MAX_OUT,), dtype=bool)
    suppressed, sel, valid = jax.lax.fori_loop(0, MAX_OUT, body, (suppressed0, sel0, valid0))
    return sel, valid


def reference(boxes, scores):
    sel, valid = _nms_indices(boxes, scores)
    out_boxes = jnp.take(boxes, sel, axis=0)
    out_scores = jnp.take(scores, sel, axis=0)
    out = jnp.concatenate([out_boxes, out_scores[:, None]], axis=1)
    out = jnp.where(valid[:, None], out, 0.0)
    return out

if __name__ == "__main__":
    import jax
    _d = setup_inputs()
    print(jax.jit(kernel)(*tuple(_d.values())))

</pallas_src>

<mosaic_0001>
#map = affine_map<(d0, d1) -> (0)>
module attributes {stable_mosaic.version = 14 : i64} {
  func.func @_sc_body(%arg0: i32, %arg1: i32, %arg2: memref<20480xf32, #tpu.memory_space<hbm>>, %arg3: memref<20480xf32, #tpu.memory_space<hbm>>, %arg4: memref<20480xf32, #tpu.memory_space<hbm>>, %arg5: memref<20480xf32, #tpu.memory_space<hbm>>, %arg6: memref<20480xf32, #tpu.memory_space<hbm>>, %arg7: memref<128xf32, #tpu.memory_space<hbm>>, %arg8: memref<128xf32, #tpu.memory_space<hbm>>, %arg9: memref<128xf32, #tpu.memory_space<hbm>>, %arg10: memref<128xf32, #tpu.memory_space<hbm>>, %arg11: memref<128xf32, #tpu.memory_space<hbm>>, %arg12: memref<1280xf32, #tpu.memory_space<vmem>>, %arg13: memref<1280xf32, #tpu.memory_space<vmem>>, %arg14: memref<1280xf32, #tpu.memory_space<vmem>>, %arg15: memref<1280xf32, #tpu.memory_space<vmem>>, %arg16: memref<1280xf32, #tpu.memory_space<vmem>>, %arg17: memref<128xf32, #tpu.memory_space<vmem>>, %arg18: memref<128xf32, #tpu.memory_space<vmem>>, %arg19: memref<128xf32, #tpu.memory_space<vmem>>, %arg20: memref<128xf32, #tpu.memory_space<vmem>>, %arg21: memref<128xf32, #tpu.memory_space<vmem>>, %arg22: memref<128xf32, #tpu.memory_space<vmem>>, %arg23: memref<16xf32, #tpu.memory_space<vmem>>, %arg24: memref<16x16xf32, #tpu.memory_space<vmem>>, %arg25: memref<16x16xf32, #tpu.memory_space<vmem_shared>>, %arg26: memref<128xf32, #tpu.memory_space<vmem>>) attributes {dimension_semantics = [#tpu.dimension_semantics<core_parallel>, #tpu.dimension_semantics<subcore_parallel>], iteration_bounds = array<i64: 2, 16>, scalar_prefetch = 0 : i64, scratch_operands = 15 : i64, tpu.core_type = #tpu.core_type<sc_vector_subcore>, window_params = [{transform_indices = #map}, {transform_indices = #map}, {transform_indices = #map}, {transform_indices = #map}, {transform_indices = #map}, {transform_indices = #map}, {transform_indices = #map}, {transform_indices = #map}, {transform_indices = #map}, {transform_indices = #map}]} {
    %mul3A = arith.constant 1280 : i32
    %mul3A_0 = arith.muli %arg1, %mul3A : i32
    %iota3A = tpu.iota {dimensions = array<i32: 0>} : vector<16xi32>
    "tpu.region"() ({
      %run_scoped3A = tpu.sem_alloc : memref<!tpu.dma_semaphore, #tpu.memory_space<semaphore_mem>>
      %dma_start3A = tpu.memref_slice %arg2[%mul3A_0] : memref<20480xf32, #tpu.memory_space<hbm>> -> memref<1280xf32, #tpu.memory_space<hbm>>
      %dma_start3A_105 = tpu.memref_slice %arg2[%mul3A_0] : memref<20480xf32, #tpu.memory_space<hbm>> -> memref<1280xf32, #tpu.memory_space<hbm>>
      tpu.enqueue_dma source(%dma_start3A_105 : memref<1280xf32, #tpu.memory_space<hbm>>) target(%arg12 : memref<1280xf32, #tpu.memory_space<vmem>>) target_semaphore(%run_scoped3A : memref<!tpu.dma_semaphore, #tpu.memory_space<semaphore_mem>>)
      %dma_wait3A = tpu.memref_slice %arg2[%mul3A_0] : memref<20480xf32, #tpu.memory_space<hbm>> -> memref<1280xf32, #tpu.memory_space<hbm>>
      %dma_wait3A_106 = tpu.memref_slice %arg2[%mul3A_0] : memref<20480xf32, #tpu.memory_space<hbm>> -> memref<1280xf32, #tpu.memory_space<hbm>>
      tpu.wait_dma2 semaphore(%run_scoped3A : memref<!tpu.dma_semaphore, #tpu.memory_space<semaphore_mem>>) src(%dma_wait3A_106 : memref<1280xf32, #tpu.memory_space<hbm>>) dst(%arg12 : memref<1280xf32, #tpu.memory_space<vmem>>)
      tpu.yield
    }) : () -> ()
    "tpu.region"() ({
      %run_scoped3A = tpu.sem_alloc : memref<!tpu.dma_semaphore, #tpu.memory_space<semaphore_mem>>
      %dma_start3A = tpu.memref_slice %arg3[%mul3A_0] : memref<20480xf32, #tpu.memory_space<hbm>> -> memref<1280xf32, #tpu.memory_space<hbm>>
      %dma_start3A_105 = tpu.memref_slice %arg3[%mul3A_0] : memref<20480xf32, #tpu.memory_space<hbm>> -> memref<1280xf32, #tpu.memory_space<hbm>>
      tpu.enqueue_dma source(%dma_start3A_105 : memref<1280xf32, #tpu.memory_space<hbm>>) target(%arg13 : memref<1280xf32, #tpu.memory_space<vmem>>) target_semaphore(%run_scoped3A : memref<!tpu.dma_semaphore, #tpu.memory_space<semaphore_mem>>)
      %dma_wait3A = tpu.memref_slice %arg3[%mul3A_0] : memref<20480xf32, #tpu.memory_space<hbm>> -> memref<1280xf32, #tpu.memory_space<hbm>>
      %dma_wait3A_106 = tpu.memref_slice %arg3[%mul3A_0] : memref<20480xf32, #tpu.memory_space<hbm>> -> memref<1280xf32, #tpu.memory_space<hbm>>
      tpu.wait_dma2 semaphore(%run_scoped3A : memref<!tpu.dma_semaphore, #tpu.memory_space<semaphore_mem>>) src(%dma_wait3A_106 : memref<1280xf32, #tpu.memory_space<hbm>>) dst(%arg13 : memref<1280xf32, #tpu.memory_space<vmem>>)
      tpu.yield
    }) : () -> ()
    "tpu.region"() ({
      %run_scoped3A = tpu.sem_alloc : memref<!tpu.dma_semaphore, #tpu.memory_space<semaphore_mem>>
      %dma_start3A = tpu.memref_slice %arg4[%mul3A_0] : memref<20480xf32, #tpu.memory_space<hbm>> -> memref<1280xf32, #tpu.memory_space<hbm>>
      %dma_start3A_105 = tpu.memref_slice %arg4[%mul3A_0] : memref<20480xf32, #tpu.memory_space<hbm>> -> memref<1280xf32, #tpu.memory_space<hbm>>
      tpu.enqueue_dma source(%dma_start3A_105 : memref<1280xf32, #tpu.memory_space<hbm>>) target(%arg14 : memref<1280xf32, #tpu.memory_space<vmem>>) target_semaphore(%run_scoped3A : memref<!tpu.dma_semaphore, #tpu.memory_space<semaphore_mem>>)
      %dma_wait3A = tpu.memref_slice %arg4[%mul3A_0] : memref<20480xf32, #tpu.memory_space<hbm>> -> memref<1280xf32, #tpu.memory_space<hbm>>
      %dma_wait3A_106 = tpu.memref_slice %arg4[%mul3A_0] : memref<20480xf32, #tpu.memory_space<hbm>> -> memref<1280xf32, #tpu.memory_space<hbm>>
      tpu.wait_dma2 semaphore(%run_scoped3A : memref<!tpu.dma_semaphore, #tpu.memory_space<semaphore_mem>>) src(%dma_wait3A_106 : memref<1280xf32, #tpu.memory_space<hbm>>) dst(%arg14 : memref<1280xf32, #tpu.memory_space<vmem>>)
      tpu.yield
    }) : () -> ()
    "tpu.region"() ({
      %run_scoped3A = tpu.sem_alloc : memref<!tpu.dma_semaphore, #tpu.memory_space<semaphore_mem>>
      %dma_start3A = tpu.memref_slice %arg5[%mul3A_0] : memref<20480xf32, #tpu.memory_space<hbm>> -> memref<1280xf32, #tpu.memory_space<hbm>>
      %dma_start3A_105 = tpu.memref_slice %arg5[%mul3A_0] : memref<20480xf32, #tpu.memory_space<hbm>> -> memref<1280xf32, #tpu.memory_space<hbm>>
      tpu.enqueue_dma source(%dma_start3A_105 : memref<1280xf32, #tpu.memory_space<hbm>>) target(%arg15 : memref<1280xf32, #tpu.memory_space<vmem>>) target_semaphore(%run_scoped3A : memref<!tpu.dma_semaphore, #tpu.memory_space<semaphore_mem>>)
      %dma_wait3A = tpu.memref_slice %arg5[%mul3A_0] : memref<20480xf32, #tpu.memory_space<hbm>> -> memref<1280xf32, #tpu.memory_space<hbm>>
      %dma_wait3A_106 = tpu.memref_slice %arg5[%mul3A_0] : memref<20480xf32, #tpu.memory_space<hbm>> -> memref<1280xf32, #tpu.memory_space<hbm>>
      tpu.wait_dma2 semaphore(%run_scoped3A : memref<!tpu.dma_semaphore, #tpu.memory_space<semaphore_mem>>) src(%dma_wait3A_106 : memref<1280xf32, #tpu.memory_space<hbm>>) dst(%arg15 : memref<1280xf32, #tpu.memory_space<vmem>>)
      tpu.yield
    }) : () -> ()
    "tpu.region"() ({
      %run_scoped3A = tpu.sem_alloc : memref<!tpu.dma_semaphore, #tpu.memory_space<semaphore_mem>>
      %dma_start3A = tpu.memref_slice %arg6[%mul3A_0] : memref<20480xf32, #tpu.memory_space<hbm>> -> memref<1280xf32, #tpu.memory_space<hbm>>
      %dma_start3A_105 = tpu.memref_slice %arg6[%mul3A_0] : memref<20480xf32, #tpu.memory_space<hbm>> -> memref<1280xf32, #tpu.memory_space<hbm>>
      tpu.enqueue_dma source(%dma_start3A_105 : memref<1280xf32, #tpu.memory_space<hbm>>) target(%arg16 : memref<1280xf32, #tpu.memory_space<vmem>>) target_semaphore(%run_scoped3A : memref<!tpu.dma_semaphore, #tpu.memory_space<semaphore_mem>>)
      %dma_wait3A = tpu.memref_slice %arg6[%mul3A_0] : memref<20480xf32, #tpu.memory_space<hbm>> -> memref<1280xf32, #tpu.memory_space<hbm>>
      %dma_wait3A_106 = tpu.memref_slice %arg6[%mul3A_0] : memref<20480xf32, #tpu.memory_space<hbm>> -> memref<1280xf32, #tpu.memory_space<hbm>>
      tpu.wait_dma2 semaphore(%run_scoped3A : memref<!tpu.dma_semaphore, #tpu.memory_space<semaphore_mem>>) src(%dma_wait3A_106 : memref<1280xf32, #tpu.memory_space<hbm>>) dst(%arg16 : memref<1280xf32, #tpu.memory_space<vmem>>)
      tpu.yield
    }) : () -> ()
    %broadcast_in_dim3A = arith.constant 0.000000e+00 : f32
    %broadcast_in_dim3A_1 = vector.broadcast %broadcast_in_dim3A : f32 to vector<16xf32>
    %swap3A = arith.constant 0 : index
    %swap3A_2 = tpu.vector_load %arg17[%swap3A] {strides = array<i32>} : memref<128xf32, #tpu.memory_space<vmem>>, vector<16xf32>,
    tpu.vector_store %arg17[%swap3A], %broadcast_in_dim3A_1 {strides = array<i32>} : memref<128xf32, #tpu.memory_space<vmem>>, vector<16xf32>,
    %swap3A_3 = arith.constant 0 : index
    %swap3A_4 = tpu.vector_load %arg18[%swap3A_3] {strides = array<i32>} : memref<128xf32, #tpu.memory_space<vmem>>, vector<16xf32>,
    tpu.vector_store %arg18[%swap3A_3], %broadcast_in_dim3A_1 {strides = array<i32>} : memref<128xf32, #tpu.memory_space<vmem>>, vector<16xf32>,
    %swap3A_5 = arith.constant 0 : index
    %swap3A_6 = tpu.vector_load %arg19[%swap3A_5] {strides = array<i32>} : memref<128xf32, #tpu.memory_space<vmem>>, vector<16xf32>,
    tpu.vector_store %arg19[%swap3A_5], %broadcast_in_dim3A_1 {strides = array<i32>} : memref<128xf32, #tpu.memory_space<vmem>>, vector<16xf32>,
    %swap3A_7 = arith.constant 0 : index
    %swap3A_8 = tpu.vector_load %arg20[%swap3A_7] {strides = array<i32>} : memref<128xf32, #tpu.memory_space<vmem>>, vector<16xf32>,
    tpu.vector_store %arg20[%swap3A_7], %broadcast_in_dim3A_1 {strides = array<i32>} : memref<128xf32, #tpu.memory_space<vmem>>, vector<16xf32>,
    %swap3A_9 = arith.constant 0 : index
    %swap3A_10 = tpu.vector_load %arg21[%swap3A_9] {strides = array<i32>} : memref<128xf32, #tpu.memory_space<vmem>>, vector<16xf32>,
    tpu.vector_store %arg21[%swap3A_9], %broadcast_in_dim3A_1 {strides = array<i32>} : memref<128xf32, #tpu.memory_space<vmem>>, vector<16xf32>,
    %swap3A_11 = arith.constant 0 : index
    %swap3A_12 = tpu.vector_load %arg22[%swap3A_11] {strides = array<i32>} : memref<128xf32, #tpu.memory_space<vmem>>, vector<16xf32>,
    tpu.vector_store %arg22[%swap3A_11], %broadcast_in_dim3A_1 {strides = array<i32>} : memref<128xf32, #tpu.memory_space<vmem>>, vector<16xf32>,
    %swap3A_13 = arith.constant 16 : index
    %swap3A_14 = tpu.vector_load %arg17[%swap3A_13] {strides = array<i32>} : memref<128xf32, #tpu.memory_space<vmem>>, vector<16xf32>,
    tpu.vector_store %arg17[%swap3A_13], %broadcast_in_dim3A_1 {strides = array<i32>} : memref<128xf32, #tpu.memory_space<vmem>>, vector<16xf32>,
    %swap3A_15 = arith.constant 16 : index
    %swap3A_16 = tpu.vector_load %arg18[%swap3A_15] {strides = array<i32>} : memref<128xf32, #tpu.memory_space<vmem>>, vector<16xf32>,
    tpu.vector_store %arg18[%swap3A_15], %broadcast_in_dim3A_1 {strides = array<i32>} : memref<128xf32, #tpu.memory_space<vmem>>, vector<16xf32>,
    %swap3A_17 = arith.constant 16 : index
    %swap3A_18 = tpu.vector_load %arg19[%swap3A_17] {strides = array<i32>} : memref<128xf32, #tpu.memory_space<vmem>>, vector<16xf32>,
    tpu.vector_store %arg19[%swap3A_17], %broadcast_in_dim3A_1 {strides = array<i32>} : memref<128xf32, #tpu.memory_space<vmem>>, vector<16xf32>,
    %swap3A_19 = arith.constant 16 : index
    %swap3A_20 = tpu.vector_load %arg20[%swap3A_19] {strides = array<i32>} : memref<128xf32, #tpu.memory_space<vmem>>, vector<16xf32>,
    tpu.vector_store %arg20[%swap3A_19], %broadcast_in_dim3A_1 {strides = array<i32>} : memref<128xf32, #tpu.memory_space<vmem>>, vector<16xf32>,
    %swap3A_21 = arith.constant 16 : index
    %swap3A_22 = tpu.vector_load %arg21[%swap3A_21] {strides = array<i32>} : memref<128xf32, #tpu.memory_space<vmem>>, vector<16xf32>,
    tpu.vector_store %arg21[%swap3A_21], %broadcast_in_dim3A_1 {strides = array<i32>} : memref<128xf32, #tpu.memory_space<vmem>>, vector<16xf32>,
    %swap3A_23 = arith.constant 16 : index
    %swap3A_24 = tpu.vector_load %arg22[%swap3A_23] {strides = array<i32>} : memref<128xf32, #tpu.memory_space<vmem>>, vector<16xf32>,
    tpu.vector_store %arg22[%swap3A_23], %broadcast_in_dim3A_1 {strides = array<i32>} : memref<128xf32, #tpu.memory_space<vmem>>, vector<16xf32>,
    %swap3A_25 = arith.constant 32 : index
    %swap3A_26 = tpu.vector_load %arg17[%swap3A_25] {strides = array<i32>} : memref<128xf32, #tpu.memory_space<vmem>>, vector<16xf32>,
    tpu.vector_store %arg17[%swap3A_25], %broadcast_in_dim3A_1 {strides = array<i32>} : memref<128xf32, #tpu.memory_space<vmem>>, vector<16xf32>,
    %swap3A_27 = arith.constant 32 : index
    %swap3A_28 = tpu.vector_load %arg18[%swap3A_27] {strides = array<i32>} : memref<128xf32, #tpu.memory_space<vmem>>, vector<16xf32>,
    tpu.vector_store %arg18[%swap3A_27], %broadcast_in_dim3A_1 {strides = array<i32>} : memref<128xf32, #tpu.memory_space<vmem>>, vector<16xf32>,
    %swap3A_29 = arith.constant 32 : index
    %swap3A_30 = tpu.vector_load %arg19[%swap3A_29] {strides = array<i32>} : memref<128xf32, #tpu.memory_space<vmem>>, vector<16xf32>,
    tpu.vector_store %arg19[%swap3A_29], %broadcast_in_dim3A_1 {strides = array<i32>} : memref<128xf32, #tpu.memory_space<vmem>>, vector<16xf32>,
    %swap3A_31 = arith.constant 32 : index
    %swap3A_32 = tpu.vector_load %arg20[%swap3A_31] {strides = array<i32>} : memref<128xf32, #tpu.memory_space<vmem>>, vector<16xf32>,
    tpu.vector_store %arg20[%swap3A_31], %broadcast_in_dim3A_1 {strides = array<i32>} : memref<128xf32, #tpu.memory_space<vmem>>, vector<16xf32>,
    %swap3A_33 = arith.constant 32 : index
    %swap3A_34 = tpu.vector_load %arg21[%swap3A_33] {strides = array<i32>} : memref<128xf32, #tpu.memory_space<vmem>>, vector<16xf32>,
    tpu.vector_store %arg21[%swap3A_33], %broadcast_in_dim3A_1 {strides = array<i32>} : memref<128xf32, #tpu.memory_space<vmem>>, vector<16xf32>,
    %swap3A_35 = arith.constant 32 : index
    %swap3A_36 = tpu.vector_load %arg22[%swap3A_35] {strides = array<i32>} : memref<128xf32, #tpu.memory_space<vmem>>, vector<16xf32>,
    tpu.vector_store %arg22[%swap3A_35], %broadcast_in_dim3A_1 {strides = array<i32>} : memref<128xf32, #tpu.memory_space<vmem>>, vector<16xf32>,
    %swap3A_37 = arith.constant 48 : index
    %swap3A_38 = tpu.vector_load %arg17[%swap3A_37] {strides = array<i32>} : memref<128xf32, #tpu.memory_space<vmem>>, vector<16xf32>,
    tpu.vector_store %arg17[%swap3A_37], %broadcast_in_dim3A_1 {strides = array<i32>} : memref<128xf32, #tpu.memory_space<vmem>>, vector<16xf32>,
    %swap3A_39 = arith.constant 48 : index
    %swap3A_40 = tpu.vector_load %arg18[%swap3A_39] {strides = array<i32>} : memref<128xf32, #tpu.memory_space<vmem>>, vector<16xf32>,
    tpu.vector_store %arg18[%swap3A_39], %broadcast_in_dim3A_1 {strides = array<i32>} : memref<128xf32, #tpu.memory_space<vmem>>, vector<16xf32>,
    %swap3A_41 = arith.constant 48 : index
    %swap3A_42 = tpu.vector_load %arg19[%swap3A_41] {strides = array<i32>} : memref<128xf32, #tpu.memory_space<vmem>>, vector<16xf32>,
    tpu.vector_store %arg19[%swap3A_41], %broadcast_in_dim3A_1 {strides = array<i32>} : memref<128xf32, #tpu.memory_space<vmem>>, vector<16xf32>,
    %swap3A_43 = arith.constant 48 : index
    %swap3A_44 = tpu.vector_load %arg20[%swap3A_43] {strides = array<i32>} : memref<128xf32, #tpu.memory_space<vmem>>, vector<16xf32>,
    tpu.vector_store %arg20[%swap3A_43], %broadcast_in_dim3A_1 {strides = array<i32>} : memref<128xf32, #tpu.memory_space<vmem>>, vector<16xf32>,
    %swap3A_45 = arith.constant 48 : index
    %swap3A_46 = tpu.vector_load %arg21[%swap3A_45] {strides = array<i32>} : memref<128xf32, #tpu.memory_space<vmem>>, vector<16xf32>,
    tpu.vector_store %arg21[%swap3A_45], %broadcast_in_dim3A_1 {strides = array<i32>} : memref<128xf32, #tpu.memory_space<vmem>>, vector<16xf32>,
    %swap3A_47 = arith.constant 48 : index
    %swap3A_48 = tpu.vector_load %arg22[%swap3A_47] {strides = array<i32>} : memref<128xf32, #tpu.memory_space<vmem>>, vector<16xf32>,
    tpu.vector_store %arg22[%swap3A_47], %broadcast_in_dim3A_1 {strides = array<i32>} : memref<128xf32, #tpu.memory_space<vmem>>, vector<16xf32>,
    %swap3A_49 = arith.constant 64 : index
    %swap3A_50 = tpu.vector_load %arg17[%swap3A_49] {strides = array<i32>} : memref<128xf32, #tpu.memory_space<vmem>>, vector<16xf32>,
    tpu.vector_store %arg17[%swap3A_49], %broadcast_in_dim3A_1 {strides = array<i32>} : memref<128xf32, #tpu.memory_space<vmem>>, vector<16xf32>,
    %swap3A_51 = arith.constant 64 : index
    %swap3A_52 = tpu.vector_load %arg18[%swap3A_51] {strides = array<i32>} : memref<128xf32, #tpu.memory_space<vmem>>, vector<16xf32>,
    tpu.vector_store %arg18[%swap3A_51], %broadcast_in_dim3A_1 {strides = array<i32>} : memref<128xf32, #tpu.memory_space<vmem>>, vector<16xf32>,
    %swap3A_53 = arith.constant 64 : index
    %swap3A_54 = tpu.vector_load %arg19[%swap3A_53] {strides = array<i32>} : memref<128xf32, #tpu.memory_space<vmem>>, vector<16xf32>,
    tpu.vector_store %arg19[%swap3A_53], %broadcast_in_dim3A_1 {strides = array<i32>} : memref<128xf32, #tpu.memory_space<vmem>>, vector<16xf32>,
    %swap3A_55 = arith.constant 64 : index
    %swap3A_56 = tpu.vector_load %arg20[%swap3A_55] {strides = array<i32>} : memref<128xf32, #tpu.memory_space<vmem>>, vector<16xf32>,
    tpu.vector_store %arg20[%swap3A_55], %broadcast_in_dim3A_1 {strides = array<i32>} : memref<128xf32, #tpu.memory_space<vmem>>, vector<16xf32>,
    %swap3A_57 = arith.constant 64 : index
    %swap3A_58 = tpu.vector_load %arg21[%swap3A_57] {strides = array<i32>} : memref<128xf32, #tpu.memory_space<vmem>>, vector<16xf32>,
    tpu.vector_store %arg21[%swap3A_57], %broadcast_in_dim3A_1 {strides = array<i32>} : memref<128xf32, #tpu.memory_space<vmem>>, vector<16xf32>,
    %swap3A_59 = arith.constant 64 : index
    %swap3A_60 = tpu.vector_load %arg22[%swap3A_59] {strides = array<i32>} : memref<128xf32, #tpu.memory_space<vmem>>, vector<16xf32>,
    tpu.vector_store %arg22[%swap3A_59], %broadcast_in_dim3A_1 {strides = array<i32>} : memref<128xf32, #tpu.memory_space<vmem>>, vector<16xf32>,
    %swap3A_61 = arith.constant 80 : index
    %swap3A_62 = tpu.vector_load %arg17[%swap3A_61] {strides = array<i32>} : memref<128xf32, #tpu.memory_space<vmem>>, vector<16xf32>,
    tpu.vector_store %arg17[%swap3A_61], %broadcast_in_dim3A_1 {strides = array<i32>} : memref<128xf32, #tpu.memory_space<vmem>>, vector<16xf32>,
    %swap3A_63 = arith.constant 80 : index
    %swap3A_64 = tpu.vector_load %arg18[%swap3A_63] {strides = array<i32>} : memref<128xf32, #tpu.memory_space<vmem>>, vector<16xf32>,
    tpu.vector_store %arg18[%swap3A_63], %broadcast_in_dim3A_1 {strides = array<i32>} : memref<128xf32, #tpu.memory_space<vmem>>, vector<16xf32>,
    %swap3A_65 = arith.constant 80 : index
    %swap3A_66 = tpu.vector_load %arg19[%swap3A_65] {strides = array<i32>} : memref<128xf32, #tpu.memory_space<vmem>>, vector<16xf32>,
    tpu.vector_store %arg19[%swap3A_65], %broadcast_in_dim3A_1 {strides = array<i32>} : memref<128xf32, #tpu.memory_space<vmem>>, vector<16xf32>,
    %swap3A_67 = arith.constant 80 : index
    %swap3A_68 = tpu.vector_load %arg20[%swap3A_67] {strides = array<i32>} : memref<128xf32, #tpu.memory_space<vmem>>, vector<16xf32>,
    tpu.vector_store %arg20[%swap3A_67], %broadcast_in_dim3A_1 {strides = array<i32>} : memref<128xf32, #tpu.memory_space<vmem>>, vector<16xf32>,
    %swap3A_69 = arith.constant 80 : index
    %swap3A_70 = tpu.vector_load %arg21[%swap3A_69] {strides = array<i32>} : memref<128xf32, #tpu.memory_space<vmem>>, vector<16xf32>,
    tpu.vector_store %arg21[%swap3A_69], %broadcast_in_dim3A_1 {strides = array<i32>} : memref<128xf32, #tpu.memory_space<vmem>>, vector<16xf32>,
    %swap3A_71 = arith.constant 80 : index
    %swap3A_72 = tpu.vector_load %arg22[%swap3A_71] {strides = array<i32>} : memref<128xf32, #tpu.memory_space<vmem>>, vector<16xf32>,
    tpu.vector_store %arg22[%swap3A_71], %broadcast_in_dim3A_1 {strides = array<i32>} : memref<128xf32, #tpu.memory_space<vmem>>, vector<16xf32>,
    %swap3A_73 = arith.constant 96 : index
    %swap3A_74 = tpu.vector_load %arg17[%swap3A_73] {strides = array<i32>} : memref<128xf32, #tpu.memory_space<vmem>>, vector<16xf32>,
    tpu.vector_store %arg17[%swap3A_73], %broadcast_in_dim3A_1 {strides = array<i32>} : memref<128xf32, #tpu.memory_space<vmem>>, vector<16xf32>,
    %swap3A_75 = arith.constant 96 : index
    %swap3A_76 = tpu.vector_load %arg18[%swap3A_75] {strides = array<i32>} : memref<128xf32, #tpu.memory_space<vmem>>, vector<16xf32>,
    tpu.vector_store %arg18[%swap3A_75], %broadcast_in_dim3A_1 {strides = array<i32>} : memref<128xf32, #tpu.memory_space<vmem>>, vector<16xf32>,
    %swap3A_77 = arith.constant 96 : index
    %swap3A_78 = tpu.vector_load %arg19[%swap3A_77] {strides = array<i32>} : memref<128xf32, #tpu.memory_space<vmem>>, vector<16xf32>,
    tpu.vector_store %arg19[%swap3A_77], %broadcast_in_dim3A_1 {strides = array<i32>} : memref<128xf32, #tpu.memory_space<vmem>>, vector<16xf32>,
    %swap3A_79 = arith.constant 96 : index
    %swap3A_80 = tpu.vector_load %arg20[%swap3A_79] {strides = array<i32>} : memref<128xf32, #tpu.memory_space<vmem>>, vector<16xf32>,
    tpu.vector_store %arg20[%swap3A_79], %broadcast_in_dim3A_1 {strides = array<i32>} : memref<128xf32, #tpu.memory_space<vmem>>, vector<16xf32>,
    %swap3A_81 = arith.constant 96 : index
    %swap3A_82 = tpu.vector_load %arg21[%swap3A_81] {strides = array<i32>} : memref<128xf32, #tpu.memory_space<vmem>>, vector<16xf32>,
    tpu.vector_store %arg21[%swap3A_81], %broadcast_in_dim3A_1 {strides = array<i32>} : memref<128xf32, #tpu.memory_space<vmem>>, vector<16xf32>,
    %swap3A_83 = arith.constant 96 : index
    %swap3A_84 = tpu.vector_load %arg22[%swap3A_83] {strides = array<i32>} : memref<128xf32, #tpu.memory_space<vmem>>, vector<16xf32>,
    tpu.vector_store %arg22[%swap3A_83], %broadcast_in_dim3A_1 {strides = array<i32>} : memref<128xf32, #tpu.memory_space<vmem>>, vector<16xf32>,
    %swap3A_85 = arith.constant 112 : index
    %swap3A_86 = tpu.vector_load %arg17[%swap3A_85] {strides = array<i32>} : memref<128xf32, #tpu.memory_space<vmem>>, vector<16xf32>,
    tpu.vector_store %arg17[%swap3A_85], %broadcast_in_dim3A_1 {strides = array<i32>} : memref<128xf32, #tpu.memory_space<vmem>>, vector<16xf32>,
    %swap3A_87 = arith.constant 112 : index
    %swap3A_88 = tpu.vector_load %arg18[%swap3A_87] {strides = array<i32>} : memref<128xf32, #tpu.memory_space<vmem>>, vector<16xf32>,
    tpu.vector_store %arg18[%swap3A_87], %broadcast_in_dim3A_1 {strides = array<i32>} : memref<128xf32, #tpu.memory_space<vmem>>, vector<16xf32>,
    %swap3A_89 = arith.constant 112 : index
    %swap3A_90 = tpu.vector_load %arg19[%swap3A_89] {strides = array<i32>} : memref<128xf32, #tpu.memory_space<vmem>>, vector<16xf32>,
    tpu.vector_store %arg19[%swap3A_89], %broadcast_in_dim3A_1 {strides = array<i32>} : memref<128xf32, #tpu.memory_space<vmem>>, vector<16xf32>,
    %swap3A_91 = arith.constant 112 : index
    %swap3A_92 = tpu.vector_load %arg20[%swap3A_91] {strides = array<i32>} : memref<128xf32, #tpu.memory_space<vmem>>, vector<16xf32>,
    tpu.vector_store %arg20[%swap3A_91], %broadcast_in_dim3A_1 {strides = array<i32>} : memref<128xf32, #tpu.memory_space<vmem>>, vector<16xf32>,
    %swap3A_93 = arith.constant 112 : index
    %swap3A_94 = tpu.vector_load %arg21[%swap3A_93] {strides = array<i32>} : memref<128xf32, #tpu.memory_space<vmem>>, vector<16xf32>,
    tpu.vector_store %arg21[%swap3A_93], %broadcast_in_dim3A_1 {strides = array<i32>} : memref<128xf32, #tpu.memory_space<vmem>>, vector<16xf32>,
    %swap3A_95 = arith.constant 112 : index
    %swap3A_96 = tpu.vector_load %arg22[%swap3A_95] {strides = array<i32>} : memref<128xf32, #tpu.memory_space<vmem>>, vector<16xf32>,
    tpu.vector_store %arg22[%swap3A_95], %broadcast_in_dim3A_1 {strides = array<i32>} : memref<128xf32, #tpu.memory_space<vmem>>, vector<16xf32>,
    %while3A = arith.constant 0 : i32
    %while3A_97 = arith.constant true
    %while3A_98 = arith.constant 0x7F800000 : f32
    %while3A_99 = arith.constant -1 : i32
    %while3A_100:4 = scf.while (%while3A_105 = %while3A, %while3A_106 = %while3A_97, %while3A_107 = %while3A_98, %while3A_108 = %while3A_99) : (i32, i1, f32, i32) -> (i32, i1, f32, i32) {
      %lt3A = arith.constant 100 : i32
      %lt3A_109 = arith.cmpi slt, %while3A_105, %lt3A : i32
      %and3A_110 = arith.andi %lt3A_109, %while3A_106 : i1
      scf.condition(%and3A_110) %while3A_105, %while3A_106, %while3A_107, %while3A_108 : i32, i1, f32, i32
    } do {
    ^bb0(%while3A_105: i32, %while3A_106: i1, %while3A_107: f32, %while3A_108: i32):
      %broadcast_in_dim3A_109 = arith.constant 0xFF800000 : f32
      %broadcast_in_dim3A_110 = vector.broadcast %broadcast_in_dim3A_109 : f32 to vector<16xf32>
      %broadcast_in_dim3A_111 = arith.constant 0 : i32
      %broadcast_in_dim3A_112 = vector.broadcast %broadcast_in_dim3A_111 : i32 to vector<16xi32>
      %get3A = arith.constant 0 : index
      %get3A_113 = tpu.vector_load %arg16[%get3A] {strides = array<i32>} : memref<1280xf32, #tpu.memory_space<vmem>>, vector<16xf32>,
      %add3A = arith.constant 0 : i32
      %add3A_114 = arith.addi %mul3A_0, %add3A : i32
      %add3A_115 = vector.broadcast %add3A_114 : i32 to vector<16xi32>
      %add3A_116 = arith.addi %iota3A, %add3A_115 : vector<16xi32>
      %lt3A = vector.broadcast %while3A_107 : f32 to vector<16xf32>
      %lt3A_117 = arith.cmpf olt, %get3A_113, %lt3A : vector<16xf32>
      %eq3A_118 = vector.broadcast %while3A_107 : f32 to vector<16xf32>
      %eq3A_119 = arith.cmpf oeq, %get3A_113, %eq3A_118 : vector<16xf32>
      %gt3A = vector.broadcast %while3A_108 : i32 to vector<16xi32>
      %gt3A_120 = arith.cmpi sgt, %add3A_116, %gt3A : vector<16xi32>
      %and3A_121 = arith.andi %eq3A_119, %gt3A_120 : vector<16xi1>
      %or3A = arith.ori %lt3A_117, %and3A_121 : vector<16xi1>
      %gt3A_122 = arith.cmpf ogt, %get3A_113, %broadcast_in_dim3A_110 : vector<16xf32>
      %and3A_123 = arith.andi %or3A, %gt3A_122 : vector<16xi1>
      %select_n3A = arith.select %and3A_123, %get3A_113, %broadcast_in_dim3A_110 : vector<16xi1>, vector<16xf32>
      %select_n3A_124 = arith.select %and3A_123, %add3A_116, %broadcast_in_dim3A_112 : vector<16xi1>, vector<16xi32>
      %get3A_125 = arith.constant 16 : index
      %get3A_126 = tpu.vector_load %arg16[%get3A_125] {strides = array<i32>} : memref<1280xf32, #tpu.memory_space<vmem>>, vector<16xf32>,
      %add3A_127 = arith.constant 16 : i32
      %add3A_128 = arith.addi %mul3A_0, %add3A_127 : i32
      %add3A_129 = vector.broadcast %add3A_128 : i32 to vector<16xi32>
      %add3A_130 = arith.addi %iota3A, %add3A_129 : vector<16xi32>
      %lt3A_131 = vector.broadcast %while3A_107 : f32 to vector<16xf32>
      %lt3A_132 = arith.cmpf olt, %get3A_126, %lt3A_131 : vector<16xf32>
      %eq3A_133 = vector.broadcast %while3A_107 : f32 to vector<16xf32>
      %eq3A_134 = arith.cmpf oeq, %get3A_126, %eq3A_133 : vector<16xf32>
      %gt3A_135 = vector.broadcast %while3A_108 : i32 to vector<16xi32>
      %gt3A_136 = arith.cmpi sgt, %add3A_130, %gt3A_135 : vector<16xi32>
      %and3A_137 = arith.andi %eq3A_134, %gt3A_136 : vector<16xi1>
      %or3A_138 = arith.ori %lt3A_132, %and3A_137 : vector<16xi1>
      %gt3A_139 = arith.cmpf ogt, %get3A_126, %select_n3A : vector<16xf32>
      %and3A_140 = arith.andi %or3A_138, %gt3A_139 : vector<16xi1>
      %select_n3A_141 = arith.select %and3A_140, %get3A_126, %select_n3A : vector<16xi1>, vector<16xf32>
      %select_n3A_142 = arith.select %and3A_140, %add3A_130, %select_n3A_124 : vector<16xi1>, vector<16xi32>
      %get3A_143 = arith.constant 32 : index
      %get3A_144 = tpu.vector_load %arg16[%get3A_143] {strides = array<i32>} : memref<1280xf32, #tpu.memory_space<vmem>>, vector<16xf32>,
      %add3A_145 = arith.constant 32 : i32
      %add3A_146 = arith.addi %mul3A_0, %add3A_145 : i32
      %add3A_147 = vector.broadcast %add3A_146 : i32 to vector<16xi32>
      %add3A_148 = arith.addi %iota3A, %add3A_147 : vector<16xi32>
      %lt3A_149 = vector.broadcast %while3A_107 : f32 to vector<16xf32>
      %lt3A_150 = arith.cmpf olt, %get3A_144, %lt3A_149 : vector<16xf32>
      %eq3A_151 = vector.broadcast %while3A_107 : f32 to vector<16xf32>
      %eq3A_152 = arith.cmpf oeq, %get3A_144, %eq3A_151 : vector<16xf32>
      %gt3A_153 = vector.broadcast %while3A_108 : i32 to vector<16xi32>
      %gt3A_154 = arith.cmpi sgt, %add3A_148, %gt3A_153 : vector<16xi32>
      %and3A_155 = arith.andi %eq3A_152, %gt3A_154 : vector<16xi1>
      %or3A_156 = arith.ori %lt3A_150, %and3A_155 : vector<16xi1>
      %gt3A_157 = arith.cmpf ogt, %get3A_144, %select_n3A_141 : vector<16xf32>
      %and3A_158 = arith.andi %or3A_156, %gt3A_157 : vector<16xi1>
      %select_n3A_159 = arith.select %and3A_158, %get3A_144, %select_n3A_141 : vector<16xi1>, vector<16xf32>
      %select_n3A_160 = arith.select %and3A_158, %add3A_148, %select_n3A_142 : vector<16xi1>, vector<16xi32>
      %get3A_161 = arith.constant 48 : index
      %get3A_162 = tpu.vector_load %arg16[%get3A_161] {strides = array<i32>} : memref<1280xf32, #tpu.memory_space<vmem>>, vector<16xf32>,
      %add3A_163 = arith.constant 48 : i32
      %add3A_164 = arith.addi %mul3A_0, %add3A_163 : i32
      %add3A_165 = vector.broadcast %add3A_164 : i32 to vector<16xi32>
      %add3A_166 = arith.addi %iota3A, %add3A_165 : vector<16xi32>
      %lt3A_167 = vector.broadcast %while3A_107 : f32 to vector<16xf32>
      %lt3A_168 = arith.cmpf olt, %get3A_162, %lt3A_167 : vector<16xf32>
      %eq3A_169 = vector.broadcast %while3A_107 : f32 to vector<16xf32>
      %eq3A_170 = arith.cmpf oeq, %get3A_162, %eq3A_169 : vector<16xf32>
      %gt3A_171 = vector.broadcast %while3A_108 : i32 to vector<16xi32>
      %gt3A_172 = arith.cmpi sgt, %add3A_166, %gt3A_171 : vector<16xi32>
      %and3A_173 = arith.andi %eq3A_170, %gt3A_172 : vector<16xi1>
      %or3A_174 = arith.ori %lt3A_168, %and3A_173 : vector<16xi1>
      %gt3A_175 = arith.cmpf ogt, %get3A_162, %select_n3A_159 : vector<16xf32>
      %and3A_176 = arith.andi %or3A_174, %gt3A_175 : vector<16xi1>
      %select_n3A_177 = arith.select %and3A_176, %get3A_162, %select_n3A_159 : vector<16xi1>, vector<16xf32>
      %select_n3A_178 = arith.select %and3A_176, %add3A_166, %select_n3A_160 : vector<16xi1>, vector<16xi32>
      %get3A_179 = arith.constant 64 : index
      %get3A_180 = tpu.vector_load %arg16[%get3A_179] {strides = array<i32>} : memref<1280xf32, #tpu.memory_space<vmem>>, vector<16xf32>,
      %add3A_181 = arith.constant 64 : i32
      %add3A_182 = arith.addi %mul3A_0, %add3A_181 : i32
      %add3A_183 = vector.broadcast %add3A_182 : i32 to vector<16xi32>
      %add3A_184 = arith.addi %iota3A, %add3A_183 : vector<16xi32>
      %lt3A_185 = vector.broadcast %while3A_107 : f32 to vector<16xf32>
      %lt3A_186 = arith.cmpf olt, %get3A_180, %lt3A_185 : vector<16xf32>
      %eq3A_187 = vector.broadcast %while3A_107 : f32 to vector<16xf32>
      %eq3A_188 = arith.cmpf oeq, %get3A_180, %eq3A_187 : vector<16xf32>
      %gt3A_189 = vector.broadcast %while3A_108 : i32 to vector<16xi32>
      %gt3A_190 = arith.cmpi sgt, %add3A_184, %gt3A_189 : vector<16xi32>
      %and3A_191 = arith.andi %eq3A_188, %gt3A_190 : vector<16xi1>
      %or3A_192 = arith.ori %lt3A_186, %and3A_191 : vector<16xi1>
      %gt3A_193 = arith.cmpf ogt, %get3A_180, %select_n3A_177 : vector<16xf32>
      %and3A_194 = arith.andi %or3A_192, %gt3A_193 : vector<16xi1>
      %select_n3A_195 = arith.select %and3A_194, %get3A_180, %select_n3A_177 : vector<16xi1>, vector<16xf32>
      %select_n3A_196 = arith.select %and3A_194, %add3A_184, %select_n3A_178 : vector<16xi1>, vector<16xi32>
      %get3A_197 = arith.constant 80 : index
      %get3A_198 = tpu.vector_load %arg16[%get3A_197] {strides = array<i32>} : memref<1280xf32, #tpu.memory_space<vmem>>, vector<16xf32>,
      %add3A_199 = arith.constant 80 : i32
      %add3A_200 = arith.addi %mul3A_0, %add3A_199 : i32
      %add3A_201 = vector.broadcast %add3A_200 : i32 to vector<16xi32>
      %add3A_202 = arith.addi %iota3A, %add3A_201 : vector<16xi32>
      %lt3A_203 = vector.broadcast %while3A_107 : f32 to vector<16xf32>
      %lt3A_204 = arith.cmpf olt, %get3A_198, %lt3A_203 : vector<16xf32>
      %eq3A_205 = vector.broadcast %while3A_107 : f32 to vector<16xf32>
      %eq3A_206 = arith.cmpf oeq, %get3A_198, %eq3A_205 : vector<16xf32>
      %gt3A_207 = vector.broadcast %while3A_108 : i32 to vector<16xi32>
      %gt3A_208 = arith.cmpi sgt, %add3A_202, %gt3A_207 : vector<16xi32>
      %and3A_209 = arith.andi %eq3A_206, %gt3A_208 : vector<16xi1>
      %or3A_210 = arith.ori %lt3A_204, %and3A_209 : vector<16xi1>
      %gt3A_211 = arith.cmpf ogt, %get3A_198, %select_n3A_195 : vector<16xf32>
      %and3A_212 = arith.andi %or3A_210, %gt3A_211 : vector<16xi1>
      %select_n3A_213 = arith.select %and3A_212, %get3A_198, %select_n3A_195 : vector<16xi1>, vector<16xf32>
      %select_n3A_214 = arith.select %and3A_212, %add3A_202, %select_n3A_196 : vector<16xi1>, vector<16xi32>
      %get3A_215 = arith.constant 96 : index
      %get3A_216 = tpu.vector_load %arg16[%get3A_215] {strides = array<i32>} : memref<1280xf32, #tpu.memory_space<vmem>>, vector<16xf32>,
      %add3A_217 = arith.constant 96 : i32
      %add3A_218 = arith.addi %mul3A_0, %add3A_217 : i32
      %add3A_219 = vector.broadcast %add3A_218 : i32 to vector<16xi32>
      %add3A_220 = arith.addi %iota3A, %add3A_219 : vector<16xi32>
      %lt3A_221 = vector.broadcast %while3A_107 : f32 to vector<16xf32>
      %lt3A_222 = arith.cmpf olt, %get3A_216, %lt3A_221 : vector<16xf32>
      %eq3A_223 = vector.broadcast %while3A_107 : f32 to vector<16xf32>
      %eq3A_224 = arith.cmpf oeq, %get3A_216, %eq3A_223 : vector<16xf32>
      %gt3A_225 = vector.broadcast %while3A_108 : i32 to vector<16xi32>
      %gt3A_226 = arith.cmpi sgt, %add3A_220, %gt3A_225 : vector<16xi32>
      %and3A_227 = arith.andi %eq3A_224, %gt3A_226 : vector<16xi1>
      %or3A_228 = arith.ori %lt3A_222, %and3A_227 : vector<16xi1>
      %gt3A_229 = arith.cmpf ogt, %get3A_216, %select_n3A_213 : vector<16xf32>
      %and3A_230 = arith.andi %or3A_228, %gt3A_229 : vector<16xi1>
      %select_n3A_231 = arith.select %and3A_230, %get3A_216, %select_n3A_213 : vector<16xi1>, vector<16xf32>
      %select_n3A_232 = arith.select %and3A_230, %add3A_220, %select_n3A_214 : vector<16xi1>, vector<16xi32>
      %get3A_233 = arith.constant 112 : index
      %get3A_234 = tpu.vector_load %arg16[%get3A_233] {strides = array<i32>} : memref<1280xf32, #tpu.memory_space<vmem>>, vector<16xf32>,
      %add3A_235 = arith.constant 112 : i32
      %add3A_236 = arith.addi %mul3A_0, %add3A_235 : i32
      %add3A_237 = vector.broadcast %add3A_236 : i32 to vector<16xi32>
      %add3A_238 = arith.addi %iota3A, %add3A_237 : vector<16xi32>
      %lt3A_239 = vector.broadcast %while3A_107 : f32 to vector<16xf32>
      %lt3A_240 = arith.cmpf olt, %get3A_234, %lt3A_239 : vector<16xf32>
      %eq3A_241 = vector.broadcast %while3A_107 : f32 to vector<16xf32>
      %eq3A_242 = arith.cmpf oeq, %get3A_234, %eq3A_241 : vector<16xf32>
      %gt3A_243 = vector.broadcast %while3A_108 : i32 to vector<16xi32>
      %gt3A_244 = arith.cmpi sgt, %add3A_238, %gt3A_243 : vector<16xi32>
      %and3A_245 = arith.andi %eq3A_242, %gt3A_244 : vector<16xi1>
      %or3A_246 = arith.ori %lt3A_240, %and3A_245 : vector<16xi1>
      %gt3A_247 = arith.cmpf ogt, %get3A_234, %select_n3A_231 : vector<16xf32>
      %and3A_248 = arith.andi %or3A_246, %gt3A_247 : vector<16xi1>
      %select_n3A_249 = arith.select %and3A_248, %get3A_234, %select_n3A_231 : vector<16xi1>, vector<16xf32>
      %select_n3A_250 = arith.select %and3A_248, %add3A_238, %select_n3A_232 : vector<16xi1>, vector<16xi32>
      %get3A_251 = arith.constant 128 : index
      %get3A_252 = tpu.vector_load %arg16[%get3A_251] {strides = array<i32>} : memref<1280xf32, #tpu.memory_space<vmem>>, vector<16xf32>,
      %add3A_253 = arith.constant 128 : i32
      %add3A_254 = arith.addi %mul3A_0, %add3A_253 : i32
      %add3A_255 = vector.broadcast %add3A_254 : i32 to vector<16xi32>
      %add3A_256 = arith.addi %iota3A, %add3A_255 : vector<16xi32>
      %lt3A_257 = vector.broadcast %while3A_107 : f32 to vector<16xf32>
      %lt3A_258 = arith.cmpf olt, %get3A_252, %lt3A_257 : vector<16xf32>
      %eq3A_259 = vector.broadcast %while3A_107 : f32 to vector<16xf32>
      %eq3A_260 = arith.cmpf oeq, %get3A_252, %eq3A_259 : vector<16xf32>
      %gt3A_261 = vector.broadcast %while3A_108 : i32 to vector<16xi32>
      %gt3A_262 = arith.cmpi sgt, %add3A_256, %gt3A_261 : vector<16xi32>
      %and3A_263 = arith.andi %eq3A_260, %gt3A_262 : vector<16xi1>
      %or3A_264 = arith.ori %lt3A_258, %and3A_263 : vector<16xi1>
      %gt3A_265 = arith.cmpf ogt, %get3A_252, %select_n3A_249 : vector<16xf32>
      %and3A_266 = arith.andi %or3A_264, %gt3A_265 : vector<16xi1>
      %select_n3A_267 = arith.select %and3A_266, %get3A_252, %select_n3A_249 : vector<16xi1>, vector<16xf32>
      %select_n3A_268 = arith.select %and3A_266, %add3A_256, %select_n3A_250 : vector<16xi1>, vector<16xi32>
      %get3A_269 = arith.constant 144 : index
      %get3A_270 = tpu.vector_load %arg16[%get3A_269] {strides = array<i32>} : memref<1280xf32, #tpu.memory_space<vmem>>, vector<16xf32>,
      %add3A_271 = arith.constant 144 : i32
      %add3A_272 = arith.addi %mul3A_0, %add3A_271 : i32
      %add3A_273 = vector.broadcast %add3A_272 : i32 to vector<16xi32>
      %add3A_274 = arith.addi %iota3A, %add3A_273 : vector<16xi32>
      %lt3A_275 = vector.broadcast %while3A_107 : f32 to vector<16xf32>
      %lt3A_276 = arith.cmpf olt, %get3A_270, %lt3A_275 : vector<16xf32>
      %eq3A_277 = vector.broadcast %while3A_107 : f32 to vector<16xf32>
      %eq3A_278 = arith.cmpf oeq, %get3A_270, %eq3A_277 : vector<16xf32>
      %gt3A_279 = vector.broadcast %while3A_108 : i32 to vector<16xi32>
      %gt3A_280 = arith.cmpi sgt, %add3A_274, %gt3A_279 : vector<16xi32>
      %and3A_281 = arith.andi %eq3A_278, %gt3A_280 : vector<16xi1>
      %or3A_282 = arith.ori %lt3A_276, %and3A_281 : vector<16xi1>
      %gt3A_283 = arith.cmpf ogt, %get3A_270, %select_n3A_267 : vector<16xf32>
      %and3A_284 = arith.andi %or3A_282, %gt3A_283 : vector<16xi1>
      %select_n3A_285 = arith.select %and3A_284, %get3A_270, %select_n3A_267 : vector<16xi1>, vector<16xf32>
      %select_n3A_286 = arith.select %and3A_284, %add3A_274, %select_n3A_268 : vector<16xi1>, vector<16xi32>
      %get3A_287 = arith.constant 160 : index
      %get3A_288 = tpu.vector_load %arg16[%get3A_287] {strides = array<i32>} : memref<1280xf32, #tpu.memory_space<vmem>>, vector<16xf32>,
      %add3A_289 = arith.constant 160 : i32
      %add3A_290 = arith.addi %mul3A_0, %add3A_289 : i32
      %add3A_291 = vector.broadcast %add3A_290 : i32 to vector<16xi32>
      %add3A_292 = arith.addi %iota3A, %add3A_291 : vector<16xi32>
      %lt3A_293 = vector.broadcast %while3A_107 : f32 to vector<16xf32>
      %lt3A_294 = arith.cmpf olt, %get3A_288, %lt3A_293 : vector<16xf32>
      %eq3A_295 = vector.broadcast %while3A_107 : f32 to vector<16xf32>
      %eq3A_296 = arith.cmpf oeq, %get3A_288, %eq3A_295 : vector<16xf32>
      %gt3A_297 = vector.broadcast %while3A_108 : i32 to vector<16xi32>
      %gt3A_298 = arith.cmpi sgt, %add3A_292, %gt3A_297 : vector<16xi32>
      %and3A_299 = arith.andi %eq3A_296, %gt3A_298 : vector<16xi1>
      %or3A_300 = arith.ori %lt3A_294, %and3A_299 : vector<16xi1>
      %gt3A_301 = arith.cmpf ogt, %get3A_288, %select_n3A_285 : vector<16xf32>
      %and3A_302 = arith.andi %or3A_300, %gt3A_301 : vector<16xi1>
      %select_n3A_303 = arith.select %and3A_302, %get3A_288, %select_n3A_285 : vector<16xi1>, vector<16xf32>
      %select_n3A_304 = arith.select %and3A_302, %add3A_292, %select_n3A_286 : vector<16xi1>, vector<16xi32>
      %get3A_305 = arith.constant 176 : index
      %get3A_306 = tpu.vector_load %arg16[%get3A_305] {strides = array<i32>} : memref<1280xf32, #tpu.memory_space<vmem>>, vector<16xf32>,
      %add3A_307 = arith.constant 176 : i32
      %add3A_308 = arith.addi %mul3A_0, %add3A_307 : i32
      %add3A_309 = vector.broadcast %add3A_308 : i32 to vector<16xi32>
      %add3A_310 = arith.addi %iota3A, %add3A_309 : vector<16xi32>
      %lt3A_311 = vector.broadcast %while3A_107 : f32 to vector<16xf32>
      %lt3A_312 = arith.cmpf olt, %get3A_306, %lt3A_311 : vector<16xf32>
      %eq3A_313 = vector.broadcast %while3A_107 : f32 to vector<16xf32>
      %eq3A_314 = arith.cmpf oeq, %get3A_306, %eq3A_313 : vector<16xf32>
      %gt3A_315 = vector.broadcast %while3A_108 : i32 to vector<16xi32>
      %gt3A_316 = arith.cmpi sgt, %add3A_310, %gt3A_315 : vector<16xi32>
      %and3A_317 = arith.andi %eq3A_314, %gt3A_316 : vector<16xi1>
      %or3A_318 = arith.ori %lt3A_312, %and3A_317 : vector<16xi1>
      %gt3A_319 = arith.cmpf ogt, %get3A_306, %select_n3A_303 : vector<16xf32>
      %and3A_320 = arith.andi %or3A_318, %gt3A_319 : vector<16xi1>
      %select_n3A_321 = arith.select %and3A_320, %get3A_306, %select_n3A_303 : vector<16xi1>, vector<16xf32>
      %select_n3A_322 = arith.select %and3A_320, %add3A_310, %select_n3A_304 : vector<16xi1>, vector<16xi32>
      %get3A_323 = arith.constant 192 : index
      %get3A_324 = tpu.vector_load %arg16[%get3A_323] {strides = array<i32>} : memref<1280xf32, #tpu.memory_space<vmem>>, vector<16xf32>,
      %add3A_325 = arith.constant 192 : i32
      %add3A_326 = arith.addi %mul3A_0, %add3A_325 : i32
      %add3A_327 = vector.broadcast %add3A_326 : i32 to vector<16xi32>
      %add3A_328 = arith.addi %iota3A, %add3A_327 : vector<16xi32>
      %lt3A_329 = vector.broadcast %while3A_107 : f32 to vector<16xf32>
      %lt3A_330 = arith.cmpf olt, %get3A_324, %lt3A_329 : vector<16xf32>
      %eq3A_331 = vector.broadcast %while3A_107 : f32 to vector<16xf32>
      %eq3A_332 = arith.cmpf oeq, %get3A_324, %eq3A_331 : vector<16xf32>
      %gt3A_333 = vector.broadcast %while3A_108 : i32 to vector<16xi32>
      %gt3A_334 = arith.cmpi sgt, %add3A_328, %gt3A_333 : vector<16xi32>
      %and3A_335 = arith.andi %eq3A_332, %gt3A_334 : vector<16xi1>
      %or3A_336 = arith.ori %lt3A_330, %and3A_335 : vector<16xi1>
      %gt3A_337 = arith.cmpf ogt, %get3A_324, %select_n3A_321 : vector<16xf32>
      %and3A_338 = arith.andi %or3A_336, %gt3A_337 : vector<16xi1>
      %select_n3A_339 = arith.select %and3A_338, %get3A_324, %select_n3A_321 : vector<16xi1>, vector<16xf32>
      %select_n3A_340 = arith.select %and3A_338, %add3A_328, %select_n3A_322 : vector<16xi1>, vector<16xi32>
      %get3A_341 = arith.constant 208 : index
      %get3A_342 = tpu.vector_load %arg16[%get3A_341] {strides = array<i32>} : memref<1280xf32, #tpu.memory_space<vmem>>, vector<16xf32>,
      %add3A_343 = arith.constant 208 : i32
      %add3A_344 = arith.addi %mul3A_0, %add3A_343 : i32
      %add3A_345 = vector.broadcast %add3A_344 : i32 to vector<16xi32>
      %add3A_346 = arith.addi %iota3A, %add3A_345 : vector<16xi32>
      %lt3A_347 = vector.broadcast %while3A_107 : f32 to vector<16xf32>
      %lt3A_348 = arith.cmpf olt, %get3A_342, %lt3A_347 : vector<16xf32>
      %eq3A_349 = vector.broadcast %while3A_107 : f32 to vector<16xf32>
      %eq3A_350 = arith.cmpf oeq, %get3A_342, %eq3A_349 : vector<16xf32>
      %gt3A_351 = vector.broadcast %while3A_108 : i32 to vector<16xi32>
      %gt3A_352 = arith.cmpi sgt, %add3A_346, %gt3A_351 : vector<16xi32>
      %and3A_353 = arith.andi %eq3A_350, %gt3A_352 : vector<16xi1>
      %or3A_354 = arith.ori %lt3A_348, %and3A_353 : vector<16xi1>
      %gt3A_355 = arith.cmpf ogt, %get3A_342, %select_n3A_339 : vector<16xf32>
      %and3A_356 = arith.andi %or3A_354, %gt3A_355 : vector<16xi1>
      %select_n3A_357 = arith.select %and3A_356, %get3A_342, %select_n3A_339 : vector<16xi1>, vector<16xf32>
      %select_n3A_358 = arith.select %and3A_356, %add3A_346, %select_n3A_340 : vector<16xi1>, vector<16xi32>
      %get3A_359 = arith.constant 224 : index
      %get3A_360 = tpu.vector_load %arg16[%get3A_359] {strides = array<i32>} : memref<1280xf32, #tpu.memory_space<vmem>>, vector<16xf32>,
      %add3A_361 = arith.constant 224 : i32
      %add3A_362 = arith.addi %mul3A_0, %add3A_361 : i32
      %add3A_363 = vector.broadcast %add3A_362 : i32 to vector<16xi32>
      %add3A_364 = arith.addi %iota3A, %add3A_363 : vector<16xi32>
      %lt3A_365 = vector.broadcast %while3A_107 : f32 to vector<16xf32>
      %lt3A_366 = arith.cmpf olt, %get3A_360, %lt3A_365 : vector<16xf32>
      %eq3A_367 = vector.broadcast %while3A_107 : f32 to vector<16xf32>
      %eq3A_368 = arith.cmpf oeq, %get3A_360, %eq3A_367 : vector<16xf32>
      %gt3A_369 = vector.broadcast %while3A_108 : i32 to vector<16xi32>
      %gt3A_370 = arith.cmpi sgt, %add3A_364, %gt3A_369 : vector<16xi32>
      %and3A_371 = arith.andi %eq3A_368, %gt3A_370 : vector<16xi1>
      %or3A_372 = arith.ori %lt3A_366, %and3A_371 : vector<16xi1>
      %gt3A_373 = arith.cmpf ogt, %get3A_360, %select_n3A_357 : vector<16xf32>
      %and3A_374 = arith.andi %or3A_372, %gt3A_373 : vector<16xi1>
      %select_n3A_375 = arith.select %and3A_374, %get3A_360, %select_n3A_357 : vector<16xi1>, vector<16xf32>
      %select_n3A_376 = arith.select %and3A_374, %add3A_364, %select_n3A_358 : vector<16xi1>, vector<16xi32>
      %get3A_377 = arith.constant 240 : index
      %get3A_378 = tpu.vector_load %arg16[%get3A_377] {strides = array<i32>} : memref<1280xf32, #tpu.memory_space<vmem>>, vector<16xf32>,
      %add3A_379 = arith.constant 240 : i32
      %add3A_380 = arith.addi %mul3A_0, %add3A_379 : i32
      %add3A_381 = vector.broadcast %add3A_380 : i32 to vector<16xi32>
      %add3A_382 = arith.addi %iota3A, %add3A_381 : vector<16xi32>
      %lt3A_383 = vector.broadcast %while3A_107 : f32 to vector<16xf32>
      %lt3A_384 = arith.cmpf olt, %get3A_378, %lt3A_383 : vector<16xf32>
      %eq3A_385 = vector.broadcast %while3A_107 : f32 to vector<16xf32>
      %eq3A_386 = arith.cmpf oeq, %get3A_378, %eq3A_385 : vector<16xf32>
      %gt3A_387 = vector.broadcast %while3A_108 : i32 to vector<16xi32>
      %gt3A_388 = arith.cmpi sgt, %add3A_382, %gt3A_387 : vector<16xi32>
      %and3A_389 = arith.andi %eq3A_386, %gt3A_388 : vector<16xi1>
      %or3A_390 = arith.ori %lt3A_384, %and3A_389 : vector<16xi1>
      %gt3A_391 = arith.cmpf ogt, %get3A_378, %select_n3A_375 : vector<16xf32>
      %and3A_392 = arith.andi %or3A_390, %gt3A_391 : vector<16xi1>
      %select_n3A_393 = arith.select %and3A_392, %get3A_378, %select_n3A_375 : vector<16xi1>, vector<16xf32>
      %select_n3A_394 = arith.select %and3A_392, %add3A_382, %select_n3A_376 : vector<16xi1>, vector<16xi32>
      %get3A_395 = arith.constant 256 : index
      %get3A_396 = tpu.vector_load %arg16[%get3A_395] {strides = array<i32>} : memref<1280xf32, #tpu.memory_space<vmem>>, vector<16xf32>,
      %add3A_397 = arith.constant 256 : i32
      %add3A_398 = arith.addi %mul3A_0, %add3A_397 : i32
      %add3A_399 = vector.broadcast %add3A_398 : i32 to vector<16xi32>
      %add3A_400 = arith.addi %iota3A, %add3A_399 : vector<16xi32>
      %lt3A_401 = vector.broadcast %while3A_107 : f32 to vector<16xf32>
      %lt3A_402 = arith.cmpf olt, %get3A_396, %lt3A_401 : vector<16xf32>
      %eq3A_403 = vector.broadcast %while3A_107 : f32 to vector<16xf32>
      %eq3A_404 = arith.cmpf oeq, %get3A_396, %eq3A_403 : vector<16xf32>
      %gt3A_405 = vector.broadcast %while3A_108 : i32 to vector<16xi32>
      %gt3A_406 = arith.cmpi sgt, %add3A_400, %gt3A_405 : vector<16xi32>
      %and3A_407 = arith.andi %eq3A_404, %gt3A_406 : vector<16xi1>
      %or3A_408 = arith.ori %lt3A_402, %and3A_407 : vector<16xi1>
      %gt3A_409 = arith.cmpf ogt, %get3A_396, %select_n3A_393 : vector<16xf32>
      %and3A_410 = arith.andi %or3A_408, %gt3A_409 : vector<16xi1>
      %select_n3A_411 = arith.select %and3A_410, %get3A_396, %select_n3A_393 : vector<16xi1>, vector<16xf32>
      %select_n3A_412 = arith.select %and3A_410, %add3A_400, %select_n3A_394 : vector<16xi1>, vector<16xi32>
      %get3A_413 = arith.constant 272 : index
      %get3A_414 = tpu.vector_load %arg16[%get3A_413] {strides = array<i32>} : memref<1280xf32, #tpu.memory_space<vmem>>, vector<16xf32>,
      %add3A_415 = arith.constant 272 : i32
      %add3A_416 = arith.addi %mul3A_0, %add3A_415 : i32
      %add3A_417 = vector.broadcast %add3A_416 : i32 to vector<16xi32>
      %add3A_418 = arith.addi %iota3A, %add3A_417 : vector<16xi32>
      %lt3A_419 = vector.broadcast %while3A_107 : f32 to vector<16xf32>
      %lt3A_420 = arith.cmpf olt, %get3A_414, %lt3A_419 : vector<16xf32>
      %eq3A_421 = vector.broadcast %while3A_107 : f32 to vector<16xf32>
      %eq3A_422 = arith.cmpf oeq, %get3A_414, %eq3A_421 : vector<16xf32>
      %gt3A_423 = vector.broadcast %while3A_108 : i32 to vector<16xi32>
      %gt3A_424 = arith.cmpi sgt, %add3A_418, %gt3A_423 : vector<16xi32>
      %and3A_425 = arith.andi %eq3A_422, %gt3A_424 : vector<16xi1>
      %or3A_426 = arith.ori %lt3A_420, %and3A_425 : vector<16xi1>
      %gt3A_427 = arith.cmpf ogt, %get3A_414, %select_n3A_411 : vector<16xf32>
      %and3A_428 = arith.andi %or3A_426, %gt3A_427 : vector<16xi1>
      %select_n3A_429 = arith.select %and3A_428, %get3A_414, %select_n3A_411 : vector<16xi1>, vector<16xf32>
      %select_n3A_430 = arith.select %and3A_428, %add3A_418, %select_n3A_412 : vector<16xi1>, vector<16xi32>
      %get3A_431 = arith.constant 288 : index
      %get3A_432 = tpu.vector_load %arg16[%get3A_431] {strides = array<i32>} : memref<1280xf32, #tpu.memory_space<vmem>>, vector<16xf32>,
      %add3A_433 = arith.constant 288 : i32
      %add3A_434 = arith.addi %mul3A_0, %add3A_433 : i32
      %add3A_435 = vector.broadcast %add3A_434 : i32 to vector<16xi32>
      %add3A_436 = arith.addi %iota3A, %add3A_435 : vector<16xi32>
      %lt3A_437 = vector.broadcast %while3A_107 : f32 to vector<16xf32>
      %lt3A_438 = arith.cmpf olt, %get3A_432, %lt3A_437 : vector<16xf32>
      %eq3A_439 = vector.broadcast %while3A_107 : f32 to vector<16xf32>
      %eq3A_440 = arith.cmpf oeq, %get3A_432, %eq3A_439 : vector<16xf32>
      %gt3A_441 = vector.broadcast %while3A_108 : i32 to vector<16xi32>
      %gt3A_442 = arith.cmpi sgt, %add3A_436, %gt3A_441 : vector<16xi32>
      %and3A_443 = arith.andi %eq3A_440, %gt3A_442 : vector<16xi1>
      %or3A_444 = arith.ori %lt3A_438, %and3A_443 : vector<16xi1>
      %gt3A_445 = arith.cmpf ogt, %get3A_432, %select_n3A_429 : vector<16xf32>
      %and3A_446 = arith.andi %or3A_444, %gt3A_445 : vector<16xi1>
      %select_n3A_447 = arith.select %and3A_446, %get3A_432, %select_n3A_429 : vector<16xi1>, vector<16xf32>
      %select_n3A_448 = arith.select %and3A_446, %add3A_436, %select_n3A_430 : vector<16xi1>, vector<16xi32>
      %get3A_449 = arith.constant 304 : index
      %get3A_450 = tpu.vector_load %arg16[%get3A_449] {strides = array<i32>} : memref<1280xf32, #tpu.memory_space<vmem>>, vector<16xf32>,
      %add3A_451 = arith.constant 304 : i32
      %add3A_452 = arith.addi %mul3A_0, %add3A_451 : i32
      %add3A_453 = vector.broadcast %add3A_452 : i32 to vector<16xi32>
      %add3A_454 = arith.addi %iota3A, %add3A_453 : vector<16xi32>
      %lt3A_455 = vector.broadcast %while3A_107 : f32 to vector<16xf32>
      %lt3A_456 = arith.cmpf olt, %get3A_450, %lt3A_455 : vector<16xf32>
      %eq3A_457 = vector.broadcast %while3A_107 : f32 to vector<16xf32>
      %eq3A_458 = arith.cmpf oeq, %get3A_450, %eq3A_457 : vector<16xf32>
      %gt3A_459 = vector.broadcast %while3A_108 : i32 to vector<16xi32>
      %gt3A_460 = arith.cmpi sgt, %add3A_454, %gt3A_459 : vector<16xi32>
      %and3A_461 = arith.andi %eq3A_458, %gt3A_460 : vector<16xi1>
      %or3A_462 = arith.ori %lt3A_456, %and3A_461 : vector<16xi1>
      %gt3A_463 = arith.cmpf ogt, %get3A_450, %select_n3A_447 : vector<16xf32>
      %and3A_464 = arith.andi %or3A_462, %gt3A_463 : vector<16xi1>
      %select_n3A_465 = arith.select %and3A_464, %get3A_450, %select_n3A_447 : vector<16xi1>, vector<16xf32>
      %select_n3A_466 = arith.select %and3A_464, %add3A_454, %select_n3A_448 : vector<16xi1>, vector<16xi32>
      %get3A_467 = arith.constant 320 : index
      %get3A_468 = tpu.vector_load %arg16[%get3A_467] {strides = array<i32>} : memref<1280xf32, #tpu.memory_space<vmem>>, vector<16xf32>,
      %add3A_469 = arith.constant 320 : i32
      %add3A_470 = arith.addi %mul3A_0, %add3A_469 : i32
      %add3A_471 = vector.broadcast %add3A_470 : i32 to vector<16xi32>
      %add3A_472 = arith.addi %iota3A, %add3A_471 : vector<16xi32>
      %lt3A_473 = vector.broadcast %while3A_107 : f32 to vector<16xf32>
      %lt3A_474 = arith.cmpf olt, %get3A_468, %lt3A_473 : vector<16xf32>
      %eq3A_475 = vector.broadcast %while3A_107 : f32 to vector<16xf32>
      %eq3A_476 = arith.cmpf oeq, %get3A_468, %eq3A_475 : vector<16xf32>
      %gt3A_477 = vector.broadcast %while3A_108 : i32 to vector<16xi32>
      %gt3A_478 = arith.cmpi sgt, %add3A_472, %gt3A_477 : vector<16xi32>
      %and3A_479 = arith.andi %eq3A_476, %gt3A_478 : vector<16xi1>
      %or3A_480 = arith.ori %lt3A_474, %and3A_479 : vector<16xi1>
      %gt3A_481 = arith.cmpf ogt, %get3A_468, %select_n3A_465 : vector<16xf32>
      %and3A_482 = arith.andi %or3A_480, %gt3A_481 : vector<16xi1>
      %select_n3A_483 = arith.select %and3A_482, %get3A_468, %select_n3A_465 : vector<16xi1>, vector<16xf32>
      %select_n3A_484 = arith.select %and3A_482, %add3A_472, %select_n3A_466 : vector<16xi1>, vector<16xi32>
      %get3A_485 = arith.constant 336 : index
      %get3A_486 = tpu.vector_load %arg16[%get3A_485] {strides = array<i32>} : memref<1280xf32, #tpu.memory_space<vmem>>, vector<16xf32>,
      %add3A_487 = arith.constant 336 : i32
      %add3A_488 = arith.addi %mul3A_0, %add3A_487 : i32
      %add3A_489 = vector.broadcast %add3A_488 : i32 to vector<16xi32>
      %add3A_490 = arith.addi %iota3A, %add3A_489 : vector<16xi32>
      %lt3A_491 = vector.broadcast %while3A_107 : f32 to vector<16xf32>
      %lt3A_492 = arith.cmpf olt, %get3A_486, %lt3A_491 : vector<16xf32>
      %eq3A_493 = vector.broadcast %while3A_107 : f32 to vector<16xf32>
      %eq3A_494 = arith.cmpf oeq, %get3A_486, %eq3A_493 : vector<16xf32>
      %gt3A_495 = vector.broadcast %while3A_108 : i32 to vector<16xi32>
      %gt3A_496 = arith.cmpi sgt, %add3A_490, %gt3A_495 : vector<16xi32>
      %and3A_497 = arith.andi %eq3A_494, %gt3A_496 : vector<16xi1>
      %or3A_498 = arith.ori %lt3A_492, %and3A_497 : vector<16xi1>
      %gt3A_499 = arith.cmpf ogt, %get3A_486, %select_n3A_483 : vector<16xf32>
      %and3A_500 = arith.andi %or3A_498, %gt3A_499 : vector<16xi1>
      %select_n3A_501 = arith.select %and3A_500, %get3A_486, %select_n3A_483 : vector<16xi1>, vector<16xf32>
      %select_n3A_502 = arith.select %and3A_500, %add3A_490, %select_n3A_484 : vector<16xi1>, vector<16xi32>
      %get3A_503 = arith.constant 352 : index
      %get3A_504 = tpu.vector_load %arg16[%get3A_503] {strides = array<i32>} : memref<1280xf32, #tpu.memory_space<vmem>>, vector<16xf32>,
      %add3A_505 = arith.constant 352 : i32
      %add3A_506 = arith.addi %mul3A_0, %add3A_505 : i32
      %add3A_507 = vector.broadcast %add3A_506 : i32 to vector<16xi32>
      %add3A_508 = arith.addi %iota3A, %add3A_507 : vector<16xi32>
      %lt3A_509 = vector.broadcast %while3A_107 : f32 to vector<16xf32>
      %lt3A_510 = arith.cmpf olt, %get3A_504, %lt3A_509 : vector<16xf32>
      %eq3A_511 = vector.broadcast %while3A_107 : f32 to vector<16xf32>
      %eq3A_512 = arith.cmpf oeq, %get3A_504, %eq3A_511 : vector<16xf32>
      %gt3A_513 = vector.broadcast %while3A_108 : i32 to vector<16xi32>
      %gt3A_514 = arith.cmpi sgt, %add3A_508, %gt3A_513 : vector<16xi32>
      %and3A_515 = arith.andi %eq3A_512, %gt3A_514 : vector<16xi1>
      %or3A_516 = arith.ori %lt3A_510, %and3A_515 : vector<16xi1>
      %gt3A_517 = arith.cmpf ogt, %get3A_504, %select_n3A_501 : vector<16xf32>
      %and3A_518 = arith.andi %or3A_516, %gt3A_517 : vector<16xi1>
      %select_n3A_519 = arith.select %and3A_518, %get3A_504, %select_n3A_501 : vector<16xi1>, vector<16xf32>
      %select_n3A_520 = arith.select %and3A_518, %add3A_508, %select_n3A_502 : vector<16xi1>, vector<16xi32>
      %get3A_521 = arith.constant 368 : index
      %get3A_522 = tpu.vector_load %arg16[%get3A_521] {strides = array<i32>} : memref<1280xf32, #tpu.memory_space<vmem>>, vector<16xf32>,
      %add3A_523 = arith.constant 368 : i32
      %add3A_524 = arith.addi %mul3A_0, %add3A_523 : i32
      %add3A_525 = vector.broadcast %add3A_524 : i32 to vector<16xi32>
      %add3A_526 = arith.addi %iota3A, %add3A_525 : vector<16xi32>
      %lt3A_527 = vector.broadcast %while3A_107 : f32 to vector<16xf32>
      %lt3A_528 = arith.cmpf olt, %get3A_522, %lt3A_527 : vector<16xf32>
      %eq3A_529 = vector.broadcast %while3A_107 : f32 to vector<16xf32>
      %eq3A_530 = arith.cmpf oeq, %get3A_522, %eq3A_529 : vector<16xf32>
      %gt3A_531 = vector.broadcast %while3A_108 : i32 to vector<16xi32>
      %gt3A_532 = arith.cmpi sgt, %add3A_526, %gt3A_531 : vector<16xi32>
      %and3A_533 = arith.andi %eq3A_530, %gt3A_532 : vector<16xi1>
      %or3A_534 = arith.ori %lt3A_528, %and3A_533 : vector<16xi1>
      %gt3A_535 = arith.cmpf ogt, %get3A_522, %select_n3A_519 : vector<16xf32>
      %and3A_536 = arith.andi %or3A_534, %gt3A_535 : vector<16xi1>
      %select_n3A_537 = arith.select %and3A_536, %get3A_522, %select_n3A_519 : vector<16xi1>, vector<16xf32>
      %select_n3A_538 = arith.select %and3A_536, %add3A_526, %select_n3A_520 : vector<16xi1>, vector<16xi32>
      %get3A_539 = arith.constant 384 : index
      %get3A_540 = tpu.vector_load %arg16[%get3A_539] {strides = array<i32>} : memref<1280xf32, #tpu.memory_space<vmem>>, vector<16xf32>,
      %add3A_541 = arith.constant 384 : i32
      %add3A_542 = arith.addi %mul3A_0, %add3A_541 : i32
      %add3A_543 = vector.broadcast %add3A_542 : i32 to vector<16xi32>
      %add3A_544 = arith.addi %iota3A, %add3A_543 : vector<16xi32>
      %lt3A_545 = vector.broadcast %while3A_107 : f32 to vector<16xf32>
      %lt3A_546 = arith.cmpf olt, %get3A_540, %lt3A_545 : vector<16xf32>
      %eq3A_547 = vector.broadcast %while3A_107 : f32 to vector<16xf32>
      %eq3A_548 = arith.cmpf oeq, %get3A_540, %eq3A_547 : vector<16xf32>
      %gt3A_549 = vector.broadcast %while3A_108 : i32 to vector<16xi32>
      %gt3A_550 = arith.cmpi sgt, %add3A_544, %gt3A_549 : vector<16xi32>
      %and3A_551 = arith.andi %eq3A_548, %gt3A_550 : vector<16xi1>
      %or3A_552 = arith.ori %lt3A_546, %and3A_551 : vector<16xi1>
      %gt3A_553 = arith.cmpf ogt, %get3A_540, %select_n3A_537 : vector<16xf32>
      %and3A_554 = arith.andi %or3A_552, %gt3A_553 : vector<16xi1>
      %select_n3A_555 = arith.select %and3A_554, %get3A_540, %select_n3A_537 : vector<16xi1>, vector<16xf32>
      %select_n3A_556 = arith.select %and3A_554, %add3A_544, %select_n3A_538 : vector<16xi1>, vector<16xi32>
      %get3A_557 = arith.constant 400 : index
      %get3A_558 = tpu.vector_load %arg16[%get3A_557] {strides = array<i32>} : memref<1280xf32, #tpu.memory_space<vmem>>, vector<16xf32>,
      %add3A_559 = arith.constant 400 : i32
      %add3A_560 = arith.addi %mul3A_0, %add3A_559 : i32
      %add3A_561 = vector.broadcast %add3A_560 : i32 to vector<16xi32>
      %add3A_562 = arith.addi %iota3A, %add3A_561 : vector<16xi32>
      %lt3A_563 = vector.broadcast %while3A_107 : f32 to vector<16xf32>
      %lt3A_564 = arith.cmpf olt, %get3A_558, %lt3A_563 : vector<16xf32>
      %eq3A_565 = vector.broadcast %while3A_107 : f32 to vector<16xf32>
      %eq3A_566 = arith.cmpf oeq, %get3A_558, %eq3A_565 : vector<16xf32>
      %gt3A_567 = vector.broadcast %while3A_108 : i32 to vector<16xi32>
      %gt3A_568 = arith.cmpi sgt, %add3A_562, %gt3A_567 : vector<16xi32>
      %and3A_569 = arith.andi %eq3A_566, %gt3A_568 : vector<16xi1>
      %or3A_570 = arith.ori %lt3A_564, %and3A_569 : vector<16xi1>
      %gt3A_571 = arith.cmpf ogt, %get3A_558, %select_n3A_555 : vector<16xf32>
      %and3A_572 = arith.andi %or3A_570, %gt3A_571 : vector<16xi1>
      %select_n3A_573 = arith.select %and3A_572, %get3A_558, %select_n3A_555 : vector<16xi1>, vector<16xf32>
      %select_n3A_574 = arith.select %and3A_572, %add3A_562, %select_n3A_556 : vector<16xi1>, vector<16xi32>
      %get3A_575 = arith.constant 416 : index
      %get3A_576 = tpu.vector_load %arg16[%get3A_575] {strides = array<i32>} : memref<1280xf32, #tpu.memory_space<vmem>>, vector<16xf32>,
      %add3A_577 = arith.constant 416 : i32
      %add3A_578 = arith.addi %mul3A_0, %add3A_577 : i32
      %add3A_579 = vector.broadcast %add3A_578 : i32 to vector<16xi32>
      %add3A_580 = arith.addi %iota3A, %add3A_579 : vector<16xi32>
      %lt3A_581 = vector.broadcast %while3A_107 : f32 to vector<16xf32>
      %lt3A_582 = arith.cmpf olt, %get3A_576, %lt3A_581 : vector<16xf32>
      %eq3A_583 = vector.broadcast %while3A_107 : f32 to vector<16xf32>
      %eq3A_584 = arith.cmpf oeq, %get3A_576, %eq3A_583 : vector<16xf32>
      %gt3A_585 = vector.broadcast %while3A_108 : i32 to vector<16xi32>
      %gt3A_586 = arith.cmpi sgt, %add3A_580, %gt3A_585 : vector<16xi32>
      %and3A_587 = arith.andi %eq3A_584, %gt3A_586 : vector<16xi1>
      %or3A_588 = arith.ori %lt3A_582, %and3A_587 : vector<16xi1>
      %gt3A_589 = arith.cmpf ogt, %get3A_576, %select_n3A_573 : vector<16xf32>
      %and3A_590 = arith.andi %or3A_588, %gt3A_589 : vector<16xi1>
      %select_n3A_591 = arith.select %and3A_590, %get3A_576, %select_n3A_573 : vector<16xi1>, vector<16xf32>
      %select_n3A_592 = arith.select %and3A_590, %add3A_580, %select_n3A_574 : vector<16xi1>, vector<16xi32>
      %get3A_593 = arith.constant 432 : index
      %get3A_594 = tpu.vector_load %arg16[%get3A_593] {strides = array<i32>} : memref<1280xf32, #tpu.memory_space<vmem>>, vector<16xf32>,
      %add3A_595 = arith.constant 432 : i32
      %add3A_596 = arith.addi %mul3A_0, %add3A_595 : i32
      %add3A_597 = vector.broadcast %add3A_596 : i32 to vector<16xi32>
      %add3A_598 = arith.addi %iota3A, %add3A_597 : vector<16xi32>
      %lt3A_599 = vector.broadcast %while3A_107 : f32 to vector<16xf32>
      %lt3A_600 = arith.cmpf olt, %get3A_594, %lt3A_599 : vector<16xf32>
      %eq3A_601 = vector.broadcast %while3A_107 : f32 to vector<16xf32>
      %eq3A_602 = arith.cmpf oeq, %get3A_594, %eq3A_601 : vector<16xf32>
      %gt3A_603 = vector.broadcast %while3A_108 : i32 to vector<16xi32>
      %gt3A_604 = arith.cmpi sgt, %add3A_598, %gt3A_603 : vector<16xi32>
      %and3A_605 = arith.andi %eq3A_602, %gt3A_604 : vector<16xi1>
      %or3A_606 = arith.ori %lt3A_600, %and3A_605 : vector<16xi1>
      %gt3A_607 = arith.cmpf ogt, %get3A_594, %select_n3A_591 : vector<16xf32>
      %and3A_608 = arith.andi %or3A_606, %gt3A_607 : vector<16xi1>
      %select_n3A_609 = arith.select %and3A_608, %get3A_594, %select_n3A_591 : vector<16xi1>, vector<16xf32>
      %select_n3A_610 = arith.select %and3A_608, %add3A_598, %select_n3A_592 : vector<16xi1>, vector<16xi32>
      %get3A_611 = arith.constant 448 : index
      %get3A_612 = tpu.vector_load %arg16[%get3A_611] {strides = array<i32>} : memref<1280xf32, #tpu.memory_space<vmem>>, vector<16xf32>,
      %add3A_613 = arith.constant 448 : i32
      %add3A_614 = arith.addi %mul3A_0, %add3A_613 : i32
      %add3A_615 = vector.broadcast %add3A_614 : i32 to vector<16xi32>
      %add3A_616 = arith.addi %iota3A, %add3A_615 : vector<16xi32>
      %lt3A_617 = vector.broadcast %while3A_107 : f32 to vector<16xf32>
      %lt3A_618 = arith.cmpf olt, %get3A_612, %lt3A_617 : vector<16xf32>
      %eq3A_619 = vector.broadcast %while3A_107 : f32 to vector<16xf32>
      %eq3A_620 = arith.cmpf oeq, %get3A_612, %eq3A_619 : vector<16xf32>
      %gt3A_621 = vector.broadcast %while3A_108 : i32 to vector<16xi32>
      %gt3A_622 = arith.cmpi sgt, %add3A_616, %gt3A_621 : vector<16xi32>
      %and3A_623 = arith.andi %eq3A_620, %gt3A_622 : vector<16xi1>
      %or3A_624 = arith.ori %lt3A_618, %and3A_623 : vector<16xi1>
      %gt3A_625 = arith.cmpf ogt, %get3A_612, %select_n3A_609 : vector<16xf32>
      %and3A_626 = arith.andi %or3A_624, %gt3A_625 : vector<16xi1>
      %select_n3A_627 = arith.select %and3A_626, %get3A_612, %select_n3A_609 : vector<16xi1>, vector<16xf32>
      %select_n3A_628 = arith.select %and3A_626, %add3A_616, %select_n3A_610 : vector<16xi1>, vector<16xi32>
      %get3A_629 = arith.constant 464 : index
      %get3A_630 = tpu.vector_load %arg16[%get3A_629] {strides = array<i32>} : memref<1280xf32, #tpu.memory_space<vmem>>, vector<16xf32>,
      %add3A_631 = arith.constant 464 : i32
      %add3A_632 = arith.addi %mul3A_0, %add3A_631 : i32
      %add3A_633 = vector.broadcast %add3A_632 : i32 to vector<16xi32>
      %add3A_634 = arith.addi %iota3A, %add3A_633 : vector<16xi32>
      %lt3A_635 = vector.broadcast %while3A_107 : f32 to vector<16xf32>
      %lt3A_636 = arith.cmpf olt, %get3A_630, %lt3A_635 : vector<16xf32>
      %eq3A_637 = vector.broadcast %while3A_107 : f32 to vector<16xf32>
      %eq3A_638 = arith.cmpf oeq, %get3A_630, %eq3A_637 : vector<16xf32>
      %gt3A_639 = vector.broadcast %while3A_108 : i32 to vector<16xi32>
      %gt3A_640 = arith.cmpi sgt, %add3A_634, %gt3A_639 : vector<16xi32>
      %and3A_641 = arith.andi %eq3A_638, %gt3A_640 : vector<16xi1>
      %or3A_642 = arith.ori %lt3A_636, %and3A_641 : vector<16xi1>
      %gt3A_643 = arith.cmpf ogt, %get3A_630, %select_n3A_627 : vector<16xf32>
      %and3A_644 = arith.andi %or3A_642, %gt3A_643 : vector<16xi1>
      %select_n3A_645 = arith.select %and3A_644, %get3A_630, %select_n3A_627 : vector<16xi1>, vector<16xf32>
      %select_n3A_646 = arith.select %and3A_644, %add3A_634, %select_n3A_628 : vector<16xi1>, vector<16xi32>
      %get3A_647 = arith.constant 480 : index
      %get3A_648 = tpu.vector_load %arg16[%get3A_647] {strides = array<i32>} : memref<1280xf32, #tpu.memory_space<vmem>>, vector<16xf32>,
      %add3A_649 = arith.constant 480 : i32
      %add3A_650 = arith.addi %mul3A_0, %add3A_649 : i32
      %add3A_651 = vector.broadcast %add3A_650 : i32 to vector<16xi32>
      %add3A_652 = arith.addi %iota3A, %add3A_651 : vector<16xi32>
      %lt3A_653 = vector.broadcast %while3A_107 : f32 to vector<16xf32>
      %lt3A_654 = arith.cmpf olt, %get3A_648, %lt3A_653 : vector<16xf32>
      %eq3A_655 = vector.broadcast %while3A_107 : f32 to vector<16xf32>
      %eq3A_656 = arith.cmpf oeq, %get3A_648, %eq3A_655 : vector<16xf32>
      %gt3A_657 = vector.broadcast %while3A_108 : i32 to vector<16xi32>
      %gt3A_658 = arith.cmpi sgt, %add3A_652, %gt3A_657 : vector<16xi32>
      %and3A_659 = arith.andi %eq3A_656, %gt3A_658 : vector<16xi1>
      %or3A_660 = arith.ori %lt3A_654, %and3A_659 : vector<16xi1>
      %gt3A_661 = arith.cmpf ogt, %get3A_648, %select_n3A_645 : vector<16xf32>
      %and3A_662 = arith.andi %or3A_660, %gt3A_661 : vector<16xi1>
      %select_n3A_663 = arith.select %and3A_662, %get3A_648, %select_n3A_645 : vector<16xi1>, vector<16xf32>
      %select_n3A_664 = arith.select %and3A_662, %add3A_652, %select_n3A_646 : vector<16xi1>, vector<16xi32>
      %get3A_665 = arith.constant 496 : index
      %get3A_666 = tpu.vector_load %arg16[%get3A_665] {strides = array<i32>} : memref<1280xf32, #tpu.memory_space<vmem>>, vector<16xf32>,
      %add3A_667 = arith.constant 496 : i32
      %add3A_668 = arith.addi %mul3A_0, %add3A_667 : i32
      %add3A_669 = vector.broadcast %add3A_668 : i32 to vector<16xi32>
      %add3A_670 = arith.addi %iota3A, %add3A_669 : vector<16xi32>
      %lt3A_671 = vector.broadcast %while3A_107 : f32 to vector<16xf32>
      %lt3A_672 = arith.cmpf olt, %get3A_666, %lt3A_671 : vector<16xf32>
      %eq3A_673 = vector.broadcast %while3A_107 : f32 to vector<16xf32>
      %eq3A_674 = arith.cmpf oeq, %get3A_666, %eq3A_673 : vector<16xf32>
      %gt3A_675 = vector.broadcast %while3A_108 : i32 to vector<16xi32>
      %gt3A_676 = arith.cmpi sgt, %add3A_670, %gt3A_675 : vector<16xi32>
      %and3A_677 = arith.andi %eq3A_674, %gt3A_676 : vector<16xi1>
      %or3A_678 = arith.ori %lt3A_672, %and3A_677 : vector<16xi1>
      %gt3A_679 = arith.cmpf ogt, %get3A_666, %select_n3A_663 : vector<16xf32>
      %and3A_680 = arith.andi %or3A_678, %gt3A_679 : vector<16xi1>
      %select_n3A_681 = arith.select %and3A_680, %get3A_666, %select_n3A_663 : vector<16xi1>, vector<16xf32>
      %select_n3A_682 = arith.select %and3A_680, %add3A_670, %select_n3A_664 : vector<16xi1>, vector<16xi32>
      %get3A_683 = arith.constant 512 : index
      %get3A_684 = tpu.vector_load %arg16[%get3A_683] {strides = array<i32>} : memref<1280xf32, #tpu.memory_space<vmem>>, vector<16xf32>,
      %add3A_685 = arith.constant 512 : i32
      %add3A_686 = arith.addi %mul3A_0, %add3A_685 : i32
      %add3A_687 = vector.broadcast %add3A_686 : i32 to vector<16xi32>
      %add3A_688 = arith.addi %iota3A, %add3A_687 : vector<16xi32>
      %lt3A_689 = vector.broadcast %while3A_107 : f32 to vector<16xf32>
      %lt3A_690 = arith.cmpf olt, %get3A_684, %lt3A_689 : vector<16xf32>
      %eq3A_691 = vector.broadcast %while3A_107 : f32 to vector<16xf32>
      %eq3A_692 = arith.cmpf oeq, %get3A_684, %eq3A_691 : vector<16xf32>
      %gt3A_693 = vector.broadcast %while3A_108 : i32 to vector<16xi32>
      %gt3A_694 = arith.cmpi sgt, %add3A_688, %gt3A_693 : vector<16xi32>
      %and3A_695 = arith.andi %eq3A_692, %gt3A_694 : vector<16xi1>
      %or3A_696 = arith.ori %lt3A_690, %and3A_695 : vector<16xi1>
      %gt3A_697 = arith.cmpf ogt, %get3A_684, %select_n3A_681 : vector<16xf32>
      %and3A_698 = arith.andi %or3A_696, %gt3A_697 : vector<16xi1>
      %select_n3A_699 = arith.select %and3A_698, %get3A_684, %select_n3A_681 : vector<16xi1>, vector<16xf32>
      %select_n3A_700 = arith.select %and3A_698, %add3A_688, %select_n3A_682 : vector<16xi1>, vector<16xi32>
      %get3A_701 = arith.constant 528 : index
      %get3A_702 = tpu.vector_load %arg16[%get3A_701] {strides = array<i32>} : memref<1280xf32, #tpu.memory_space<vmem>>, vector<16xf32>,
      %add3A_703 = arith.constant 528 : i32
      %add3A_704 = arith.addi %mul3A_0, %add3A_703 : i32
      %add3A_705 = vector.broadcast %add3A_704 : i32 to vector<16xi32>
      %add3A_706 = arith.addi %iota3A, %add3A_705 : vector<16xi32>
      %lt3A_707 = vector.broadcast %while3A_107 : f32 to vector<16xf32>
      %lt3A_708 = arith.cmpf olt, %get3A_702, %lt3A_707 : vector<16xf32>
      %eq3A_709 = vector.broadcast %while3A_107 : f32 to vector<16xf32>
      %eq3A_710 = arith.cmpf oeq, %get3A_702, %eq3A_709 : vector<16xf32>
      %gt3A_711 = vector.broadcast %while3A_108 : i32 to vector<16xi32>
      %gt3A_712 = arith.cmpi sgt, %add3A_706, %gt3A_711 : vector<16xi32>
      %and3A_713 = arith.andi %eq3A_710, %gt3A_712 : vector<16xi1>
      %or3A_714 = arith.ori %lt3A_708, %and3A_713 : vector<16xi1>
      %gt3A_715 = arith.cmpf ogt, %get3A_702, %select_n3A_699 : vector<16xf32>
      %and3A_716 = arith.andi %or3A_714, %gt3A_715 : vector<16xi1>
      %select_n3A_717 = arith.select %and3A_716, %get3A_702, %select_n3A_699 : vector<16xi1>, vector<16xf32>
      %select_n3A_718 = arith.select %and3A_716, %add3A_706, %select_n3A_700 : vector<16xi1>, vector<16xi32>
      %get3A_719 = arith.constant 544 : index
      %get3A_720 = tpu.vector_load %arg16[%get3A_719] {strides = array<i32>} : memref<1280xf32, #tpu.memory_space<vmem>>, vector<16xf32>,
      %add3A_721 = arith.constant 544 : i32
      %add3A_722 = arith.addi %mul3A_0, %add3A_721 : i32
      %add3A_723 = vector.broadcast %add3A_722 : i32 to vector<16xi32>
      %add3A_724 = arith.addi %iota3A, %add3A_723 : vector<16xi32>
      %lt3A_725 = vector.broadcast %while3A_107 : f32 to vector<16xf32>
      %lt3A_726 = arith.cmpf olt, %get3A_720, %lt3A_725 : vector<16xf32>
      %eq3A_727 = vector.broadcast %while3A_107 : f32 to vector<16xf32>
      %eq3A_728 = arith.cmpf oeq, %get3A_720, %eq3A_727 : vector<16xf32>
      %gt3A_729 = vector.broadcast %while3A_108 : i32 to vector<16xi32>
      %gt3A_730 = arith.cmpi sgt, %add3A_724, %gt3A_729 : vector<16xi32>
      %and3A_731 = arith.andi %eq3A_728, %gt3A_730 : vector<16xi1>
      %or3A_732 = arith.ori %lt3A_726, %and3A_731 : vector<16xi1>
      %gt3A_733 = arith.cmpf ogt, %get3A_720, %select_n3A_717 : vector<16xf32>
      %and3A_734 = arith.andi %or3A_732, %gt3A_733 : vector<16xi1>
      %select_n3A_735 = arith.select %and3A_734, %get3A_720, %select_n3A_717 : vector<16xi1>, vector<16xf32>
      %select_n3A_736 = arith.select %and3A_734, %add3A_724, %select_n3A_718 : vector<16xi1>, vector<16xi32>
      %get3A_737 = arith.constant 560 : index
      %get3A_738 = tpu.vector_load %arg16[%get3A_737] {strides = array<i32>} : memref<1280xf32, #tpu.memory_space<vmem>>, vector<16xf32>,
      %add3A_739 = arith.constant 560 : i32
      %add3A_740 = arith.addi %mul3A_0, %add3A_739 : i32
      %add3A_741 = vector.broadcast %add3A_740 : i32 to vector<16xi32>
      %add3A_742 = arith.addi %iota3A, %add3A_741 : vector<16xi32>
      %lt3A_743 = vector.broadcast %while3A_107 : f32 to vector<16xf32>
      %lt3A_744 = arith.cmpf olt, %get3A_738, %lt3A_743 : vector<16xf32>
      %eq3A_745 = vector.broadcast %while3A_107 : f32 to vector<16xf32>
      %eq3A_746 = arith.cmpf oeq, %get3A_738, %eq3A_745 : vector<16xf32>
      %gt3A_747 = vector.broadcast %while3A_108 : i32 to vector<16xi32>
      %gt3A_748 = arith.cmpi sgt, %add3A_742, %gt3A_747 : vector<16xi32>
      %and3A_749 = arith.andi %eq3A_746, %gt3A_748 : vector<16xi1>
      %or3A_750 = arith.ori %lt3A_744, %and3A_749 : vector<16xi1>
      %gt3A_751 = arith.cmpf ogt, %get3A_738, %select_n3A_735 : vector<16xf32>
      %and3A_752 = arith.andi %or3A_750, %gt3A_751 : vector<16xi1>
      %select_n3A_753 = arith.select %and3A_752, %get3A_738, %select_n3A_735 : vector<16xi1>, vector<16xf32>
      %select_n3A_754 = arith.select %and3A_752, %add3A_742, %select_n3A_736 : vector<16xi1>, vector<16xi32>
      %get3A_755 = arith.constant 576 : index
      %get3A_756 = tpu.vector_load %arg16[%get3A_755] {strides = array<i32>} : memref<1280xf32, #tpu.memory_space<vmem>>, vector<16xf32>,
      %add3A_757 = arith.constant 576 : i32
      %add3A_758 = arith.addi %mul3A_0, %add3A_757 : i32
      %add3A_759 = vector.broadcast %add3A_758 : i32 to vector<16xi32>
      %add3A_760 = arith.addi %iota3A, %add3A_759 : vector<16xi32>
      %lt3A_761 = vector.broadcast %while3A_107 : f32 to vector<16xf32>
      %lt3A_762 = arith.cmpf olt, %get3A_756, %lt3A_761 : vector<16xf32>
      %eq3A_763 = vector.broadcast %while3A_107 : f32 to vector<16xf32>
      %eq3A_764 = arith.cmpf oeq, %get3A_756, %eq3A_763 : vector<16xf32>
      %gt3A_765 = vector.broadcast %while3A_108 : i32 to vector<16xi32>
      %gt3A_766 = arith.cmpi sgt, %add3A_760, %gt3A_765 : vector<16xi32>
      %and3A_767 = arith.andi %eq3A_764, %gt3A_766 : vector<16xi1>
      %or3A_768 = arith.ori %lt3A_762, %and3A_767 : vector<16xi1>
      %gt3A_769 = arith.cmpf ogt, %get3A_756, %select_n3A_753 : vector<16xf32>
      %and3A_770 = arith.andi %or3A_768, %gt3A_769 : vector<16xi1>
      %select_n3A_771 = arith.select %and3A_770, %get3A_756, %select_n3A_753 : vector<16xi1>, vector<16xf32>
      %select_n3A_772 = arith.select %and3A_770, %add3A_760, %select_n3A_754 : vector<16xi1>, vector<16xi32>
      %get3A_773 = arith.constant 592 : index
      %get3A_774 = tpu.vector_load %arg16[%get3A_773] {strides = array<i32>} : memref<1280xf32, #tpu.memory_space<vmem>>, vector<16xf32>,
      %add3A_775 = arith.constant 592 : i32
      %add3A_776 = arith.addi %mul3A_0, %add3A_775 : i32
      %add3A_777 = vector.broadcast %add3A_776 : i32 to vector<16xi32>
      %add3A_778 = arith.addi %iota3A, %add3A_777 : vector<16xi32>
      %lt3A_779 = vector.broadcast %while3A_107 : f32 to vector<16xf32>
      %lt3A_780 = arith.cmpf olt, %get3A_774, %lt3A_779 : vector<16xf32>
      %eq3A_781 = vector.broadcast %while3A_107 : f32 to vector<16xf32>
      %eq3A_782 = arith.cmpf oeq, %get3A_774, %eq3A_781 : vector<16xf32>
      %gt3A_783 = vector.broadcast %while3A_108 : i32 to vector<16xi32>
      %gt3A_784 = arith.cmpi sgt, %add3A_778, %gt3A_783 : vector<16xi32>
      %and3A_785 = arith.andi %eq3A_782, %gt3A_784 : vector<16xi1>
      %or3A_786 = arith.ori %lt3A_780, %and3A_785 : vector<16xi1>
      %gt3A_787 = arith.cmpf ogt, %get3A_774, %select_n3A_771 : vector<16xf32>
      %and3A_788 = arith.andi %or3A_786, %gt3A_787 : vector<16xi1>
      %select_n3A_789 = arith.select %and3A_788, %get3A_774, %select_n3A_771 : vector<16xi1>, vector<16xf32>
      %select_n3A_790 = arith.select %and3A_788, %add3A_778, %select_n3A_772 : vector<16xi1>, vector<16xi32>
      %get3A_791 = arith.constant 608 : index
      %get3A_792 = tpu.vector_load %arg16[%get3A_791] {strides = array<i32>} : memref<1280xf32, #tpu.memory_space<vmem>>, vector<16xf32>,
      %add3A_793 = arith.constant 608 : i32
      %add3A_794 = arith.addi %mul3A_0, %add3A_793 : i32
      %add3A_795 = vector.broadcast %add3A_794 : i32 to vector<16xi32>
      %add3A_796 = arith.addi %iota3A, %add3A_795 : vector<16xi32>
      %lt3A_797 = vector.broadcast %while3A_107 : f32 to vector<16xf32>
      %lt3A_798 = arith.cmpf olt, %get3A_792, %lt3A_797 : vector<16xf32>
      %eq3A_799 = vector.broadcast %while3A_107 : f32 to vector<16xf32>
      %eq3A_800 = arith.cmpf oeq, %get3A_792, %eq3A_799 : vector<16xf32>
      %gt3A_801 = vector.broadcast %while3A_108 : i32 to vector<16xi32>
      %gt3A_802 = arith.cmpi sgt, %add3A_796, %gt3A_801 : vector<16xi32>
      %and3A_803 = arith.andi %eq3A_800, %gt3A_802 : vector<16xi1>
      %or3A_804 = arith.ori %lt3A_798, %and3A_803 : vector<16xi1>
      %gt3A_805 = arith.cmpf ogt, %get3A_792, %select_n3A_789 : vector<16xf32>
      %and3A_806 = arith.andi %or3A_804, %gt3A_805 : vector<16xi1>
      %select_n3A_807 = arith.select %and3A_806, %get3A_792, %select_n3A_789 : vector<16xi1>, vector<16xf32>
      %select_n3A_808 = arith.select %and3A_806, %add3A_796, %select_n3A_790 : vector<16xi1>, vector<16xi32>
      %get3A_809 = arith.constant 624 : index
      %get3A_810 = tpu.vector_load %arg16[%get3A_809] {strides = array<i32>} : memref<1280xf32, #tpu.memory_space<vmem>>, vector<16xf32>,
      %add3A_811 = arith.constant 624 : i32
      %add3A_812 = arith.addi %mul3A_0, %add3A_811 : i32
      %add3A_813 = vector.broadcast %add3A_812 : i32 to vector<16xi32>
      %add3A_814 = arith.addi %iota3A, %add3A_813 : vector<16xi32>
      %lt3A_815 = vector.broadcast %while3A_107 : f32 to vector<16xf32>
      %lt3A_816 = arith.cmpf olt, %get3A_810, %lt3A_815 : vector<16xf32>
      %eq3A_817 = vector.broadcast %while3A_107 : f32 to vector<16xf32>
      %eq3A_818 = arith.cmpf oeq, %get3A_810, %eq3A_817 : vector<16xf32>
      %gt3A_819 = vector.broadcast %while3A_108 : i32 to vector<16xi32>
      %gt3A_820 = arith.cmpi sgt, %add3A_814, %gt3A_819 : vector<16xi32>
      %and3A_821 = arith.andi %eq3A_818, %gt3A_820 : vector<16xi1>
      %or3A_822 = arith.ori %lt3A_816, %and3A_821 : vector<16xi1>
      %gt3A_823 = arith.cmpf ogt, %get3A_810, %select_n3A_807 : vector<16xf32>
      %and3A_824 = arith.andi %or3A_822, %gt3A_823 : vector<16xi1>
      %select_n3A_825 = arith.select %and3A_824, %get3A_810, %select_n3A_807 : vector<16xi1>, vector<16xf32>
      %select_n3A_826 = arith.select %and3A_824, %add3A_814, %select_n3A_808 : vector<16xi1>, vector<16xi32>
      %get3A_827 = arith.constant 640 : index
      %get3A_828 = tpu.vector_load %arg16[%get3A_827] {strides = array<i32>} : memref<1280xf32, #tpu.memory_space<vmem>>, vector<16xf32>,
      %add3A_829 = arith.constant 640 : i32
      %add3A_830 = arith.addi %mul3A_0, %add3A_829 : i32
      %add3A_831 = vector.broadcast %add3A_830 : i32 to vector<16xi32>
      %add3A_832 = arith.addi %iota3A, %add3A_831 : vector<16xi32>
      %lt3A_833 = vector.broadcast %while3A_107 : f32 to vector<16xf32>
      %lt3A_834 = arith.cmpf olt, %get3A_828, %lt3A_833 : vector<16xf32>
      %eq3A_835 = vector.broadcast %while3A_107 : f32 to vector<16xf32>
      %eq3A_836 = arith.cmpf oeq, %get3A_828, %eq3A_835 : vector<16xf32>
      %gt3A_837 = vector.broadcast %while3A_108 : i32 to vector<16xi32>
      %gt3A_838 = arith.cmpi sgt, %add3A_832, %gt3A_837 : vector<16xi32>
      %and3A_839 = arith.andi %eq3A_836, %gt3A_838 : vector<16xi1>
      %or3A_840 = arith.ori %lt3A_834, %and3A_839 : vector<16xi1>
      %gt3A_841 = arith.cmpf ogt, %get3A_828, %select_n3A_825 : vector<16xf32>
      %and3A_842 = arith.andi %or3A_840, %gt3A_841 : vector<16xi1>
      %select_n3A_843 = arith.select %and3A_842, %get3A_828, %select_n3A_825 : vector<16xi1>, vector<16xf32>
      %select_n3A_844 = arith.select %and3A_842, %add3A_832, %select_n3A_826 : vector<16xi1>, vector<16xi32>
      %get3A_845 = arith.constant 656 : index
      %get3A_846 = tpu.vector_load %arg16[%get3A_845] {strides = array<i32>} : memref<1280xf32, #tpu.memory_space<vmem>>, vector<16xf32>,
      %add3A_847 = arith.constant 656 : i32
      %add3A_848 = arith.addi %mul3A_0, %add3A_847 : i32
      %add3A_849 = vector.broadcast %add3A_848 : i32 to vector<16xi32>
      %add3A_850 = arith.addi %iota3A, %add3A_849 : vector<16xi32>
      %lt3A_851 = vector.broadcast %while3A_107 : f32 to vector<16xf32>
      %lt3A_852 = arith.cmpf olt, %get3A_846, %lt3A_851 : vector<16xf32>
      %eq3A_853 = vector.broadcast %while3A_107 : f32 to vector<16xf32>
      %eq3A_854 = arith.cmpf oeq, %get3A_846, %eq3A_853 : vector<16xf32>
      %gt3A_855 = vector.broadcast %while3A_108 : i32 to vector<16xi32>
      %gt3A_856 = arith.cmpi sgt, %add3A_850, %gt3A_855 : vector<16xi32>
      %and3A_857 = arith.andi %eq3A_854, %gt3A_856 : vector<16xi1>
      %or3A_858 = arith.ori %lt3A_852, %and3A_857 : vector<16xi1>
      %gt3A_859 = arith.cmpf ogt, %get3A_846, %select_n3A_843 : vector<16xf32>
      %and3A_860 = arith.andi %or3A_858, %gt3A_859 : vector<16xi1>
      %select_n3A_861 = arith.select %and3A_860, %get3A_846, %select_n3A_843 : vector<16xi1>, vector<16xf32>
      %select_n3A_862 = arith.select %and3A_860, %add3A_850, %select_n3A_844 : vector<16xi1>, vector<16xi32>
      %get3A_863 = arith.constant 672 : index
      %get3A_864 = tpu.vector_load %arg16[%get3A_863] {strides = array<i32>} : memref<1280xf32, #tpu.memory_space<vmem>>, vector<16xf32>,
      %add3A_865 = arith.constant 672 : i32
      %add3A_866 = arith.addi %mul3A_0, %add3A_865 : i32
      %add3A_867 = vector.broadcast %add3A_866 : i32 to vector<16xi32>
      %add3A_868 = arith.addi %iota3A, %add3A_867 : vector<16xi32>
      %lt3A_869 = vector.broadcast %while3A_107 : f32 to vector<16xf32>
      %lt3A_870 = arith.cmpf olt, %get3A_864, %lt3A_869 : vector<16xf32>
      %eq3A_871 = vector.broadcast %while3A_107 : f32 to vector<16xf32>
      %eq3A_872 = arith.cmpf oeq, %get3A_864, %eq3A_871 : vector<16xf32>
      %gt3A_873 = vector.broadcast %while3A_108 : i32 to vector<16xi32>
      %gt3A_874 = arith.cmpi sgt, %add3A_868, %gt3A_873 : vector<16xi32>
      %and3A_875 = arith.andi %eq3A_872, %gt3A_874 : vector<16xi1>
      %or3A_876 = arith.ori %lt3A_870, %and3A_875 : vector<16xi1>
      %gt3A_877 = arith.cmpf ogt, %get3A_864, %select_n3A_861 : vector<16xf32>
      %and3A_878 = arith.andi %or3A_876, %gt3A_877 : vector<16xi1>
      %select_n3A_879 = arith.select %and3A_878, %get3A_864, %select_n3A_861 : vector<16xi1>, vector<16xf32>
      %select_n3A_880 = arith.select %and3A_878, %add3A_868, %select_n3A_862 : vector<16xi1>, vector<16xi32>
      %get3A_881 = arith.constant 688 : index
      %get3A_882 = tpu.vector_load %arg16[%get3A_881] {strides = array<i32>} : memref<1280xf32, #tpu.memory_space<vmem>>, vector<16xf32>,
      %add3A_883 = arith.constant 688 : i32
      %add3A_884 = arith.addi %mul3A_0, %add3A_883 : i32
      %add3A_885 = vector.broadcast %add3A_884 : i32 to vector<16xi32>
      %add3A_886 = arith.addi %iota3A, %add3A_885 : vector<16xi32>
      %lt3A_887 = vector.broadcast %while3A_107 : f32 to vector<16xf32>
      %lt3A_888 = arith.cmpf olt, %get3A_882, %lt3A_887 : vector<16xf32>
      %eq3A_889 = vector.broadcast %while3A_107 : f32 to vector<16xf32>
      %eq3A_890 = arith.cmpf oeq, %get3A_882, %eq3A_889 : vector<16xf32>
      %gt3A_891 = vector.broadcast %while3A_108 : i32 to vector<16xi32>
      %gt3A_892 = arith.cmpi sgt, %add3A_886, %gt3A_891 : vector<16xi32>
      %and3A_893 = arith.andi %eq3A_890, %gt3A_892 : vector<16xi1>
      %or3A_894 = arith.ori %lt3A_888, %and3A_893 : vector<16xi1>
      %gt3A_895 = arith.cmpf ogt, %get3A_882, %select_n3A_879 : vector<16xf32>
      %and3A_896 = arith.andi %or3A_894, %gt3A_895 : vector<16xi1>
      %select_n3A_897 = arith.select %and3A_896, %get3A_882, %select_n3A_879 : vector<16xi1>, vector<16xf32>
      %select_n3A_898 = arith.select %and3A_896, %add3A_886, %select_n3A_880 : vector<16xi1>, vector<16xi32>
      %get3A_899 = arith.constant 704 : index
      %get3A_900 = tpu.vector_load %arg16[%get3A_899] {strides = array<i32>} : memref<1280xf32, #tpu.memory_space<vmem>>, vector<16xf32>,
      %add3A_901 = arith.constant 704 : i32
      %add3A_902 = arith.addi %mul3A_0, %add3A_901 : i32
      %add3A_903 = vector.broadcast %add3A_902 : i32 to vector<16xi32>
      %add3A_904 = arith.addi %iota3A, %add3A_903 : vector<16xi32>
      %lt3A_905 = vector.broadcast %while3A_107 : f32 to vector<16xf32>
      %lt3A_906 = arith.cmpf olt, %get3A_900, %lt3A_905 : vector<16xf32>
      %eq3A_907 = vector.broadcast %while3A_107 : f32 to vector<16xf32>
      %eq3A_908 = arith.cmpf oeq, %get3A_900, %eq3A_907 : vector<16xf32>
      %gt3A_909 = vector.broadcast %while3A_108 : i32 to vector<16xi32>
      %gt3A_910 = arith.cmpi sgt, %add3A_904, %gt3A_909 : vector<16xi32>
      %and3A_911 = arith.andi %eq3A_908, %gt3A_910 : vector<16xi1>
      %or3A_912 = arith.ori %lt3A_906, %and3A_911 : vector<16xi1>
      %gt3A_913 = arith.cmpf ogt, %get3A_900, %select_n3A_897 : vector<16xf32>
      %and3A_914 = arith.andi %or3A_912, %gt3A_913 : vector<16xi1>
      %select_n3A_915 = arith.select %and3A_914, %get3A_900, %select_n3A_897 : vector<16xi1>, vector<16xf32>
      %select_n3A_916 = arith.select %and3A_914, %add3A_904, %select_n3A_898 : vector<16xi1>, vector<16xi32>
      %get3A_917 = arith.constant 720 : index
      %get3A_918 = tpu.vector_load %arg16[%get3A_917] {strides = array<i32>} : memref<1280xf32, #tpu.memory_space<vmem>>, vector<16xf32>,
      %add3A_919 = arith.constant 720 : i32
      %add3A_920 = arith.addi %mul3A_0, %add3A_919 : i32
      %add3A_921 = vector.broadcast %add3A_920 : i32 to vector<16xi32>
      %add3A_922 = arith.addi %iota3A, %add3A_921 : vector<16xi32>
      %lt3A_923 = vector.broadcast %while3A_107 : f32 to vector<16xf32>
      %lt3A_924 = arith.cmpf olt, %get3A_918, %lt3A_923 : vector<16xf32>
      %eq3A_925 = vector.broadcast %while3A_107 : f32 to vector<16xf32>
      %eq3A_926 = arith.cmpf oeq, %get3A_918, %eq3A_925 : vector<16xf32>
      %gt3A_927 = vector.broadcast %while3A_108 : i32 to vector<16xi32>
      %gt3A_928 = arith.cmpi sgt, %add3A_922, %gt3A_927 : vector<16xi32>
      %and3A_929 = arith.andi %eq3A_926, %gt3A_928 : vector<16xi1>
      %or3A_930 = arith.ori %lt3A_924, %and3A_929 : vector<16xi1>
      %gt3A_931 = arith.cmpf ogt, %get3A_918, %select_n3A_915 : vector<16xf32>
      %and3A_932 = arith.andi %or3A_930, %gt3A_931 : vector<16xi1>
      %select_n3A_933 = arith.select %and3A_932, %get3A_918, %select_n3A_915 : vector<16xi1>, vector<16xf32>
      %select_n3A_934 = arith.select %and3A_932, %add3A_922, %select_n3A_916 : vector<16xi1>, vector<16xi32>
      %get3A_935 = arith.constant 736 : index
      %get3A_936 = tpu.vector_load %arg16[%get3A_935] {strides = array<i32>} : memref<1280xf32, #tpu.memory_space<vmem>>, vector<16xf32>,
      %add3A_937 = arith.constant 736 : i32
      %add3A_938 = arith.addi %mul3A_0, %add3A_937 : i32
      %add3A_939 = vector.broadcast %add3A_938 : i32 to vector<16xi32>
      %add3A_940 = arith.addi %iota3A, %add3A_939 : vector<16xi32>
      %lt3A_941 = vector.broadcast %while3A_107 : f32 to vector<16xf32>
      %lt3A_942 = arith.cmpf olt, %get3A_936, %lt3A_941 : vector<16xf32>
      %eq3A_943 = vector.broadcast %while3A_107 : f32 to vector<16xf32>
      %eq3A_944 = arith.cmpf oeq, %get3A_936, %eq3A_943 : vector<16xf32>
      %gt3A_945 = vector.broadcast %while3A_108 : i32 to vector<16xi32>
      %gt3A_946 = arith.cmpi sgt, %add3A_940, %gt3A_945 : vector<16xi32>
      %and3A_947 = arith.andi %eq3A_944, %gt3A_946 : vector<16xi1>
      %or3A_948 = arith.ori %lt3A_942, %and3A_947 : vector<16xi1>
      %gt3A_949 = arith.cmpf ogt, %get3A_936, %select_n3A_933 : vector<16xf32>
      %and3A_950 = arith.andi %or3A_948, %gt3A_949 : vector<16xi1>
      %select_n3A_951 = arith.select %and3A_950, %get3A_936, %select_n3A_933 : vector<16xi1>, vector<16xf32>
      %select_n3A_952 = arith.select %and3A_950, %add3A_940, %select_n3A_934 : vector<16xi1>, vector<16xi32>
      %get3A_953 = arith.constant 752 : index
      %get3A_954 = tpu.vector_load %arg16[%get3A_953] {strides = array<i32>} : memref<1280xf32, #tpu.memory_space<vmem>>, vector<16xf32>,
      %add3A_955 = arith.constant 752 : i32
      %add3A_956 = arith.addi %mul3A_0, %add3A_955 : i32
      %add3A_957 = vector.broadcast %add3A_956 : i32 to vector<16xi32>
      %add3A_958 = arith.addi %iota3A, %add3A_957 : vector<16xi32>
      %lt3A_959 = vector.broadcast %while3A_107 : f32 to vector<16xf32>
      %lt3A_960 = arith.cmpf olt, %get3A_954, %lt3A_959 : vector<16xf32>
      %eq3A_961 = vector.broadcast %while3A_107 : f32 to vector<16xf32>
      %eq3A_962 = arith.cmpf oeq, %get3A_954, %eq3A_961 : vector<16xf32>
      %gt3A_963 = vector.broadcast %while3A_108 : i32 to vector<16xi32>
      %gt3A_964 = arith.cmpi sgt, %add3A_958, %gt3A_963 : vector<16xi32>
      %and3A_965 = arith.andi %eq3A_962, %gt3A_964 : vector<16xi1>
      %or3A_966 = arith.ori %lt3A_960, %and3A_965 : vector<16xi1>
      %gt3A_967 = arith.cmpf ogt, %get3A_954, %select_n3A_951 : vector<16xf32>
      %and3A_968 = arith.andi %or3A_966, %gt3A_967 : vector<16xi1>
      %select_n3A_969 = arith.select %and3A_968, %get3A_954, %select_n3A_951 : vector<16xi1>, vector<16xf32>
      %select_n3A_970 = arith.select %and3A_968, %add3A_958, %select_n3A_952 : vector<16xi1>, vector<16xi32>
      %get3A_971 = arith.constant 768 : index
      %get3A_972 = tpu.vector_load %arg16[%get3A_971] {strides = array<i32>} : memref<1280xf32, #tpu.memory_space<vmem>>, vector<16xf32>,
      %add3A_973 = arith.constant 768 : i32
      %add3A_974 = arith.addi %mul3A_0, %add3A_973 : i32
      %add3A_975 = vector.broadcast %add3A_974 : i32 to vector<16xi32>
      %add3A_976 = arith.addi %iota3A, %add3A_975 : vector<16xi32>
      %lt3A_977 = vector.broadcast %while3A_107 : f32 to vector<16xf32>
      %lt3A_978 = arith.cmpf olt, %get3A_972, %lt3A_977 : vector<16xf32>
      %eq3A_979 = vector.broadcast %while3A_107 : f32 to vector<16xf32>
      %eq3A_980 = arith.cmpf oeq, %get3A_972, %eq3A_979 : vector<16xf32>
      %gt3A_981 = vector.broadcast %while3A_108 : i32 to vector<16xi32>
      %gt3A_982 = arith.cmpi sgt, %add3A_976, %gt3A_981 : vector<16xi32>
      %and3A_983 = arith.andi %eq3A_980, %gt3A_982 : vector<16xi1>
      %or3A_984 = arith.ori %lt3A_978, %and3A_983 : vector<16xi1>
      %gt3A_985 = arith.cmpf ogt, %get3A_972, %select_n3A_969 : vector<16xf32>
      %and3A_986 = arith.andi %or3A_984, %gt3A_985 : vector<16xi1>
      %select_n3A_987 = arith.select %and3A_986, %get3A_972, %select_n3A_969 : vector<16xi1>, vector<16xf32>
      %select_n3A_988 = arith.select %and3A_986, %add3A_976, %select_n3A_970 : vector<16xi1>, vector<16xi32>
      %get3A_989 = arith.constant 784 : index
      %get3A_990 = tpu.vector_load %arg16[%get3A_989] {strides = array<i32>} : memref<1280xf32, #tpu.memory_space<vmem>>, vector<16xf32>,
      %add3A_991 = arith.constant 784 : i32
      %add3A_992 = arith.addi %mul3A_0, %add3A_991 : i32
      %add3A_993 = vector.broadcast %add3A_992 : i32 to vector<16xi32>
      %add3A_994 = arith.addi %iota3A, %add3A_993 : vector<16xi32>
      %lt3A_995 = vector.broadcast %while3A_107 : f32 to vector<16xf32>
      %lt3A_996 = arith.cmpf olt, %get3A_990, %lt3A_995 : vector<16xf32>
      %eq3A_997 = vector.broadcast %while3A_107 : f32 to vector<16xf32>
      %eq3A_998 = arith.cmpf oeq, %get3A_990, %eq3A_997 : vector<16xf32>
      %gt3A_999 = vector.broadcast %while3A_108 : i32 to vector<16xi32>
      %gt3A_1000 = arith.cmpi sgt, %add3A_994, %gt3A_999 : vector<16xi32>
      %and3A_1001 = arith.andi %eq3A_998, %gt3A_1000 : vector<16xi1>
      %or3A_1002 = arith.ori %lt3A_996, %and3A_1001 : vector<16xi1>
      %gt3A_1003 = arith.cmpf ogt, %get3A_990, %select_n3A_987 : vector<16xf32>
      %and3A_1004 = arith.andi %or3A_1002, %gt3A_1003 : vector<16xi1>
      %select_n3A_1005 = arith.select %and3A_1004, %get3A_990, %select_n3A_987 : vector<16xi1>, vector<16xf32>
      %select_n3A_1006 = arith.select %and3A_1004, %add3A_994, %select_n3A_988 : vector<16xi1>, vector<16xi32>
      %get3A_1007 = arith.constant 800 : index
      %get3A_1008 = tpu.vector_load %arg16[%get3A_1007] {strides = array<i32>} : memref<1280xf32, #tpu.memory_space<vmem>>, vector<16xf32>,
      %add3A_1009 = arith.constant 800 : i32
      %add3A_1010 = arith.addi %mul3A_0, %add3A_1009 : i32
      %add3A_1011 = vector.broadcast %add3A_1010 : i32 to vector<16xi32>
      %add3A_1012 = arith.addi %iota3A, %add3A_1011 : vector<16xi32>
      %lt3A_1013 = vector.broadcast %while3A_107 : f32 to vector<16xf32>
      %lt3A_1014 = arith.cmpf olt, %get3A_1008, %lt3A_1013 : vector<16xf32>
      %eq3A_1015 = vector.broadcast %while3A_107 : f32 to vector<16xf32>
      %eq3A_1016 = arith.cmpf oeq, %get3A_1008, %eq3A_1015 : vector<16xf32>
      %gt3A_1017 = vector.broadcast %while3A_108 : i32 to vector<16xi32>
      %gt3A_1018 = arith.cmpi sgt, %add3A_1012, %gt3A_1017 : vector<16xi32>
      %and3A_1019 = arith.andi %eq3A_1016, %gt3A_1018 : vector<16xi1>
      %or3A_1020 = arith.ori %lt3A_1014, %and3A_1019 : vector<16xi1>
      %gt3A_1021 = arith.cmpf ogt, %get3A_1008, %select_n3A_1005 : vector<16xf32>
      %and3A_1022 = arith.andi %or3A_1020, %gt3A_1021 : vector<16xi1>
      %select_n3A_1023 = arith.select %and3A_1022, %get3A_1008, %select_n3A_1005 : vector<16xi1>, vector<16xf32>
      %select_n3A_1024 = arith.select %and3A_1022, %add3A_1012, %select_n3A_1006 : vector<16xi1>, vector<16xi32>
      %get3A_1025 = arith.constant 816 : index
      %get3A_1026 = tpu.vector_load %arg16[%get3A_1025] {strides = array<i32>} : memref<1280xf32, #tpu.memory_space<vmem>>, vector<16xf32>,
      %add3A_1027 = arith.constant 816 : i32
      %add3A_1028 = arith.addi %mul3A_0, %add3A_1027 : i32
      %add3A_1029 = vector.broadcast %add3A_1028 : i32 to vector<16xi32>
      %add3A_1030 = arith.addi %iota3A, %add3A_1029 : vector<16xi32>
      %lt3A_1031 = vector.broadcast %while3A_107 : f32 to vector<16xf32>
      %lt3A_1032 = arith.cmpf olt, %get3A_1026, %lt3A_1031 : vector<16xf32>
      %eq3A_1033 = vector.broadcast %while3A_107 : f32 to vector<16xf32>
      %eq3A_1034 = arith.cmpf oeq, %get3A_1026, %eq3A_1033 : vector<16xf32>
      %gt3A_1035 = vector.broadcast %while3A_108 : i32 to vector<16xi32>
      %gt3A_1036 = arith.cmpi sgt, %add3A_1030, %gt3A_1035 : vector<16xi32>
      %and3A_1037 = arith.andi %eq3A_1034, %gt3A_1036 : vector<16xi1>
      %or3A_1038 = arith.ori %lt3A_1032, %and3A_1037 : vector<16xi1>
      %gt3A_1039 = arith.cmpf ogt, %get3A_1026, %select_n3A_1023 : vector<16xf32>
      %and3A_1040 = arith.andi %or3A_1038, %gt3A_1039 : vector<16xi1>
      %select_n3A_1041 = arith.select %and3A_1040, %get3A_1026, %select_n3A_1023 : vector<16xi1>, vector<16xf32>
      %select_n3A_1042 = arith.select %and3A_1040, %add3A_1030, %select_n3A_1024 : vector<16xi1>, vector<16xi32>
      %get3A_1043 = arith.constant 832 : index
      %get3A_1044 = tpu.vector_load %arg16[%get3A_1043] {strides = array<i32>} : memref<1280xf32, #tpu.memory_space<vmem>>, vector<16xf32>,
      %add3A_1045 = arith.constant 832 : i32
      %add3A_1046 = arith.addi %mul3A_0, %add3A_1045 : i32
      %add3A_1047 = vector.broadcast %add3A_1046 : i32 to vector<16xi32>
      %add3A_1048 = arith.addi %iota3A, %add3A_1047 : vector<16xi32>
      %lt3A_1049 = vector.broadcast %while3A_107 : f32 to vector<16xf32>
      %lt3A_1050 = arith.cmpf olt, %get3A_1044, %lt3A_1049 : vector<16xf32>
      %eq3A_1051 = vector.broadcast %while3A_107 : f32 to vector<16xf32>
      %eq3A_1052 = arith.cmpf oeq, %get3A_1044, %eq3A_1051 : vector<16xf32>
      %gt3A_1053 = vector.broadcast %while3A_108 : i32 to vector<16xi32>
      %gt3A_1054 = arith.cmpi sgt, %add3A_1048, %gt3A_1053 : vector<16xi32>
      %and3A_1055 = arith.andi %eq3A_1052, %gt3A_1054 : vector<16xi1>
      %or3A_1056 = arith.ori %lt3A_1050, %and3A_1055 : vector<16xi1>
      %gt3A_1057 = arith.cmpf ogt, %get3A_1044, %select_n3A_1041 : vector<16xf32>
      %and3A_1058 = arith.andi %or3A_1056, %gt3A_1057 : vector<16xi1>
      %select_n3A_1059 = arith.select %and3A_1058, %get3A_1044, %select_n3A_1041 : vector<16xi1>, vector<16xf32>
      %select_n3A_1060 = arith.select %and3A_1058, %add3A_1048, %select_n3A_1042 : vector<16xi1>, vector<16xi32>
      %get3A_1061 = arith.constant 848 : index
      %get3A_1062 = tpu.vector_load %arg16[%get3A_1061] {strides = array<i32>} : memref<1280xf32, #tpu.memory_space<vmem>>, vector<16xf32>,
      %add3A_1063 = arith.constant 848 : i32
      %add3A_1064 = arith.addi %mul3A_0, %add3A_1063 : i32
      %add3A_1065 = vector.broadcast %add3A_1064 : i32 to vector<16xi32>
      %add3A_1066 = arith.addi %iota3A, %add3A_1065 : vector<16xi32>
      %lt3A_1067 = vector.broadcast %while3A_107 : f32 to vector<16xf32>
      %lt3A_1068 = arith.cmpf olt, %get3A_1062, %lt3A_1067 : vector<16xf32>
      %eq3A_1069 = vector.broadcast %while3A_107 : f32 to vector<16xf32>
      %eq3A_1070 = arith.cmpf oeq, %get3A_1062, %eq3A_1069 : vector<16xf32>
      %gt3A_1071 = vector.broadcast %while3A_108 : i32 to vector<16xi32>
      %gt3A_1072 = arith.cmpi sgt, %add3A_1066, %gt3A_1071 : vector<16xi32>
      %and3A_1073 = arith.andi %eq3A_1070, %gt3A_1072 : vector<16xi1>
      %or3A_1074 = arith.ori %lt3A_1068, %and3A_1073 : vector<16xi1>
      %gt3A_1075 = arith.cmpf ogt, %get3A_1062, %select_n3A_1059 : vector<16xf32>
      %and3A_1076 = arith.andi %or3A_1074, %gt3A_1075 : vector<16xi1>
      %select_n3A_1077 = arith.select %and3A_1076, %get3A_1062, %select_n3A_1059 : vector<16xi1>, vector<16xf32>
      %select_n3A_1078 = arith.select %and3A_1076, %add3A_1066, %select_n3A_1060 : vector<16xi1>, vector<16xi32>
      %get3A_1079 = arith.constant 864 : index
      %get3A_1080 = tpu.vector_load %arg16[%get3A_1079] {strides = array<i32>} : memref<1280xf32, #tpu.memory_space<vmem>>, vector<16xf32>,
      %add3A_1081 = arith.constant 864 : i32
      %add3A_1082 = arith.addi %mul3A_0, %add3A_1081 : i32
      %add3A_1083 = vector.broadcast %add3A_1082 : i32 to vector<16xi32>
      %add3A_1084 = arith.addi %iota3A, %add3A_1083 : vector<16xi32>
      %lt3A_1085 = vector.broadcast %while3A_107 : f32 to vector<16xf32>
      %lt3A_1086 = arith.cmpf olt, %get3A_1080, %lt3A_1085 : vector<16xf32>
      %eq3A_1087 = vector.broadcast %while3A_107 : f32 to vector<16xf32>
      %eq3A_1088 = arith.cmpf oeq, %get3A_1080, %eq3A_1087 : vector<16xf32>
      %gt3A_1089 = vector.broadcast %while3A_108 : i32 to vector<16xi32>
      %gt3A_1090 = arith.cmpi sgt, %add3A_1084, %gt3A_1089 : vector<16xi32>
      %and3A_1091 = arith.andi %eq3A_1088, %gt3A_1090 : vector<16xi1>
      %or3A_1092 = arith.ori %lt3A_1086, %and3A_1091 : vector<16xi1>
      %gt3A_1093 = arith.cmpf ogt, %get3A_1080, %select_n3A_1077 : vector<16xf32>
      %and3A_1094 = arith.andi %or3A_1092, %gt3A_1093 : vector<16xi1>
      %select_n3A_1095 = arith.select %and3A_1094, %get3A_1080, %select_n3A_1077 : vector<16xi1>, vector<16xf32>
      %select_n3A_1096 = arith.select %and3A_1094, %add3A_1084, %select_n3A_1078 : vector<16xi1>, vector<16xi32>
      %get3A_1097 = arith.constant 880 : index
      %get3A_1098 = tpu.vector_load %arg16[%get3A_1097] {strides = array<i32>} : memref<1280xf32, #tpu.memory_space<vmem>>, vector<16xf32>,
      %add3A_1099 = arith.constant 880 : i32
      %add3A_1100 = arith.addi %mul3A_0, %add3A_1099 : i32
      %add3A_1101 = vector.broadcast %add3A_1100 : i32 to vector<16xi32>
      %add3A_1102 = arith.addi %iota3A, %add3A_1101 : vector<16xi32>
      %lt3A_1103 = vector.broadcast %while3A_107 : f32 to vector<16xf32>
      %lt3A_1104 = arith.cmpf olt, %get3A_1098, %lt3A_1103 : vector<16xf32>
      %eq3A_1105 = vector.broadcast %while3A_107 : f32 to vector<16xf32>
      %eq3A_1106 = arith.cmpf oeq, %get3A_1098, %eq3A_1105 : vector<16xf32>
      %gt3A_1107 = vector.broadcast %while3A_108 : i32 to vector<16xi32>
      %gt3A_1108 = arith.cmpi sgt, %add3A_1102, %gt3A_1107 : vector<16xi32>
      %and3A_1109 = arith.andi %eq3A_1106, %gt3A_1108 : vector<16xi1>
      %or3A_1110 = arith.ori %lt3A_1104, %and3A_1109 : vector<16xi1>
      %gt3A_1111 = arith.cmpf ogt, %get3A_1098, %select_n3A_1095 : vector<16xf32>
      %and3A_1112 = arith.andi %or3A_1110, %gt3A_1111 : vector<16xi1>
      %select_n3A_1113 = arith.select %and3A_1112, %get3A_1098, %select_n3A_1095 : vector<16xi1>, vector<16xf32>
      %select_n3A_1114 = arith.select %and3A_1112, %add3A_1102, %select_n3A_1096 : vector<16xi1>, vector<16xi32>
      %get3A_1115 = arith.constant 896 : index
      %get3A_1116 = tpu.vector_load %arg16[%get3A_1115] {strides = array<i32>} : memref<1280xf32, #tpu.memory_space<vmem>>, vector<16xf32>,
      %add3A_1117 = arith.constant 896 : i32
      %add3A_1118 = arith.addi %mul3A_0, %add3A_1117 : i32
      %add3A_1119 = vector.broadcast %add3A_1118 : i32 to vector<16xi32>
      %add3A_1120 = arith.addi %iota3A, %add3A_1119 : vector<16xi32>
      %lt3A_1121 = vector.broadcast %while3A_107 : f32 to vector<16xf32>
      %lt3A_1122 = arith.cmpf olt, %get3A_1116, %lt3A_1121 : vector<16xf32>
      %eq3A_1123 = vector.broadcast %while3A_107 : f32 to vector<16xf32>
      %eq3A_1124 = arith.cmpf oeq, %get3A_1116, %eq3A_1123 : vector<16xf32>
      %gt3A_1125 = vector.broadcast %while3A_108 : i32 to vector<16xi32>
      %gt3A_1126 = arith.cmpi sgt, %add3A_1120, %gt3A_1125 : vector<16xi32>
      %and3A_1127 = arith.andi %eq3A_1124, %gt3A_1126 : vector<16xi1>
      %or3A_1128 = arith.ori %lt3A_1122, %and3A_1127 : vector<16xi1>
      %gt3A_1129 = arith.cmpf ogt, %get3A_1116, %select_n3A_1113 : vector<16xf32>
      %and3A_1130 = arith.andi %or3A_1128, %gt3A_1129 : vector<16xi1>
      %select_n3A_1131 = arith.select %and3A_1130, %get3A_1116, %select_n3A_1113 : vector<16xi1>, vector<16xf32>
      %select_n3A_1132 = arith.select %and3A_1130, %add3A_1120, %select_n3A_1114 : vector<16xi1>, vector<16xi32>
      %get3A_1133 = arith.constant 912 : index
      %get3A_1134 = tpu.vector_load %arg16[%get3A_1133] {strides = array<i32>} : memref<1280xf32, #tpu.memory_space<vmem>>, vector<16xf32>,
      %add3A_1135 = arith.constant 912 : i32
      %add3A_1136 = arith.addi %mul3A_0, %add3A_1135 : i32
      %add3A_1137 = vector.broadcast %add3A_1136 : i32 to vector<16xi32>
      %add3A_1138 = arith.addi %iota3A, %add3A_1137 : vector<16xi32>
      %lt3A_1139 = vector.broadcast %while3A_107 : f32 to vector<16xf32>
      %lt3A_1140 = arith.cmpf olt, %get3A_1134, %lt3A_1139 : vector<16xf32>
      %eq3A_1141 = vector.broadcast %while3A_107 : f32 to vector<16xf32>
      %eq3A_1142 = arith.cmpf oeq, %get3A_1134, %eq3A_1141 : vector<16xf32>
      %gt3A_1143 = vector.broadcast %while3A_108 : i32 to vector<16xi32>
      %gt3A_1144 = arith.cmpi sgt, %add3A_1138, %gt3A_1143 : vector<16xi32>
      %and3A_1145 = arith.andi %eq3A_1142, %gt3A_1144 : vector<16xi1>
      %or3A_1146 = arith.ori %lt3A_1140, %and3A_1145 : vector<16xi1>
      %gt3A_1147 = arith.cmpf ogt, %get3A_1134, %select_n3A_1131 : vector<16xf32>
      %and3A_1148 = arith.andi %or3A_1146, %gt3A_1147 : vector<16xi1>
      %select_n3A_1149 = arith.select %and3A_1148, %get3A_1134, %select_n3A_1131 : vector<16xi1>, vector<16xf32>
      %select_n3A_1150 = arith.select %and3A_1148, %add3A_1138, %select_n3A_1132 : vector<16xi1>, vector<16xi32>
      %get3A_1151 = arith.constant 928 : index
      %get3A_1152 = tpu.vector_load %arg16[%get3A_1151] {strides = array<i32>} : memref<1280xf32, #tpu.memory_space<vmem>>, vector<16xf32>,
      %add3A_1153 = arith.constant 928 : i32
      %add3A_1154 = arith.addi %mul3A_0, %add3A_1153 : i32
      %add3A_1155 = vector.broadcast %add3A_1154 : i32 to vector<16xi32>
      %add3A_1156 = arith.addi %iota3A, %add3A_1155 : vector<16xi32>
      %lt3A_1157 = vector.broadcast %while3A_107 : f32 to vector<16xf32>
      %lt3A_1158 = arith.cmpf olt, %get3A_1152, %lt3A_1157 : vector<16xf32>
      %eq3A_1159 = vector.broadcast %while3A_107 : f32 to vector<16xf32>
      %eq3A_1160 = arith.cmpf oeq, %get3A_1152, %eq3A_1159 : vector<16xf32>
      %gt3A_1161 = vector.broadcast %while3A_108 : i32 to vector<16xi32>
      %gt3A_1162 = arith.cmpi sgt, %add3A_1156, %gt3A_1161 : vector<16xi32>
      %and3A_1163 = arith.andi %eq3A_1160, %gt3A_1162 : vector<16xi1>
      %or3A_1164 = arith.ori %lt3A_1158, %and3A_1163 : vector<16xi1>
      %gt3A_1165 = arith.cmpf ogt, %get3A_1152, %select_n3A_1149 : vector<16xf32>
      %and3A_1166 = arith.andi %or3A_1164, %gt3A_1165 : vector<16xi1>
      %select_n3A_1167 = arith.select %and3A_1166, %get3A_1152, %select_n3A_1149 : vector<16xi1>, vector<16xf32>
      %select_n3A_1168 = arith.select %and3A_1166, %add3A_1156, %select_n3A_1150 : vector<16xi1>, vector<16xi32>
      %get3A_1169 = arith.constant 944 : index
      %get3A_1170 = tpu.vector_load %arg16[%get3A_1169] {strides = array<i32>} : memref<1280xf32, #tpu.memory_space<vmem>>, vector<16xf32>,
      %add3A_1171 = arith.constant 944 : i32
      %add3A_1172 = arith.addi %mul3A_0, %add3A_1171 : i32
      %add3A_1173 = vector.broadcast %add3A_1172 : i32 to vector<16xi32>
      %add3A_1174 = arith.addi %iota3A, %add3A_1173 : vector<16xi32>
      %lt3A_1175 = vector.broadcast %while3A_107 : f32 to vector<16xf32>
      %lt3A_1176 = arith.cmpf olt, %get3A_1170, %lt3A_1175 : vector<16xf32>
      %eq3A_1177 = vector.broadcast %while3A_107 : f32 to vector<16xf32>
      %eq3A_1178 = arith.cmpf oeq, %get3A_1170, %eq3A_1177 : vector<16xf32>
      %gt3A_1179 = vector.broadcast %while3A_108 : i32 to vector<16xi32>
      %gt3A_1180 = arith.cmpi sgt, %add3A_1174, %gt3A_1179 : vector<16xi32>
      %and3A_1181 = arith.andi %eq3A_1178, %gt3A_1180 : vector<16xi1>
      %or3A_1182 = arith.ori %lt3A_1176, %and3A_1181 : vector<16xi1>
      %gt3A_1183 = arith.cmpf ogt, %get3A_1170, %select_n3A_1167 : vector<16xf32>
      %and3A_1184 = arith.andi %or3A_1182, %gt3A_1183 : vector<16xi1>
      %select_n3A_1185 = arith.select %and3A_1184, %get3A_1170, %select_n3A_1167 : vector<16xi1>, vector<16xf32>
      %select_n3A_1186 = arith.select %and3A_1184, %add3A_1174, %select_n3A_1168 : vector<16xi1>, vector<16xi32>
      %get3A_1187 = arith.constant 960 : index
      %get3A_1188 = tpu.vector_load %arg16[%get3A_1187] {strides = array<i32>} : memref<1280xf32, #tpu.memory_space<vmem>>, vector<16xf32>,
      %add3A_1189 = arith.constant 960 : i32
      %add3A_1190 = arith.addi %mul3A_0, %add3A_1189 : i32
      %add3A_1191 = vector.broadcast %add3A_1190 : i32 to vector<16xi32>
      %add3A_1192 = arith.addi %iota3A, %add3A_1191 : vector<16xi32>
      %lt3A_1193 = vector.broadcast %while3A_107 : f32 to vector<16xf32>
      %lt3A_1194 = arith.cmpf olt, %get3A_1188, %lt3A_1193 : vector<16xf32>
      %eq3A_1195 = vector.broadcast %while3A_107 : f32 to vector<16xf32>
      %eq3A_1196 = arith.cmpf oeq, %get3A_1188, %eq3A_1195 : vector<16xf32>
      %gt3A_1197 = vector.broadcast %while3A_108 : i32 to vector<16xi32>
      %gt3A_1198 = arith.cmpi sgt, %add3A_1192, %gt3A_1197 : vector<16xi32>
      %and3A_1199 = arith.andi %eq3A_1196, %gt3A_1198 : vector<16xi1>
      %or3A_1200 = arith.ori %lt3A_1194, %and3A_1199 : vector<16xi1>
      %gt3A_1201 = arith.cmpf ogt, %get3A_1188, %select_n3A_1185 : vector<16xf32>
      %and3A_1202 = arith.andi %or3A_1200, %gt3A_1201 : vector<16xi1>
      %select_n3A_1203 = arith.select %and3A_1202, %get3A_1188, %select_n3A_1185 : vector<16xi1>, vector<16xf32>
      %select_n3A_1204 = arith.select %and3A_1202, %add3A_1192, %select_n3A_1186 : vector<16xi1>, vector<16xi32>
      %get3A_1205 = arith.constant 976 : index
      %get3A_1206 = tpu.vector_load %arg16[%get3A_1205] {strides = array<i32>} : memref<1280xf32, #tpu.memory_space<vmem>>, vector<16xf32>,
      %add3A_1207 = arith.constant 976 : i32
      %add3A_1208 = arith.addi %mul3A_0, %add3A_1207 : i32
      %add3A_1209 = vector.broadcast %add3A_1208 : i32 to vector<16xi32>
      %add3A_1210 = arith.addi %iota3A, %add3A_1209 : vector<16xi32>
      %lt3A_1211 = vector.broadcast %while3A_107 : f32 to vector<16xf32>
      %lt3A_1212 = arith.cmpf olt, %get3A_1206, %lt3A_1211 : vector<16xf32>
      %eq3A_1213 = vector.broadcast %while3A_107 : f32 to vector<16xf32>
      %eq3A_1214 = arith.cmpf oeq, %get3A_1206, %eq3A_1213 : vector<16xf32>
      %gt3A_1215 = vector.broadcast %while3A_108 : i32 to vector<16xi32>
      %gt3A_1216 = arith.cmpi sgt, %add3A_1210, %gt3A_1215 : vector<16xi32>
      %and3A_1217 = arith.andi %eq3A_1214, %gt3A_1216 : vector<16xi1>
      %or3A_1218 = arith.ori %lt3A_1212, %and3A_1217 : vector<16xi1>
      %gt3A_1219 = arith.cmpf ogt, %get3A_1206, %select_n3A_1203 : vector<16xf32>
      %and3A_1220 = arith.andi %or3A_1218, %gt3A_1219 : vector<16xi1>
      %select_n3A_1221 = arith.select %and3A_1220, %get3A_1206, %select_n3A_1203 : vector<16xi1>, vector<16xf32>
      %select_n3A_1222 = arith.select %and3A_1220, %add3A_1210, %select_n3A_1204 : vector<16xi1>, vector<16xi32>
      %get3A_1223 = arith.constant 992 : index
      %get3A_1224 = tpu.vector_load %arg16[%get3A_1223] {strides = array<i32>} : memref<1280xf32, #tpu.memory_space<vmem>>, vector<16xf32>,
      %add3A_1225 = arith.constant 992 : i32
      %add3A_1226 = arith.addi %mul3A_0, %add3A_1225 : i32
      %add3A_1227 = vector.broadcast %add3A_1226 : i32 to vector<16xi32>
      %add3A_1228 = arith.addi %iota3A, %add3A_1227 : vector<16xi32>
      %lt3A_1229 = vector.broadcast %while3A_107 : f32 to vector<16xf32>
      %lt3A_1230 = arith.cmpf olt, %get3A_1224, %lt3A_1229 : vector<16xf32>
      %eq3A_1231 = vector.broadcast %while3A_107 : f32 to vector<16xf32>
      %eq3A_1232 = arith.cmpf oeq, %get3A_1224, %eq3A_1231 : vector<16xf32>
      %gt3A_1233 = vector.broadcast %while3A_108 : i32 to vector<16xi32>
      %gt3A_1234 = arith.cmpi sgt, %add3A_1228, %gt3A_1233 : vector<16xi32>
      %and3A_1235 = arith.andi %eq3A_1232, %gt3A_1234 : vector<16xi1>
      %or3A_1236 = arith.ori %lt3A_1230, %and3A_1235 : vector<16xi1>
      %gt3A_1237 = arith.cmpf ogt, %get3A_1224, %select_n3A_1221 : vector<16xf32>
      %and3A_1238 = arith.andi %or3A_1236, %gt3A_1237 : vector<16xi1>
      %select_n3A_1239 = arith.select %and3A_1238, %get3A_1224, %select_n3A_1221 : vector<16xi1>, vector<16xf32>
      %select_n3A_1240 = arith.select %and3A_1238, %add3A_1228, %select_n3A_1222 : vector<16xi1>, vector<16xi32>
      %get3A_1241 = arith.constant 1008 : index
      %get3A_1242 = tpu.vector_load %arg16[%get3A_1241] {strides = array<i32>} : memref<1280xf32, #tpu.memory_space<vmem>>, vector<16xf32>,
      %add3A_1243 = arith.constant 1008 : i32
      %add3A_1244 = arith.addi %mul3A_0, %add3A_1243 : i32
      %add3A_1245 = vector.broadcast %add3A_1244 : i32 to vector<16xi32>
      %add3A_1246 = arith.addi %iota3A, %add3A_1245 : vector<16xi32>
      %lt3A_1247 = vector.broadcast %while3A_107 : f32 to vector<16xf32>
      %lt3A_1248 = arith.cmpf olt, %get3A_1242, %lt3A_1247 : vector<16xf32>
      %eq3A_1249 = vector.broadcast %while3A_107 : f32 to vector<16xf32>
      %eq3A_1250 = arith.cmpf oeq, %get3A_1242, %eq3A_1249 : vector<16xf32>
      %gt3A_1251 = vector.broadcast %while3A_108 : i32 to vector<16xi32>
      %gt3A_1252 = arith.cmpi sgt, %add3A_1246, %gt3A_1251 : vector<16xi32>
      %and3A_1253 = arith.andi %eq3A_1250, %gt3A_1252 : vector<16xi1>
      %or3A_1254 = arith.ori %lt3A_1248, %and3A_1253 : vector<16xi1>
      %gt3A_1255 = arith.cmpf ogt, %get3A_1242, %select_n3A_1239 : vector<16xf32>
      %and3A_1256 = arith.andi %or3A_1254, %gt3A_1255 : vector<16xi1>
      %select_n3A_1257 = arith.select %and3A_1256, %get3A_1242, %select_n3A_1239 : vector<16xi1>, vector<16xf32>
      %select_n3A_1258 = arith.select %and3A_1256, %add3A_1246, %select_n3A_1240 : vector<16xi1>, vector<16xi32>
      %get3A_1259 = arith.constant 1024 : index
      %get3A_1260 = tpu.vector_load %arg16[%get3A_1259] {strides = array<i32>} : memref<1280xf32, #tpu.memory_space<vmem>>, vector<16xf32>,
      %add3A_1261 = arith.constant 1024 : i32
      %add3A_1262 = arith.addi %mul3A_0, %add3A_1261 : i32
      %add3A_1263 = vector.broadcast %add3A_1262 : i32 to vector<16xi32>
      %add3A_1264 = arith.addi %iota3A, %add3A_1263 : vector<16xi32>
      %lt3A_1265 = vector.broadcast %while3A_107 : f32 to vector<16xf32>
      %lt3A_1266 = arith.cmpf olt, %get3A_1260, %lt3A_1265 : vector<16xf32>
      %eq3A_1267 = vector.broadcast %while3A_107 : f32 to vector<16xf32>
      %eq3A_1268 = arith.cmpf oeq, %get3A_1260, %eq3A_1267 : vector<16xf32>
      %gt3A_1269 = vector.broadcast %while3A_108 : i32 to vector<16xi32>
      %gt3A_1270 = arith.cmpi sgt, %add3A_1264, %gt3A_1269 : vector<16xi32>
      %and3A_1271 = arith.andi %eq3A_1268, %gt3A_1270 : vector<16xi1>
      %or3A_1272 = arith.ori %lt3A_1266, %and3A_1271 : vector<16xi1>
      %gt3A_1273 = arith.cmpf ogt, %get3A_1260, %select_n3A_1257 : vector<16xf32>
      %and3A_1274 = arith.andi %or3A_1272, %gt3A_1273 : vector<16xi1>
      %select_n3A_1275 = arith.select %and3A_1274, %get3A_1260, %select_n3A_1257 : vector<16xi1>, vector<16xf32>
      %select_n3A_1276 = arith.select %and3A_1274, %add3A_1264, %select_n3A_1258 : vector<16xi1>, vector<16xi32>
      %get3A_1277 = arith.constant 1040 : index
      %get3A_1278 = tpu.vector_load %arg16[%get3A_1277] {strides = array<i32>} : memref<1280xf32, #tpu.memory_space<vmem>>, vector<16xf32>,
      %add3A_1279 = arith.constant 1040 : i32
      %add3A_1280 = arith.addi %mul3A_0, %add3A_1279 : i32
      %add3A_1281 = vector.broadcast %add3A_1280 : i32 to vector<16xi32>
      %add3A_1282 = arith.addi %iota3A, %add3A_1281 : vector<16xi32>
      %lt3A_1283 = vector.broadcast %while3A_107 : f32 to vector<16xf32>
      %lt3A_1284 = arith.cmpf olt, %get3A_1278, %lt3A_1283 : vector<16xf32>
      %eq3A_1285 = vector.broadcast %while3A_107 : f32 to vector<16xf32>
      %eq3A_1286 = arith.cmpf oeq, %get3A_1278, %eq3A_1285 : vector<16xf32>
      %gt3A_1287 = vector.broadcast %while3A_108 : i32 to vector<16xi32>
      %gt3A_1288 = arith.cmpi sgt, %add3A_1282, %gt3A_1287 : vector<16xi32>
      %and3A_1289 = arith.andi %eq3A_1286, %gt3A_1288 : vector<16xi1>
      %or3A_1290 = arith.ori %lt3A_1284, %and3A_1289 : vector<16xi1>
      %gt3A_1291 = arith.cmpf ogt, %get3A_1278, %select_n3A_1275 : vector<16xf32>
      %and3A_1292 = arith.andi %or3A_1290, %gt3A_1291 : vector<16xi1>
      %select_n3A_1293 = arith.select %and3A_1292, %get3A_1278, %select_n3A_1275 : vector<16xi1>, vector<16xf32>
      %select_n3A_1294 = arith.select %and3A_1292, %add3A_1282, %select_n3A_1276 : vector<16xi1>, vector<16xi32>
      %get3A_1295 = arith.constant 1056 : index
      %get3A_1296 = tpu.vector_load %arg16[%get3A_1295] {strides = array<i32>} : memref<1280xf32, #tpu.memory_space<vmem>>, vector<16xf32>,
      %add3A_1297 = arith.constant 1056 : i32
      %add3A_1298 = arith.addi %mul3A_0, %add3A_1297 : i32
      %add3A_1299 = vector.broadcast %add3A_1298 : i32 to vector<16xi32>
      %add3A_1300 = arith.addi %iota3A, %add3A_1299 : vector<16xi32>
      %lt3A_1301 = vector.broadcast %while3A_107 : f32 to vector<16xf32>
      %lt3A_1302 = arith.cmpf olt, %get3A_1296, %lt3A_1301 : vector<16xf32>
      %eq3A_1303 = vector.broadcast %while3A_107 : f32 to vector<16xf32>
      %eq3A_1304 = arith.cmpf oeq, %get3A_1296, %eq3A_1303 : vector<16xf32>
      %gt3A_1305 = vector.broadcast %while3A_108 : i32 to vector<16xi32>
      %gt3A_1306 = arith.cmpi sgt, %add3A_1300, %gt3A_1305 : vector<16xi32>
      %and3A_1307 = arith.andi %eq3A_1304, %gt3A_1306 : vector<16xi1>
      %or3A_1308 = arith.ori %lt3A_1302, %and3A_1307 : vector<16xi1>
      %gt3A_1309 = arith.cmpf ogt, %get3A_1296, %select_n3A_1293 : vector<16xf32>
      %and3A_1310 = arith.andi %or3A_1308, %gt3A_1309 : vector<16xi1>
      %select_n3A_1311 = arith.select %and3A_1310, %get3A_1296, %select_n3A_1293 : vector<16xi1>, vector<16xf32>
      %select_n3A_1312 = arith.select %and3A_1310, %add3A_1300, %select_n3A_1294 : vector<16xi1>, vector<16xi32>
      %get3A_1313 = arith.constant 1072 : index
      %get3A_1314 = tpu.vector_load %arg16[%get3A_1313] {strides = array<i32>} : memref<1280xf32, #tpu.memory_space<vmem>>, vector<16xf32>,
      %add3A_1315 = arith.constant 1072 : i32
      %add3A_1316 = arith.addi %mul3A_0, %add3A_1315 : i32
      %add3A_1317 = vector.broadcast %add3A_1316 : i32 to vector<16xi32>
      %add3A_1318 = arith.addi %iota3A, %add3A_1317 : vector<16xi32>
      %lt3A_1319 = vector.broadcast %while3A_107 : f32 to vector<16xf32>
      %lt3A_1320 = arith.cmpf olt, %get3A_1314, %lt3A_1319 : vector<16xf32>
      %eq3A_1321 = vector.broadcast %while3A_107 : f32 to vector<16xf32>
      %eq3A_1322 = arith.cmpf oeq, %get3A_1314, %eq3A_1321 : vector<16xf32>
      %gt3A_1323 = vector.broadcast %while3A_108 : i32 to vector<16xi32>
      %gt3A_1324 = arith.cmpi sgt, %add3A_1318, %gt3A_1323 : vector<16xi32>
      %and3A_1325 = arith.andi %eq3A_1322, %gt3A_1324 : vector<16xi1>
      %or3A_1326 = arith.ori %lt3A_1320, %and3A_1325 : vector<16xi1>
      %gt3A_1327 = arith.cmpf ogt, %get3A_1314, %select_n3A_1311 : vector<16xf32>
      %and3A_1328 = arith.andi %or3A_1326, %gt3A_1327 : vector<16xi1>
      %select_n3A_1329 = arith.select %and3A_1328, %get3A_1314, %select_n3A_1311 : vector<16xi1>, vector<16xf32>
      %select_n3A_1330 = arith.select %and3A_1328, %add3A_1318, %select_n3A_1312 : vector<16xi1>, vector<16xi32>
      %get3A_1331 = arith.constant 1088 : index
      %get3A_1332 = tpu.vector_load %arg16[%get3A_1331] {strides = array<i32>} : memref<1280xf32, #tpu.memory_space<vmem>>, vector<16xf32>,
      %add3A_1333 = arith.constant 1088 : i32
      %add3A_1334 = arith.addi %mul3A_0, %add3A_1333 : i32
      %add3A_1335 = vector.broadcast %add3A_1334 : i32 to vector<16xi32>
      %add3A_1336 = arith.addi %iota3A, %add3A_1335 : vector<16xi32>
      %lt3A_1337 = vector.broadcast %while3A_107 : f32 to vector<16xf32>
      %lt3A_1338 = arith.cmpf olt, %get3A_1332, %lt3A_1337 : vector<16xf32>
      %eq3A_1339 = vector.broadcast %while3A_107 : f32 to vector<16xf32>
      %eq3A_1340 = arith.cmpf oeq, %get3A_1332, %eq3A_1339 : vector<16xf32>
      %gt3A_1341 = vector.broadcast %while3A_108 : i32 to vector<16xi32>
      %gt3A_1342 = arith.cmpi sgt, %add3A_1336, %gt3A_1341 : vector<16xi32>
      %and3A_1343 = arith.andi %eq3A_1340, %gt3A_1342 : vector<16xi1>
      %or3A_1344 = arith.ori %lt3A_1338, %and3A_1343 : vector<16xi1>
      %gt3A_1345 = arith.cmpf ogt, %get3A_1332, %select_n3A_1329 : vector<16xf32>
      %and3A_1346 = arith.andi %or3A_1344, %gt3A_1345 : vector<16xi1>
      %select_n3A_1347 = arith.select %and3A_1346, %get3A_1332, %select_n3A_1329 : vector<16xi1>, vector<16xf32>
      %select_n3A_1348 = arith.select %and3A_1346, %add3A_1336, %select_n3A_1330 : vector<16xi1>, vector<16xi32>
      %get3A_1349 = arith.constant 1104 : index
      %get3A_1350 = tpu.vector_load %arg16[%get3A_1349] {strides = array<i32>} : memref<1280xf32, #tpu.memory_space<vmem>>, vector<16xf32>,
      %add3A_1351 = arith.constant 1104 : i32
      %add3A_1352 = arith.addi %mul3A_0, %add3A_1351 : i32
      %add3A_1353 = vector.broadcast %add3A_1352 : i32 to vector<16xi32>
      %add3A_1354 = arith.addi %iota3A, %add3A_1353 : vector<16xi32>
      %lt3A_1355 = vector.broadcast %while3A_107 : f32 to vector<16xf32>
      %lt3A_1356 = arith.cmpf olt, %get3A_1350, %lt3A_1355 : vector<16xf32>
      %eq3A_1357 = vector.broadcast %while3A_107 : f32 to vector<16xf32>
      %eq3A_1358 = arith.cmpf oeq, %get3A_1350, %eq3A_1357 : vector<16xf32>
      %gt3A_1359 = vector.broadcast %while3A_108 : i32 to vector<16xi32>
      %gt3A_1360 = arith.cmpi sgt, %add3A_1354, %gt3A_1359 : vector<16xi32>
      %and3A_1361 = arith.andi %eq3A_1358, %gt3A_1360 : vector<16xi1>
      %or3A_1362 = arith.ori %lt3A_1356, %and3A_1361 : vector<16xi1>
      %gt3A_1363 = arith.cmpf ogt, %get3A_1350, %select_n3A_1347 : vector<16xf32>
      %and3A_1364 = arith.andi %or3A_1362, %gt3A_1363 : vector<16xi1>
      %select_n3A_1365 = arith.select %and3A_1364, %get3A_1350, %select_n3A_1347 : vector<16xi1>, vector<16xf32>
      %select_n3A_1366 = arith.select %and3A_1364, %add3A_1354, %select_n3A_1348 : vector<16xi1>, vector<16xi32>
      %get3A_1367 = arith.constant 1120 : index
      %get3A_1368 = tpu.vector_load %arg16[%get3A_1367] {strides = array<i32>} : memref<1280xf32, #tpu.memory_space<vmem>>, vector<16xf32>,
      %add3A_1369 = arith.constant 1120 : i32
      %add3A_1370 = arith.addi %mul3A_0, %add3A_1369 : i32
      %add3A_1371 = vector.broadcast %add3A_1370 : i32 to vector<16xi32>
      %add3A_1372 = arith.addi %iota3A, %add3A_1371 : vector<16xi32>
      %lt3A_1373 = vector.broadcast %while3A_107 : f32 to vector<16xf32>
      %lt3A_1374 = arith.cmpf olt, %get3A_1368, %lt3A_1373 : vector<16xf32>
      %eq3A_1375 = vector.broadcast %while3A_107 : f32 to vector<16xf32>
      %eq3A_1376 = arith.cmpf oeq, %get3A_1368, %eq3A_1375 : vector<16xf32>
      %gt3A_1377 = vector.broadcast %while3A_108 : i32 to vector<16xi32>
      %gt3A_1378 = arith.cmpi sgt, %add3A_1372, %gt3A_1377 : vector<16xi32>
      %and3A_1379 = arith.andi %eq3A_1376, %gt3A_1378 : vector<16xi1>
      %or3A_1380 = arith.ori %lt3A_1374, %and3A_1379 : vector<16xi1>
      %gt3A_1381 = arith.cmpf ogt, %get3A_1368, %select_n3A_1365 : vector<16xf32>
      %and3A_1382 = arith.andi %or3A_1380, %gt3A_1381 : vector<16xi1>
      %select_n3A_1383 = arith.select %and3A_1382, %get3A_1368, %select_n3A_1365 : vector<16xi1>, vector<16xf32>
      %select_n3A_1384 = arith.select %and3A_1382, %add3A_1372, %select_n3A_1366 : vector<16xi1>, vector<16xi32>
      %get3A_1385 = arith.constant 1136 : index
      %get3A_1386 = tpu.vector_load %arg16[%get3A_1385] {strides = array<i32>} : memref<1280xf32, #tpu.memory_space<vmem>>, vector<16xf32>,
      %add3A_1387 = arith.constant 1136 : i32
      %add3A_1388 = arith.addi %mul3A_0, %add3A_1387 : i32
      %add3A_1389 = vector.broadcast %add3A_1388 : i32 to vector<16xi32>
      %add3A_1390 = arith.addi %iota3A, %add3A_1389 : vector<16xi32>
      %lt3A_1391 = vector.broadcast %while3A_107 : f32 to vector<16xf32>
      %lt3A_1392 = arith.cmpf olt, %get3A_1386, %lt3A_1391 : vector<16xf32>
      %eq3A_1393 = vector.broadcast %while3A_107 : f32 to vector<16xf32>
      %eq3A_1394 = arith.cmpf oeq, %get3A_1386, %eq3A_1393 : vector<16xf32>
      %gt3A_1395 = vector.broadcast %while3A_108 : i32 to vector<16xi32>
      %gt3A_1396 = arith.cmpi sgt, %add3A_1390, %gt3A_1395 : vector<16xi32>
      %and3A_1397 = arith.andi %eq3A_1394, %gt3A_1396 : vector<16xi1>
      %or3A_1398 = arith.ori %lt3A_1392, %and3A_1397 : vector<16xi1>
      %gt3A_1399 = arith.cmpf ogt, %get3A_1386, %select_n3A_1383 : vector<16xf32>
      %and3A_1400 = arith.andi %or3A_1398, %gt3A_1399 : vector<16xi1>
      %select_n3A_1401 = arith.select %and3A_1400, %get3A_1386, %select_n3A_1383 : vector<16xi1>, vector<16xf32>
      %select_n3A_1402 = arith.select %and3A_1400, %add3A_1390, %select_n3A_1384 : vector<16xi1>, vector<16xi32>
      %get3A_1403 = arith.constant 1152 : index
      %get3A_1404 = tpu.vector_load %arg16[%get3A_1403] {strides = array<i32>} : memref<1280xf32, #tpu.memory_space<vmem>>, vector<16xf32>,
      %add3A_1405 = arith.constant 1152 : i32
      %add3A_1406 = arith.addi %mul3A_0, %add3A_1405 : i32
      %add3A_1407 = vector.broadcast %add3A_1406 : i32 to vector<16xi32>
      %add3A_1408 = arith.addi %iota3A, %add3A_1407 : vector<16xi32>
      %lt3A_1409 = vector.broadcast %while3A_107 : f32 to vector<16xf32>
      %lt3A_1410 = arith.cmpf olt, %get3A_1404, %lt3A_1409 : vector<16xf32>
      %eq3A_1411 = vector.broadcast %while3A_107 : f32 to vector<16xf32>
      %eq3A_1412 = arith.cmpf oeq, %get3A_1404, %eq3A_1411 : vector<16xf32>
      %gt3A_1413 = vector.broadcast %while3A_108 : i32 to vector<16xi32>
      %gt3A_1414 = arith.cmpi sgt, %add3A_1408, %gt3A_1413 : vector<16xi32>
      %and3A_1415 = arith.andi %eq3A_1412, %gt3A_1414 : vector<16xi1>
      %or3A_1416 = arith.ori %lt3A_1410, %and3A_1415 : vector<16xi1>
      %gt3A_1417 = arith.cmpf ogt, %get3A_1404, %select_n3A_1401 : vector<16xf32>
      %and3A_1418 = arith.andi %or3A_1416, %gt3A_1417 : vector<16xi1>
      %select_n3A_1419 = arith.select %and3A_1418, %get3A_1404, %select_n3A_1401 : vector<16xi1>, vector<16xf32>
      %select_n3A_1420 = arith.select %and3A_1418, %add3A_1408, %select_n3A_1402 : vector<16xi1>, vector<16xi32>
      %get3A_1421 = arith.constant 1168 : index
      %get3A_1422 = tpu.vector_load %arg16[%get3A_1421] {strides = array<i32>} : memref<1280xf32, #tpu.memory_space<vmem>>, vector<16xf32>,
      %add3A_1423 = arith.constant 1168 : i32
      %add3A_1424 = arith.addi %mul3A_0, %add3A_1423 : i32
      %add3A_1425 = vector.broadcast %add3A_1424 : i32 to vector<16xi32>
      %add3A_1426 = arith.addi %iota3A, %add3A_1425 : vector<16xi32>
      %lt3A_1427 = vector.broadcast %while3A_107 : f32 to vector<16xf32>
      %lt3A_1428 = arith.cmpf olt, %get3A_1422, %lt3A_1427 : vector<16xf32>
      %eq3A_1429 = vector.broadcast %while3A_107 : f32 to vector<16xf32>
      %eq3A_1430 = arith.cmpf oeq, %get3A_1422, %eq3A_1429 : vector<16xf32>
      %gt3A_1431 = vector.broadcast %while3A_108 : i32 to vector<16xi32>
      %gt3A_1432 = arith.cmpi sgt, %add3A_1426, %gt3A_1431 : vector<16xi32>
      %and3A_1433 = arith.andi %eq3A_1430, %gt3A_1432 : vector<16xi1>
      %or3A_1434 = arith.ori %lt3A_1428, %and3A_1433 : vector<16xi1>
      %gt3A_1435 = arith.cmpf ogt, %get3A_1422, %select_n3A_1419 : vector<16xf32>
      %and3A_1436 = arith.andi %or3A_1434, %gt3A_1435 : vector<16xi1>
      %select_n3A_1437 = arith.select %and3A_1436, %get3A_1422, %select_n3A_1419 : vector<16xi1>, vector<16xf32>
      %select_n3A_1438 = arith.select %and3A_1436, %add3A_1426, %select_n3A_1420 : vector<16xi1>, vector<16xi32>
      %get3A_1439 = arith.constant 1184 : index
      %get3A_1440 = tpu.vector_load %arg16[%get3A_1439] {strides = array<i32>} : memref<1280xf32, #tpu.memory_space<vmem>>, vector<16xf32>,
      %add3A_1441 = arith.constant 1184 : i32
      %add3A_1442 = arith.addi %mul3A_0, %add3A_1441 : i32
      %add3A_1443 = vector.broadcast %add3A_1442 : i32 to vector<16xi32>
      %add3A_1444 = arith.addi %iota3A, %add3A_1443 : vector<16xi32>
      %lt3A_1445 = vector.broadcast %while3A_107 : f32 to vector<16xf32>
      %lt3A_1446 = arith.cmpf olt, %get3A_1440, %lt3A_1445 : vector<16xf32>
      %eq3A_1447 = vector.broadcast %while3A_107 : f32 to vector<16xf32>
      %eq3A_1448 = arith.cmpf oeq, %get3A_1440, %eq3A_1447 : vector<16xf32>
      %gt3A_1449 = vector.broadcast %while3A_108 : i32 to vector<16xi32>
      %gt3A_1450 = arith.cmpi sgt, %add3A_1444, %gt3A_1449 : vector<16xi32>
      %and3A_1451 = arith.andi %eq3A_1448, %gt3A_1450 : vector<16xi1>
      %or3A_1452 = arith.ori %lt3A_1446, %and3A_1451 : vector<16xi1>
      %gt3A_1453 = arith.cmpf ogt, %get3A_1440, %select_n3A_1437 : vector<16xf32>
      %and3A_1454 = arith.andi %or3A_1452, %gt3A_1453 : vector<16xi1>
      %select_n3A_1455 = arith.select %and3A_1454, %get3A_1440, %select_n3A_1437 : vector<16xi1>, vector<16xf32>
      %select_n3A_1456 = arith.select %and3A_1454, %add3A_1444, %select_n3A_1438 : vector<16xi1>, vector<16xi32>
      %get3A_1457 = arith.constant 1200 : index
      %get3A_1458 = tpu.vector_load %arg16[%get3A_1457] {strides = array<i32>} : memref<1280xf32, #tpu.memory_space<vmem>>, vector<16xf32>,
      %add3A_1459 = arith.constant 1200 : i32
      %add3A_1460 = arith.addi %mul3A_0, %add3A_1459 : i32
      %add3A_1461 = vector.broadcast %add3A_1460 : i32 to vector<16xi32>
      %add3A_1462 = arith.addi %iota3A, %add3A_1461 : vector<16xi32>
      %lt3A_1463 = vector.broadcast %while3A_107 : f32 to vector<16xf32>
      %lt3A_1464 = arith.cmpf olt, %get3A_1458, %lt3A_1463 : vector<16xf32>
      %eq3A_1465 = vector.broadcast %while3A_107 : f32 to vector<16xf32>
      %eq3A_1466 = arith.cmpf oeq, %get3A_1458, %eq3A_1465 : vector<16xf32>
      %gt3A_1467 = vector.broadcast %while3A_108 : i32 to vector<16xi32>
      %gt3A_1468 = arith.cmpi sgt, %add3A_1462, %gt3A_1467 : vector<16xi32>
      %and3A_1469 = arith.andi %eq3A_1466, %gt3A_1468 : vector<16xi1>
      %or3A_1470 = arith.ori %lt3A_1464, %and3A_1469 : vector<16xi1>
      %gt3A_1471 = arith.cmpf ogt, %get3A_1458, %select_n3A_1455 : vector<16xf32>
      %and3A_1472 = arith.andi %or3A_1470, %gt3A_1471 : vector<16xi1>
      %select_n3A_1473 = arith.select %and3A_1472, %get3A_1458, %select_n3A_1455 : vector<16xi1>, vector<16xf32>
      %select_n3A_1474 = arith.select %and3A_1472, %add3A_1462, %select_n3A_1456 : vector<16xi1>, vector<16xi32>
      %get3A_1475 = arith.constant 1216 : index
      %get3A_1476 = tpu.vector_load %arg16[%get3A_1475] {strides = array<i32>} : memref<1280xf32, #tpu.memory_space<vmem>>, vector<16xf32>,
      %add3A_1477 = arith.constant 1216 : i32
      %add3A_1478 = arith.addi %mul3A_0, %add3A_1477 : i32
      %add3A_1479 = vector.broadcast %add3A_1478 : i32 to vector<16xi32>
      %add3A_1480 = arith.addi %iota3A, %add3A_1479 : vector<16xi32>
      %lt3A_1481 = vector.broadcast %while3A_107 : f32 to vector<16xf32>
      %lt3A_1482 = arith.cmpf olt, %get3A_1476, %lt3A_1481 : vector<16xf32>
      %eq3A_1483 = vector.broadcast %while3A_107 : f32 to vector<16xf32>
      %eq3A_1484 = arith.cmpf oeq, %get3A_1476, %eq3A_1483 : vector<16xf32>
      %gt3A_1485 = vector.broadcast %while3A_108 : i32 to vector<16xi32>
      %gt3A_1486 = arith.cmpi sgt, %add3A_1480, %gt3A_1485 : vector<16xi32>
      %and3A_1487 = arith.andi %eq3A_1484, %gt3A_1486 : vector<16xi1>
      %or3A_1488 = arith.ori %lt3A_1482, %and3A_1487 : vector<16xi1>
      %gt3A_1489 = arith.cmpf ogt, %get3A_1476, %select_n3A_1473 : vector<16xf32>
      %and3A_1490 = arith.andi %or3A_1488, %gt3A_1489 : vector<16xi1>
      %select_n3A_1491 = arith.select %and3A_1490, %get3A_1476, %select_n3A_1473 : vector<16xi1>, vector<16xf32>
      %select_n3A_1492 = arith.select %and3A_1490, %add3A_1480, %select_n3A_1474 : vector<16xi1>, vector<16xi32>
      %get3A_1493 = arith.constant 1232 : index
      %get3A_1494 = tpu.vector_load %arg16[%get3A_1493] {strides = array<i32>} : memref<1280xf32, #tpu.memory_space<vmem>>, vector<16xf32>,
      %add3A_1495 = arith.constant 1232 : i32
      %add3A_1496 = arith.addi %mul3A_0, %add3A_1495 : i32
      %add3A_1497 = vector.broadcast %add3A_1496 : i32 to vector<16xi32>
      %add3A_1498 = arith.addi %iota3A, %add3A_1497 : vector<16xi32>
      %lt3A_1499 = vector.broadcast %while3A_107 : f32 to vector<16xf32>
      %lt3A_1500 = arith.cmpf olt, %get3A_1494, %lt3A_1499 : vector<16xf32>
      %eq3A_1501 = vector.broadcast %while3A_107 : f32 to vector<16xf32>
      %eq3A_1502 = arith.cmpf oeq, %get3A_1494, %eq3A_1501 : vector<16xf32>
      %gt3A_1503 = vector.broadcast %while3A_108 : i32 to vector<16xi32>
      %gt3A_1504 = arith.cmpi sgt, %add3A_1498, %gt3A_1503 : vector<16xi32>
      %and3A_1505 = arith.andi %eq3A_1502, %gt3A_1504 : vector<16xi1>
      %or3A_1506 = arith.ori %lt3A_1500, %and3A_1505 : vector<16xi1>
      %gt3A_1507 = arith.cmpf ogt, %get3A_1494, %select_n3A_1491 : vector<16xf32>
      %and3A_1508 = arith.andi %or3A_1506, %gt3A_1507 : vector<16xi1>
      %select_n3A_1509 = arith.select %and3A_1508, %get3A_1494, %select_n3A_1491 : vector<16xi1>, vector<16xf32>
      %select_n3A_1510 = arith.select %and3A_1508, %add3A_1498, %select_n3A_1492 : vector<16xi1>, vector<16xi32>
      %get3A_1511 = arith.constant 1248 : index
      %get3A_1512 = tpu.vector_load %arg16[%get3A_1511] {strides = array<i32>} : memref<1280xf32, #tpu.memory_space<vmem>>, vector<16xf32>,
      %add3A_1513 = arith.constant 1248 : i32
      %add3A_1514 = arith.addi %mul3A_0, %add3A_1513 : i32
      %add3A_1515 = vector.broadcast %add3A_1514 : i32 to vector<16xi32>
      %add3A_1516 = arith.addi %iota3A, %add3A_1515 : vector<16xi32>
      %lt3A_1517 = vector.broadcast %while3A_107 : f32 to vector<16xf32>
      %lt3A_1518 = arith.cmpf olt, %get3A_1512, %lt3A_1517 : vector<16xf32>
      %eq3A_1519 = vector.broadcast %while3A_107 : f32 to vector<16xf32>
      %eq3A_1520 = arith.cmpf oeq, %get3A_1512, %eq3A_1519 : vector<16xf32>
      %gt3A_1521 = vector.broadcast %while3A_108 : i32 to vector<16xi32>
      %gt3A_1522 = arith.cmpi sgt, %add3A_1516, %gt3A_1521 : vector<16xi32>
      %and3A_1523 = arith.andi %eq3A_1520, %gt3A_1522 : vector<16xi1>
      %or3A_1524 = arith.ori %lt3A_1518, %and3A_1523 : vector<16xi1>
      %gt3A_1525 = arith.cmpf ogt, %get3A_1512, %select_n3A_1509 : vector<16xf32>
      %and3A_1526 = arith.andi %or3A_1524, %gt3A_1525 : vector<16xi1>
      %select_n3A_1527 = arith.select %and3A_1526, %get3A_1512, %select_n3A_1509 : vector<16xi1>, vector<16xf32>
      %select_n3A_1528 = arith.select %and3A_1526, %add3A_1516, %select_n3A_1510 : vector<16xi1>, vector<16xi32>
      %get3A_1529 = arith.constant 1264 : index
      %get3A_1530 = tpu.vector_load %arg16[%get3A_1529] {strides = array<i32>} : memref<1280xf32, #tpu.memory_space<vmem>>, vector<16xf32>,
      %add3A_1531 = arith.constant 1264 : i32
      %add3A_1532 = arith.addi %mul3A_0, %add3A_1531 : i32
      %add3A_1533 = vector.broadcast %add3A_1532 : i32 to vector<16xi32>
      %add3A_1534 = arith.addi %iota3A, %add3A_1533 : vector<16xi32>
      %lt3A_1535 = vector.broadcast %while3A_107 : f32 to vector<16xf32>
      %lt3A_1536 = arith.cmpf olt, %get3A_1530, %lt3A_1535 : vector<16xf32>
      %eq3A_1537 = vector.broadcast %while3A_107 : f32 to vector<16xf32>
      %eq3A_1538 = arith.cmpf oeq, %get3A_1530, %eq3A_1537 : vector<16xf32>
      %gt3A_1539 = vector.broadcast %while3A_108 : i32 to vector<16xi32>
      %gt3A_1540 = arith.cmpi sgt, %add3A_1534, %gt3A_1539 : vector<16xi32>
      %and3A_1541 = arith.andi %eq3A_1538, %gt3A_1540 : vector<16xi1>
      %or3A_1542 = arith.ori %lt3A_1536, %and3A_1541 : vector<16xi1>
      %gt3A_1543 = arith.cmpf ogt, %get3A_1530, %select_n3A_1527 : vector<16xf32>
      %and3A_1544 = arith.andi %or3A_1542, %gt3A_1543 : vector<16xi1>
      %select_n3A_1545 = arith.select %and3A_1544, %get3A_1530, %select_n3A_1527 : vector<16xi1>, vector<16xf32>
      %select_n3A_1546 = arith.select %and3A_1544, %add3A_1534, %select_n3A_1528 : vector<16xi1>, vector<16xi32>
      %reduce_max3A = arith.constant true
      %reduce_max3A_1547 = vector.broadcast %reduce_max3A : i1 to vector<16xi1>
      %reduce_max3A_1548 = tpu.scan <max>, %select_n3A_1545 masked %reduce_max3A_1547 : vector<16xf32>, vector<16xi1> -> vector<16xf32>
      %reduce_max3A_1549 = vector.extract %reduce_max3A_1548[15] : f32 from vector<16xf32>
      %eq3A_1550 = vector.broadcast %reduce_max3A_1549 : f32 to vector<16xf32>
      %eq3A_1551 = arith.cmpf oeq, %select_n3A_1545, %eq3A_1550 : vector<16xf32>
      %jit3A = arith.constant 1073741824 : i32
      %broadcast_in_dim3A_1552 = vector.broadcast %jit3A : i32 to vector<16xi32>
      %select_n3A_1553 = arith.select %eq3A_1551, %select_n3A_1546, %broadcast_in_dim3A_1552 : vector<16xi1>, vector<16xi32>
      %reduce_min3A = arith.constant true
      %reduce_min3A_1554 = vector.broadcast %reduce_min3A : i1 to vector<16xi1>
      %reduce_min3A_1555 = arith.constant -2147483648 : i32
      %reduce_min3A_1556 = vector.broadcast %reduce_min3A_1555 : i32 to vector<16xi32>
      %reduce_min3A_1557 = arith.xori %select_n3A_1553, %reduce_min3A_1556 : vector<16xi32>
      %reduce_min3A_1558 = tpu.scan <min>, %reduce_min3A_1557 masked %reduce_min3A_1554 : vector<16xi32>, vector<16xi1> -> vector<16xi32>
      %reduce_min3A_1559 = arith.xori %reduce_min3A_1558, %reduce_min3A_1556 : vector<16xi32>
      %reduce_min3A_1560 = vector.extract %reduce_min3A_1559[15] : i32 from vector<16xi32>
      %sub3A = arith.subi %reduce_min3A_1560, %mul3A_0 : i32
      %jit3A_1561 = arith.constant 0 : i32
      %jit3A_1562 = arith.constant 1279 : i32
      %max3A = arith.maxsi %jit3A_1561, %sub3A : i32
      %min3A = arith.minsi %jit3A_1562, %max3A : i32
      %broadcast_in_dim3A_1563 = vector.broadcast %min3A : i32 to vector<16xi32>
      %gather3A = tpu.vector_load_idx %arg12[%broadcast_in_dim3A_1563] : memref<1280xf32, #tpu.memory_space<vmem>>[vector<16xi32>], vector<16xf32>,
      %gather3A_1564 = tpu.vector_load_idx %arg13[%broadcast_in_dim3A_1563] : memref<1280xf32, #tpu.memory_space<vmem>>[vector<16xi32>], vector<16xf32>,
      %gather3A_1565 = tpu.vector_load_idx %arg14[%broadcast_in_dim3A_1563] : memref<1280xf32, #tpu.memory_space<vmem>>[vector<16xi32>], vector<16xf32>,
      %gather3A_1566 = tpu.vector_load_idx %arg15[%broadcast_in_dim3A_1563] : memref<1280xf32, #tpu.memory_space<vmem>>[vector<16xi32>], vector<16xf32>,
      %eq3A_1567 = arith.constant 0 : i32
      %eq3A_1568 = vector.broadcast %eq3A_1567 : i32 to vector<16xi32>
      %eq3A_1569 = arith.cmpi eq, %iota3A, %eq3A_1568 : vector<16xi32>
      %broadcast_in_dim3A_1570 = vector.broadcast %reduce_max3A_1549 : f32 to vector<16xf32>
      %eq3A_1571 = arith.constant 1 : i32
      %eq3A_1572 = vector.broadcast %eq3A_1571 : i32 to vector<16xi32>
      %eq3A_1573 = arith.cmpi eq, %iota3A, %eq3A_1572 : vector<16xi32>
      %broadcast_in_dim3A_1574 = vector.broadcast %reduce_min3A_1560 : i32 to vector<16xi32>
      %bitcast3A = vector.bitcast %broadcast_in_dim3A_1574 : vector<16xi32> to vector<16xf32>
      %eq3A_1575 = arith.constant 2 : i32
      %eq3A_1576 = vector.broadcast %eq3A_1575 : i32 to vector<16xi32>
      %eq3A_1577 = arith.cmpi eq, %iota3A, %eq3A_1576 : vector<16xi32>
      %eq3A_1578 = arith.constant 3 : i32
      %eq3A_1579 = vector.broadcast %eq3A_1578 : i32 to vector<16xi32>
      %eq3A_1580 = arith.cmpi eq, %iota3A, %eq3A_1579 : vector<16xi32>
      %eq3A_1581 = arith.constant 4 : i32
      %eq3A_1582 = vector.broadcast %eq3A_1581 : i32 to vector<16xi32>
      %eq3A_1583 = arith.cmpi eq, %iota3A, %eq3A_1582 : vector<16xi32>
      %eq3A_1584 = arith.constant 5 : i32
      %eq3A_1585 = vector.broadcast %eq3A_1584 : i32 to vector<16xi32>
      %eq3A_1586 = arith.cmpi eq, %iota3A, %eq3A_1585 : vector<16xi32>
      %broadcast_in_dim3A_1587 = arith.constant 0.000000e+00 : f32
      %broadcast_in_dim3A_1588 = vector.broadcast %broadcast_in_dim3A_1587 : f32 to vector<16xf32>
      %select_n3A_1589 = arith.select %eq3A_1586, %gather3A_1566, %broadcast_in_dim3A_1588 : vector<16xi1>, vector<16xf32>
      %select_n3A_1590 = arith.select %eq3A_1583, %gather3A_1565, %select_n3A_1589 : vector<16xi1>, vector<16xf32>
      %select_n3A_1591 = arith.select %eq3A_1580, %gather3A_1564, %select_n3A_1590 : vector<16xi1>, vector<16xf32>
      %select_n3A_1592 = arith.select %eq3A_1577, %gather3A, %select_n3A_1591 : vector<16xi1>, vector<16xf32>
      %select_n3A_1593 = arith.select %eq3A_1573, %bitcast3A, %select_n3A_1592 : vector<16xi1>, vector<16xf32>
      %select_n3A_1594 = arith.select %eq3A_1569, %broadcast_in_dim3A_1570, %select_n3A_1593 : vector<16xi1>, vector<16xf32>
      %swap3A_1595 = arith.constant 0 : index
      %swap3A_1596 = tpu.vector_load %arg23[%swap3A_1595] {strides = array<i32>} : memref<16xf32, #tpu.memory_space<vmem>>, vector<16xf32>,
      tpu.vector_store %arg23[%swap3A_1595], %select_n3A_1594 {strides = array<i32>} : memref<16xf32, #tpu.memory_space<vmem>>, vector<16xf32>,
      "tpu.region"() ({
        %run_scoped3A = tpu.sem_alloc : memref<!tpu.dma_semaphore, #tpu.memory_space<semaphore_mem>>
        %dma_start3A = arith.constant 0 : i32
        %dma_start3A_2237 = tpu.memref_slice %arg25[%arg1, %dma_start3A] : memref<16x16xf32, #tpu.memory_space<vmem_shared>> -> memref<1x16xf32, #tpu.memory_space<vmem_shared>>
        %dma_start3A_2238 = tpu.memref_squeeze %dma_start3A_2237 : memref<1x16xf32, #tpu.memory_space<vmem_shared>> -> memref<16xf32, #tpu.memory_space<vmem_shared>>
        %dma_start3A_2239 = arith.constant 0 : i32
        %dma_start3A_2240 = tpu.memref_slice %arg25[%arg1, %dma_start3A_2239] : memref<16x16xf32, #tpu.memory_space<vmem_shared>> -> memref<1x16xf32, #tpu.memory_space<vmem_shared>>
        %dma_start3A_2241 = tpu.memref_squeeze %dma_start3A_2240 : memref<1x16xf32, #tpu.memory_space<vmem_shared>> -> memref<16xf32, #tpu.memory_space<vmem_shared>>
        tpu.enqueue_dma source(%arg23 : memref<16xf32, #tpu.memory_space<vmem>>) target(%dma_start3A_2241 : memref<16xf32, #tpu.memory_space<vmem_shared>>) target_semaphore(%run_scoped3A : memref<!tpu.dma_semaphore, #tpu.memory_space<semaphore_mem>>)
        %dma_wait3A = arith.constant 0 : i32
        %dma_wait3A_2242 = tpu.memref_slice %arg25[%arg1, %dma_wait3A] : memref<16x16xf32, #tpu.memory_space<vmem_shared>> -> memref<1x16xf32, #tpu.memory_space<vmem_shared>>
        %dma_wait3A_2243 = tpu.memref_squeeze %dma_wait3A_2242 : memref<1x16xf32, #tpu.memory_space<vmem_shared>> -> memref<16xf32, #tpu.memory_space<vmem_shared>>
        %dma_wait3A_2244 = arith.constant 0 : i32
        %dma_wait3A_2245 = tpu.memref_slice %arg25[%arg1, %dma_wait3A_2244] : memref<16x16xf32, #tpu.memory_space<vmem_shared>> -> memref<1x16xf32, #tpu.memory_space<vmem_shared>>
        %dma_wait3A_2246 = tpu.memref_squeeze %dma_wait3A_2245 : memref<1x16xf32, #tpu.memory_space<vmem_shared>> -> memref<16xf32, #tpu.memory_space<vmem_shared>>
        tpu.wait_dma2 semaphore(%run_scoped3A : memref<!tpu.dma_semaphore, #tpu.memory_space<semaphore_mem>>) src(%arg23 : memref<16xf32, #tpu.memory_space<vmem>>) dst(%dma_wait3A_2246 : memref<16xf32, #tpu.memory_space<vmem_shared>>)
        tpu.yield
      }) : () -> ()
      %barrier3A = arith.constant 0 : index
      tpu.barrier barrier_id(%barrier3A)
      "tpu.region"() ({
        %run_scoped3A = tpu.sem_alloc : memref<!tpu.dma_semaphore, #tpu.memory_space<semaphore_mem>>
        tpu.enqueue_dma source(%arg25 : memref<16x16xf32, #tpu.memory_space<vmem_shared>>) target(%arg24 : memref<16x16xf32, #tpu.memory_space<vmem>>) target_semaphore(%run_scoped3A : memref<!tpu.dma_semaphore, #tpu.memory_space<semaphore_mem>>)
        tpu.wait_dma2 semaphore(%run_scoped3A : memref<!tpu.dma_semaphore, #tpu.memory_space<semaphore_mem>>) src(%arg25 : memref<16x16xf32, #tpu.memory_space<vmem_shared>>) dst(%arg24 : memref<16x16xf32, #tpu.memory_space<vmem>>)
        tpu.yield
      }) : () -> ()
      %barrier3A_1597 = arith.constant 0 : index
      tpu.barrier barrier_id(%barrier3A_1597)
      %broadcast_in_dim3A_1598 = arith.constant 0 : i32
      %broadcast_in_dim3A_1599 = vector.broadcast %broadcast_in_dim3A_1598 : i32 to vector<16xi32>
      %gather3A_1600 = tpu.vector_load_idx %arg24[%iota3A, %broadcast_in_dim3A_1599] : memref<16x16xf32, #tpu.memory_space<vmem>>[vector<16xi32>, vector<16xi32>], vector<16xf32>,
      %broadcast_in_dim3A_1601 = arith.constant 1 : i32
      %broadcast_in_dim3A_1602 = vector.broadcast %broadcast_in_dim3A_1601 : i32 to vector<16xi32>
      %gather3A_1603 = tpu.vector_load_idx %arg24[%iota3A, %broadcast_in_dim3A_1602] : memref<16x16xf32, #tpu.memory_space<vmem>>[vector<16xi32>, vector<16xi32>], vector<16xf32>,
      %bitcast3A_1604 = vector.bitcast %gather3A_1603 : vector<16xf32> to vector<16xi32>
      %reduce_max3A_1605 = arith.constant true
      %reduce_max3A_1606 = vector.broadcast %reduce_max3A_1605 : i1 to vector<16xi1>
      %reduce_max3A_1607 = tpu.scan <max>, %gather3A_1600 masked %reduce_max3A_1606 : vector<16xf32>, vector<16xi1> -> vector<16xf32>
      %reduce_max3A_1608 = vector.extract %reduce_max3A_1607[15] : f32 from vector<16xf32>
      %gt3A_1609 = arith.constant 0xFF800000 : f32
      %gt3A_1610 = arith.cmpf ogt, %reduce_max3A_1608, %gt3A_1609 : f32
      %eq3A_1611 = vector.broadcast %reduce_max3A_1608 : f32 to vector<16xf32>
      %eq3A_1612 = arith.cmpf oeq, %gather3A_1600, %eq3A_1611 : vector<16xf32>
      %jit3A_1613 = arith.constant 1073741824 : i32
      %broadcast_in_dim3A_1614 = vector.broadcast %jit3A_1613 : i32 to vector<16xi32>
      %select_n3A_1615 = arith.select %eq3A_1612, %bitcast3A_1604, %broadcast_in_dim3A_1614 : vector<16xi1>, vector<16xi32>
      %reduce_min3A_1616 = arith.constant true
      %reduce_min3A_1617 = vector.broadcast %reduce_min3A_1616 : i1 to vector<16xi1>
      %reduce_min3A_1618 = arith.constant -2147483648 : i32
      %reduce_min3A_1619 = vector.broadcast %reduce_min3A_1618 : i32 to vector<16xi32>
      %reduce_min3A_1620 = arith.xori %select_n3A_1615, %reduce_min3A_1619 : vector<16xi32>
      %reduce_min3A_1621 = tpu.scan <min>, %reduce_min3A_1620 masked %reduce_min3A_1617 : vector<16xi32>, vector<16xi1> -> vector<16xi32>
      %reduce_min3A_1622 = arith.xori %reduce_min3A_1621, %reduce_min3A_1619 : vector<16xi32>
      %reduce_min3A_1623 = vector.extract %reduce_min3A_1622[15] : i32 from vector<16xi32>
      %jit3A_1624 = arith.constant 1280 : i32
      %div3A = arith.divsi %reduce_min3A_1623, %jit3A_1624 : i32
      %sign3A = arith.constant 0 : i32
      %sign3A_1625 = arith.cmpi sgt, %reduce_min3A_1623, %sign3A : i32
      %sign3A_1626 = arith.extui %sign3A_1625 : i1 to i32
      %sign3A_1627 = arith.constant 0 : i32
      %sign3A_1628 = arith.cmpi slt, %reduce_min3A_1623, %sign3A_1627 : i32
      %sign3A_1629 = arith.extui %sign3A_1628 : i1 to i32
      %sign3A_1630 = arith.subi %sign3A_1626, %sign3A_1629 : i32
      %sign3A_1631 = arith.constant 0 : i32
      %sign3A_1632 = arith.cmpi sgt, %jit3A_1624, %sign3A_1631 : i32
      %sign3A_1633 = arith.extui %sign3A_1632 : i1 to i32
      %sign3A_1634 = arith.constant 0 : i32
      %sign3A_1635 = arith.cmpi slt, %jit3A_1624, %sign3A_1634 : i32
      %sign3A_1636 = arith.extui %sign3A_1635 : i1 to i32
      %sign3A_1637 = arith.subi %sign3A_1633, %sign3A_1636 : i32
      %ne3A = arith.cmpi ne, %sign3A_1630, %sign3A_1637 : i32
      %rem3A = arith.remsi %reduce_min3A_1623, %jit3A_1624 : i32
      %ne3A_1638 = arith.constant 0 : i32
      %ne3A_1639 = arith.cmpi ne, %rem3A, %ne3A_1638 : i32
      %and3A_1640 = arith.andi %ne3A, %ne3A_1639 : i1
      %sub3A_1641 = arith.constant 1 : i32
      %sub3A_1642 = arith.subi %div3A, %sub3A_1641 : i32
      %select_n3A_1643 = arith.select %and3A_1640, %sub3A_1642, %div3A : i32
      %jit3A_1644 = arith.constant 0 : i32
      %jit3A_1645 = arith.constant 15 : i32
      %max3A_1646 = arith.maxsi %jit3A_1644, %select_n3A_1643 : i32
      %min3A_1647 = arith.minsi %jit3A_1645, %max3A_1646 : i32
      %broadcast_in_dim3A_1648 = vector.broadcast %min3A_1647 : i32 to vector<16xi32>
      %broadcast_in_dim3A_1649 = arith.constant 0 : i32
      %broadcast_in_dim3A_1650 = vector.broadcast %broadcast_in_dim3A_1649 : i32 to vector<16xi32>
      %gather3A_1651 = tpu.vector_load_idx %arg24[%broadcast_in_dim3A_1648, %broadcast_in_dim3A_1650] : memref<16x16xf32, #tpu.memory_space<vmem>>[vector<16xi32>, vector<16xi32>], vector<16xf32>,
      %broadcast_in_dim3A_1652 = arith.constant 2 : i32
      %broadcast_in_dim3A_1653 = vector.broadcast %broadcast_in_dim3A_1652 : i32 to vector<16xi32>
      %gather3A_1654 = tpu.vector_load_idx %arg24[%broadcast_in_dim3A_1648, %broadcast_in_dim3A_1653] : memref<16x16xf32, #tpu.memory_space<vmem>>[vector<16xi32>, vector<16xi32>], vector<16xf32>,
      %broadcast_in_dim3A_1655 = arith.constant 3 : i32
      %broadcast_in_dim3A_1656 = vector.broadcast %broadcast_in_dim3A_1655 : i32 to vector<16xi32>
      %gather3A_1657 = tpu.vector_load_idx %arg24[%broadcast_in_dim3A_1648, %broadcast_in_dim3A_1656] : memref<16x16xf32, #tpu.memory_space<vmem>>[vector<16xi32>, vector<16xi32>], vector<16xf32>,
      %broadcast_in_dim3A_1658 = arith.constant 4 : i32
      %broadcast_in_dim3A_1659 = vector.broadcast %broadcast_in_dim3A_1658 : i32 to vector<16xi32>
      %gather3A_1660 = tpu.vector_load_idx %arg24[%broadcast_in_dim3A_1648, %broadcast_in_dim3A_1659] : memref<16x16xf32, #tpu.memory_space<vmem>>[vector<16xi32>, vector<16xi32>], vector<16xf32>,
      %broadcast_in_dim3A_1661 = arith.constant 5 : i32
      %broadcast_in_dim3A_1662 = vector.broadcast %broadcast_in_dim3A_1661 : i32 to vector<16xi32>
      %gather3A_1663 = tpu.vector_load_idx %arg24[%broadcast_in_dim3A_1648, %broadcast_in_dim3A_1662] : memref<16x16xf32, #tpu.memory_space<vmem>>[vector<16xi32>, vector<16xi32>], vector<16xf32>,
      %sub3A_1664 = arith.subf %gather3A_1660, %gather3A_1654 : vector<16xf32>
      %max3A_1665 = arith.constant 0.000000e+00 : f32
      %max3A_1666 = vector.broadcast %max3A_1665 : f32 to vector<16xf32>
      %max3A_1667 = arith.maximumf %sub3A_1664, %max3A_1666 : vector<16xf32>
      %sub3A_1668 = arith.subf %gather3A_1663, %gather3A_1657 : vector<16xf32>
      %max3A_1669 = arith.constant 0.000000e+00 : f32
      %max3A_1670 = vector.broadcast %max3A_1669 : f32 to vector<16xf32>
      %max3A_1671 = arith.maximumf %sub3A_1668, %max3A_1670 : vector<16xf32>
      %mul3A_1672 = arith.mulf %max3A_1667, %max3A_1671 : vector<16xf32>
      %broadcast_in_dim3A_1673 = arith.constant 0.000000e+00 : f32
      %broadcast_in_dim3A_1674 = vector.broadcast %broadcast_in_dim3A_1673 : f32 to vector<16xf32>
      %get3A_1675 = arith.constant 0 : index
      %get3A_1676 = tpu.vector_load %arg17[%get3A_1675] {strides = array<i32>} : memref<128xf32, #tpu.memory_space<vmem>>, vector<16xf32>,
      %max3A_1677 = arith.maximumf %get3A_1676, %gather3A_1654 : vector<16xf32>
      %get3A_1678 = arith.constant 0 : index
      %get3A_1679 = tpu.vector_load %arg18[%get3A_1678] {strides = array<i32>} : memref<128xf32, #tpu.memory_space<vmem>>, vector<16xf32>,
      %max3A_1680 = arith.maximumf %get3A_1679, %gather3A_1657 : vector<16xf32>
      %get3A_1681 = arith.constant 0 : index
      %get3A_1682 = tpu.vector_load %arg19[%get3A_1681] {strides = array<i32>} : memref<128xf32, #tpu.memory_space<vmem>>, vector<16xf32>,
      %min3A_1683 = arith.minimumf %get3A_1682, %gather3A_1660 : vector<16xf32>
      %get3A_1684 = arith.constant 0 : index
      %get3A_1685 = tpu.vector_load %arg20[%get3A_1684] {strides = array<i32>} : memref<128xf32, #tpu.memory_space<vmem>>, vector<16xf32>,
      %min3A_1686 = arith.minimumf %get3A_1685, %gather3A_1663 : vector<16xf32>
      %sub3A_1687 = arith.subf %min3A_1683, %max3A_1677 : vector<16xf32>
      %max3A_1688 = arith.constant 0.000000e+00 : f32
      %max3A_1689 = vector.broadcast %max3A_1688 : f32 to vector<16xf32>
      %max3A_1690 = arith.maximumf %sub3A_1687, %max3A_1689 : vector<16xf32>
      %sub3A_1691 = arith.subf %min3A_1686, %max3A_1680 : vector<16xf32>
      %max3A_1692 = arith.constant 0.000000e+00 : f32
      %max3A_1693 = vector.broadcast %max3A_1692 : f32 to vector<16xf32>
      %max3A_1694 = arith.maximumf %sub3A_1691, %max3A_1693 : vector<16xf32>
      %mul3A_1695 = arith.mulf %max3A_1690, %max3A_1694 : vector<16xf32>
      %get3A_1696 = arith.constant 0 : index
      %get3A_1697 = tpu.vector_load %arg22[%get3A_1696] {strides = array<i32>} : memref<128xf32, #tpu.memory_space<vmem>>, vector<16xf32>,
      %add3A_1698 = arith.addf %get3A_1697, %mul3A_1672 : vector<16xf32>
      %sub3A_1699 = arith.subf %add3A_1698, %mul3A_1695 : vector<16xf32>
      %add3A_1700 = arith.constant 9.99999971E-10 : f32
      %add3A_1701 = vector.broadcast %add3A_1700 : f32 to vector<16xf32>
      %add3A_1702 = arith.addf %sub3A_1699, %add3A_1701 : vector<16xf32>
      %div3A_1703 = arith.divf %mul3A_1695, %add3A_1702 : vector<16xf32>
      %max3A_1704 = arith.maximumf %broadcast_in_dim3A_1674, %div3A_1703 : vector<16xf32>
      %get3A_1705 = arith.constant 16 : index
      %get3A_1706 = tpu.vector_load %arg17[%get3A_1705] {strides = array<i32>} : memref<128xf32, #tpu.memory_space<vmem>>, vector<16xf32>,
      %max3A_1707 = arith.maximumf %get3A_1706, %gather3A_1654 : vector<16xf32>
      %get3A_1708 = arith.constant 16 : index
      %get3A_1709 = tpu.vector_load %arg18[%get3A_1708] {strides = array<i32>} : memref<128xf32, #tpu.memory_space<vmem>>, vector<16xf32>,
      %max3A_1710 = arith.maximumf %get3A_1709, %gather3A_1657 : vector<16xf32>
      %get3A_1711 = arith.constant 16 : index
      %get3A_1712 = tpu.vector_load %arg19[%get3A_1711] {strides = array<i32>} : memref<128xf32, #tpu.memory_space<vmem>>, vector<16xf32>,
      %min3A_1713 = arith.minimumf %get3A_1712, %gather3A_1660 : vector<16xf32>
      %get3A_1714 = arith.constant 16 : index
      %get3A_1715 = tpu.vector_load %arg20[%get3A_1714] {strides = array<i32>} : memref<128xf32, #tpu.memory_space<vmem>>, vector<16xf32>,
      %min3A_1716 = arith.minimumf %get3A_1715, %gather3A_1663 : vector<16xf32>
      %sub3A_1717 = arith.subf %min3A_1713, %max3A_1707 : vector<16xf32>
      %max3A_1718 = arith.constant 0.000000e+00 : f32
      %max3A_1719 = vector.broadcast %max3A_1718 : f32 to vector<16xf32>
      %max3A_1720 = arith.maximumf %sub3A_1717, %max3A_1719 : vector<16xf32>
      %sub3A_1721 = arith.subf %min3A_1716, %max3A_1710 : vector<16xf32>
      %max3A_1722 = arith.constant 0.000000e+00 : f32
      %max3A_1723 = vector.broadcast %max3A_1722 : f32 to vector<16xf32>
      %max3A_1724 = arith.maximumf %sub3A_1721, %max3A_1723 : vector<16xf32>
      %mul3A_1725 = arith.mulf %max3A_1720, %max3A_1724 : vector<16xf32>
      %get3A_1726 = arith.constant 16 : index
      %get3A_1727 = tpu.vector_load %arg22[%get3A_1726] {strides = array<i32>} : memref<128xf32, #tpu.memory_space<vmem>>, vector<16xf32>,
      %add3A_1728 = arith.addf %get3A_1727, %mul3A_1672 : vector<16xf32>
      %sub3A_1729 = arith.subf %add3A_1728, %mul3A_1725 : vector<16xf32>
      %add3A_1730 = arith.constant 9.99999971E-10 : f32
      %add3A_1731 = vector.broadcast %add3A_1730 : f32 to vector<16xf32>
      %add3A_1732 = arith.addf %sub3A_1729, %add3A_1731 : vector<16xf32>
      %div3A_1733 = arith.divf %mul3A_1725, %add3A_1732 : vector<16xf32>
      %max3A_1734 = arith.maximumf %max3A_1704, %div3A_1733 : vector<16xf32>
      %get3A_1735 = arith.constant 32 : index
      %get3A_1736 = tpu.vector_load %arg17[%get3A_1735] {strides = array<i32>} : memref<128xf32, #tpu.memory_space<vmem>>, vector<16xf32>,
      %max3A_1737 = arith.maximumf %get3A_1736, %gather3A_1654 : vector<16xf32>
      %get3A_1738 = arith.constant 32 : index
      %get3A_1739 = tpu.vector_load %arg18[%get3A_1738] {strides = array<i32>} : memref<128xf32, #tpu.memory_space<vmem>>, vector<16xf32>,
      %max3A_1740 = arith.maximumf %get3A_1739, %gather3A_1657 : vector<16xf32>
      %get3A_1741 = arith.constant 32 : index
      %get3A_1742 = tpu.vector_load %arg19[%get3A_1741] {strides = array<i32>} : memref<128xf32, #tpu.memory_space<vmem>>, vector<16xf32>,
      %min3A_1743 = arith.minimumf %get3A_1742, %gather3A_1660 : vector<16xf32>
      %get3A_1744 = arith.constant 32 : index
      %get3A_1745 = tpu.vector_load %arg20[%get3A_1744] {strides = array<i32>} : memref<128xf32, #tpu.memory_space<vmem>>, vector<16xf32>,
      %min3A_1746 = arith.minimumf %get3A_1745, %gather3A_1663 : vector<16xf32>
      %sub3A_1747 = arith.subf %min3A_1743, %max3A_1737 : vector<16xf32>
      %max3A_1748 = arith.constant 0.000000e+00 : f32
      %max3A_1749 = vector.broadcast %max3A_1748 : f32 to vector<16xf32>
      %max3A_1750 = arith.maximumf %sub3A_1747, %max3A_1749 : vector<16xf32>
      %sub3A_1751 = arith.subf %min3A_1746, %max3A_1740 : vector<16xf32>
      %max3A_1752 = arith.constant 0.000000e+00 : f32
      %max3A_1753 = vector.broadcast %max3A_1752 : f32 to vector<16xf32>
      %max3A_1754 = arith.maximumf %sub3A_1751, %max3A_1753 : vector<16xf32>
      %mul3A_1755 = arith.mulf %max3A_1750, %max3A_1754 : vector<16xf32>
      %get3A_1756 = arith.constant 32 : index
      %get3A_1757 = tpu.vector_load %arg22[%get3A_1756] {strides = array<i32>} : memref<128xf32, #tpu.memory_space<vmem>>, vector<16xf32>,
      %add3A_1758 = arith.addf %get3A_1757, %mul3A_1672 : vector<16xf32>
      %sub3A_1759 = arith.subf %add3A_1758, %mul3A_1755 : vector<16xf32>
      %add3A_1760 = arith.constant 9.99999971E-10 : f32
      %add3A_1761 = vector.broadcast %add3A_1760 : f32 to vector<16xf32>
      %add3A_1762 = arith.addf %sub3A_1759, %add3A_1761 : vector<16xf32>
      %div3A_1763 = arith.divf %mul3A_1755, %add3A_1762 : vector<16xf32>
      %max3A_1764 = arith.maximumf %max3A_1734, %div3A_1763 : vector<16xf32>
      %get3A_1765 = arith.constant 48 : index
      %get3A_1766 = tpu.vector_load %arg17[%get3A_1765] {strides = array<i32>} : memref<128xf32, #tpu.memory_space<vmem>>, vector<16xf32>,
      %max3A_1767 = arith.maximumf %get3A_1766, %gather3A_1654 : vector<16xf32>
      %get3A_1768 = arith.constant 48 : index
      %get3A_1769 = tpu.vector_load %arg18[%get3A_1768] {strides = array<i32>} : memref<128xf32, #tpu.memory_space<vmem>>, vector<16xf32>,
      %max3A_1770 = arith.maximumf %get3A_1769, %gather3A_1657 : vector<16xf32>
      %get3A_1771 = arith.constant 48 : index
      %get3A_1772 = tpu.vector_load %arg19[%get3A_1771] {strides = array<i32>} : memref<128xf32, #tpu.memory_space<vmem>>, vector<16xf32>,
      %min3A_1773 = arith.minimumf %get3A_1772, %gather3A_1660 : vector<16xf32>
      %get3A_1774 = arith.constant 48 : index
      %get3A_1775 = tpu.vector_load %arg20[%get3A_1774] {strides = array<i32>} : memref<128xf32, #tpu.memory_space<vmem>>, vector<16xf32>,
      %min3A_1776 = arith.minimumf %get3A_1775, %gather3A_1663 : vector<16xf32>
      %sub3A_1777 = arith.subf %min3A_1773, %max3A_1767 : vector<16xf32>
      %max3A_1778 = arith.constant 0.000000e+00 : f32
      %max3A_1779 = vector.broadcast %max3A_1778 : f32 to vector<16xf32>
      %max3A_1780 = arith.maximumf %sub3A_1777, %max3A_1779 : vector<16xf32>
      %sub3A_1781 = arith.subf %min3A_1776, %max3A_1770 : vector<16xf32>
      %max3A_1782 = arith.constant 0.000000e+00 : f32
      %max3A_1783 = vector.broadcast %max3A_1782 : f32 to vector<16xf32>
      %max3A_1784 = arith.maximumf %sub3A_1781, %max3A_1783 : vector<16xf32>
      %mul3A_1785 = arith.mulf %max3A_1780, %max3A_1784 : vector<16xf32>
      %get3A_1786 = arith.constant 48 : index
      %get3A_1787 = tpu.vector_load %arg22[%get3A_1786] {strides = array<i32>} : memref<128xf32, #tpu.memory_space<vmem>>, vector<16xf32>,
      %add3A_1788 = arith.addf %get3A_1787, %mul3A_1672 : vector<16xf32>
      %sub3A_1789 = arith.subf %add3A_1788, %mul3A_1785 : vector<16xf32>
      %add3A_1790 = arith.constant 9.99999971E-10 : f32
      %add3A_1791 = vector.broadcast %add3A_1790 : f32 to vector<16xf32>
      %add3A_1792 = arith.addf %sub3A_1789, %add3A_1791 : vector<16xf32>
      %div3A_1793 = arith.divf %mul3A_1785, %add3A_1792 : vector<16xf32>
      %max3A_1794 = arith.maximumf %max3A_1764, %div3A_1793 : vector<16xf32>
      %get3A_1795 = arith.constant 64 : index
      %get3A_1796 = tpu.vector_load %arg17[%get3A_1795] {strides = array<i32>} : memref<128xf32, #tpu.memory_space<vmem>>, vector<16xf32>,
      %max3A_1797 = arith.maximumf %get3A_1796, %gather3A_1654 : vector<16xf32>
      %get3A_1798 = arith.constant 64 : index
      %get3A_1799 = tpu.vector_load %arg18[%get3A_1798] {strides = array<i32>} : memref<128xf32, #tpu.memory_space<vmem>>, vector<16xf32>,
      %max3A_1800 = arith.maximumf %get3A_1799, %gather3A_1657 : vector<16xf32>
      %get3A_1801 = arith.constant 64 : index
      %get3A_1802 = tpu.vector_load %arg19[%get3A_1801] {strides = array<i32>} : memref<128xf32, #tpu.memory_space<vmem>>, vector<16xf32>,
      %min3A_1803 = arith.minimumf %get3A_1802, %gather3A_1660 : vector<16xf32>
      %get3A_1804 = arith.constant 64 : index
      %get3A_1805 = tpu.vector_load %arg20[%get3A_1804] {strides = array<i32>} : memref<128xf32, #tpu.memory_space<vmem>>, vector<16xf32>,
      %min3A_1806 = arith.minimumf %get3A_1805, %gather3A_1663 : vector<16xf32>
      %sub3A_1807 = arith.subf %min3A_1803, %max3A_1797 : vector<16xf32>
      %max3A_1808 = arith.constant 0.000000e+00 : f32
      %max3A_1809 = vector.broadcast %max3A_1808 : f32 to vector<16xf32>
      %max3A_1810 = arith.maximumf %sub3A_1807, %max3A_1809 : vector<16xf32>
      %sub3A_1811 = arith.subf %min3A_1806, %max3A_1800 : vector<16xf32>
      %max3A_1812 = arith.constant 0.000000e+00 : f32
      %max3A_1813 = vector.broadcast %max3A_1812 : f32 to vector<16xf32>
      %max3A_1814 = arith.maximumf %sub3A_1811, %max3A_1813 : vector<16xf32>
      %mul3A_1815 = arith.mulf %max3A_1810, %max3A_1814 : vector<16xf32>
      %get3A_1816 = arith.constant 64 : index
      %get3A_1817 = tpu.vector_load %arg22[%get3A_1816] {strides = array<i32>} : memref<128xf32, #tpu.memory_space<vmem>>, vector<16xf32>,
      %add3A_1818 = arith.addf %get3A_1817, %mul3A_1672 : vector<16xf32>
      %sub3A_1819 = arith.subf %add3A_1818, %mul3A_1815 : vector<16xf32>
      %add3A_1820 = arith.constant 9.99999971E-10 : f32
      %add3A_1821 = vector.broadcast %add3A_1820 : f32 to vector<16xf32>
      %add3A_1822 = arith.addf %sub3A_1819, %add3A_1821 : vector<16xf32>
      %div3A_1823 = arith.divf %mul3A_1815, %add3A_1822 : vector<16xf32>
      %max3A_1824 = arith.maximumf %max3A_1794, %div3A_1823 : vector<16xf32>
      %get3A_1825 = arith.constant 80 : index
      %get3A_1826 = tpu.vector_load %arg17[%get3A_1825] {strides = array<i32>} : memref<128xf32, #tpu.memory_space<vmem>>, vector<16xf32>,
      %max3A_1827 = arith.maximumf %get3A_1826, %gather3A_1654 : vector<16xf32>
      %get3A_1828 = arith.constant 80 : index
      %get3A_1829 = tpu.vector_load %arg18[%get3A_1828] {strides = array<i32>} : memref<128xf32, #tpu.memory_space<vmem>>, vector<16xf32>,
      %max3A_1830 = arith.maximumf %get3A_1829, %gather3A_1657 : vector<16xf32>
      %get3A_1831 = arith.constant 80 : index
      %get3A_1832 = tpu.vector_load %arg19[%get3A_1831] {strides = array<i32>} : memref<128xf32, #tpu.memory_space<vmem>>, vector<16xf32>,
      %min3A_1833 = arith.minimumf %get3A_1832, %gather3A_1660 : vector<16xf32>
      %get3A_1834 = arith.constant 80 : index
      %get3A_1835 = tpu.vector_load %arg20[%get3A_1834] {strides = array<i32>} : memref<128xf32, #tpu.memory_space<vmem>>, vector<16xf32>,
      %min3A_1836 = arith.minimumf %get3A_1835, %gather3A_1663 : vector<16xf32>
      %sub3A_1837 = arith.subf %min3A_1833, %max3A_1827 : vector<16xf32>
      %max3A_1838 = arith.constant 0.000000e+00 : f32
      %max3A_1839 = vector.broadcast %max3A_1838 : f32 to vector<16xf32>
      %max3A_1840 = arith.maximumf %sub3A_1837, %max3A_1839 : vector<16xf32>
      %sub3A_1841 = arith.subf %min3A_1836, %max3A_1830 : vector<16xf32>
      %max3A_1842 = arith.constant 0.000000e+00 : f32
      %max3A_1843 = vector.broadcast %max3A_1842 : f32 to vector<16xf32>
      %max3A_1844 = arith.maximumf %sub3A_1841, %max3A_1843 : vector<16xf32>
      %mul3A_1845 = arith.mulf %max3A_1840, %max3A_1844 : vector<16xf32>
      %get3A_1846 = arith.constant 80 : index
      %get3A_1847 = tpu.vector_load %arg22[%get3A_1846] {strides = array<i32>} : memref<128xf32, #tpu.memory_space<vmem>>, vector<16xf32>,
      %add3A_1848 = arith.addf %get3A_1847, %mul3A_1672 : vector<16xf32>
      %sub3A_1849 = arith.subf %add3A_1848, %mul3A_1845 : vector<16xf32>
      %add3A_1850 = arith.constant 9.99999971E-10 : f32
      %add3A_1851 = vector.broadcast %add3A_1850 : f32 to vector<16xf32>
      %add3A_1852 = arith.addf %sub3A_1849, %add3A_1851 : vector<16xf32>
      %div3A_1853 = arith.divf %mul3A_1845, %add3A_1852 : vector<16xf32>
      %max3A_1854 = arith.maximumf %max3A_1824, %div3A_1853 : vector<16xf32>
      %get3A_1855 = arith.constant 96 : index
      %get3A_1856 = tpu.vector_load %arg17[%get3A_1855] {strides = array<i32>} : memref<128xf32, #tpu.memory_space<vmem>>, vector<16xf32>,
      %max3A_1857 = arith.maximumf %get3A_1856, %gather3A_1654 : vector<16xf32>
      %get3A_1858 = arith.constant 96 : index
      %get3A_1859 = tpu.vector_load %arg18[%get3A_1858] {strides = array<i32>} : memref<128xf32, #tpu.memory_space<vmem>>, vector<16xf32>,
      %max3A_1860 = arith.maximumf %get3A_1859, %gather3A_1657 : vector<16xf32>
      %get3A_1861 = arith.constant 96 : index
      %get3A_1862 = tpu.vector_load %arg19[%get3A_1861] {strides = array<i32>} : memref<128xf32, #tpu.memory_space<vmem>>, vector<16xf32>,
      %min3A_1863 = arith.minimumf %get3A_1862, %gather3A_1660 : vector<16xf32>
      %get3A_1864 = arith.constant 96 : index
      %get3A_1865 = tpu.vector_load %arg20[%get3A_1864] {strides = array<i32>} : memref<128xf32, #tpu.memory_space<vmem>>, vector<16xf32>,
      %min3A_1866 = arith.minimumf %get3A_1865, %gather3A_1663 : vector<16xf32>
      %sub3A_1867 = arith.subf %min3A_1863, %max3A_1857 : vector<16xf32>
      %max3A_1868 = arith.constant 0.000000e+00 : f32
      %max3A_1869 = vector.broadcast %max3A_1868 : f32 to vector<16xf32>
      %max3A_1870 = arith.maximumf %sub3A_1867, %max3A_1869 : vector<16xf32>
      %sub3A_1871 = arith.subf %min3A_1866, %max3A_1860 : vector<16xf32>
      %max3A_1872 = arith.constant 0.000000e+00 : f32
      %max3A_1873 = vector.broadcast %max3A_1872 : f32 to vector<16xf32>
      %max3A_1874 = arith.maximumf %sub3A_1871, %max3A_1873 : vector<16xf32>
      %mul3A_1875 = arith.mulf %max3A_1870, %max3A_1874 : vector<16xf32>
      %get3A_1876 = arith.constant 96 : index
      %get3A_1877 = tpu.vector_load %arg22[%get3A_1876] {strides = array<i32>} : memref<128xf32, #tpu.memory_space<vmem>>, vector<16xf32>,
      %add3A_1878 = arith.addf %get3A_1877, %mul3A_1672 : vector<16xf32>
      %sub3A_1879 = arith.subf %add3A_1878, %mul3A_1875 : vector<16xf32>
      %add3A_1880 = arith.constant 9.99999971E-10 : f32
      %add3A_1881 = vector.broadcast %add3A_1880 : f32 to vector<16xf32>
      %add3A_1882 = arith.addf %sub3A_1879, %add3A_1881 : vector<16xf32>
      %div3A_1883 = arith.divf %mul3A_1875, %add3A_1882 : vector<16xf32>
      %max3A_1884 = arith.maximumf %max3A_1854, %div3A_1883 : vector<16xf32>
      %reduce_max3A_1885 = arith.constant true
      %reduce_max3A_1886 = vector.broadcast %reduce_max3A_1885 : i1 to vector<16xi1>
      %reduce_max3A_1887 = tpu.scan <max>, %max3A_1884 masked %reduce_max3A_1886 : vector<16xf32>, vector<16xi1> -> vector<16xf32>
      %reduce_max3A_1888 = vector.extract %reduce_max3A_1887[15] : f32 from vector<16xf32>
      %le3A = arith.constant 5.000000e-01 : f32
      %le3A_1889 = arith.cmpf ole, %reduce_max3A_1888, %le3A : f32
      %and3A_1890 = arith.andi %gt3A_1610, %le3A_1889 : i1
      %broadcast_in_dim3A_1891 = arith.constant 1.000000e+00 : f32
      %broadcast_in_dim3A_1892 = vector.broadcast %broadcast_in_dim3A_1891 : f32 to vector<16xf32>
      %broadcast_in_dim3A_1893 = arith.constant 0.000000e+00 : f32
      %broadcast_in_dim3A_1894 = vector.broadcast %broadcast_in_dim3A_1893 : f32 to vector<16xf32>
      %select_n3A_1895 = arith.select %and3A_1890, %broadcast_in_dim3A_1892, %broadcast_in_dim3A_1894 : vector<16xf32>
      %add3A_1896 = arith.constant 0 : i32
      %add3A_1897 = vector.broadcast %add3A_1896 : i32 to vector<16xi32>
      %add3A_1898 = arith.addi %iota3A, %add3A_1897 : vector<16xi32>
      %eq3A_1899 = vector.broadcast %while3A_105 : i32 to vector<16xi32>
      %eq3A_1900 = arith.cmpi eq, %add3A_1898, %eq3A_1899 : vector<16xi32>
      %get3A_1901 = arith.constant 0 : index
      %get3A_1902 = tpu.vector_load %arg26[%get3A_1901] {strides = array<i32>} : memref<128xf32, #tpu.memory_space<vmem>>, vector<16xf32>,
      %select_n3A_1903 = arith.select %eq3A_1900, %select_n3A_1895, %get3A_1902 : vector<16xi1>, vector<16xf32>
      %swap3A_1904 = arith.constant 0 : index
      %swap3A_1905 = tpu.vector_load %arg26[%swap3A_1904] {strides = array<i32>} : memref<128xf32, #tpu.memory_space<vmem>>, vector<16xf32>,
      tpu.vector_store %arg26[%swap3A_1904], %select_n3A_1903 {strides = array<i32>} : memref<128xf32, #tpu.memory_space<vmem>>, vector<16xf32>,
      %add3A_1906 = arith.constant 16 : i32
      %add3A_1907 = vector.broadcast %add3A_1906 : i32 to vector<16xi32>
      %add3A_1908 = arith.addi %iota3A, %add3A_1907 : vector<16xi32>
      %eq3A_1909 = vector.broadcast %while3A_105 : i32 to vector<16xi32>
      %eq3A_1910 = arith.cmpi eq, %add3A_1908, %eq3A_1909 : vector<16xi32>
      %get3A_1911 = arith.constant 16 : index
      %get3A_1912 = tpu.vector_load %arg26[%get3A_1911] {strides = array<i32>} : memref<128xf32, #tpu.memory_space<vmem>>, vector<16xf32>,
      %select_n3A_1913 = arith.select %eq3A_1910, %select_n3A_1895, %get3A_1912 : vector<16xi1>, vector<16xf32>
      %swap3A_1914 = arith.constant 16 : index
      %swap3A_1915 = tpu.vector_load %arg26[%swap3A_1914] {strides = array<i32>} : memref<128xf32, #tpu.memory_space<vmem>>, vector<16xf32>,
      tpu.vector_store %arg26[%swap3A_1914], %select_n3A_1913 {strides = array<i32>} : memref<128xf32, #tpu.memory_space<vmem>>, vector<16xf32>,
      %add3A_1916 = arith.constant 32 : i32
      %add3A_1917 = vector.broadcast %add3A_1916 : i32 to vector<16xi32>
      %add3A_1918 = arith.addi %iota3A, %add3A_1917 : vector<16xi32>
      %eq3A_1919 = vector.broadcast %while3A_105 : i32 to vector<16xi32>
      %eq3A_1920 = arith.cmpi eq, %add3A_1918, %eq3A_1919 : vector<16xi32>
      %get3A_1921 = arith.constant 32 : index
      %get3A_1922 = tpu.vector_load %arg26[%get3A_1921] {strides = array<i32>} : memref<128xf32, #tpu.memory_space<vmem>>, vector<16xf32>,
      %select_n3A_1923 = arith.select %eq3A_1920, %select_n3A_1895, %get3A_1922 : vector<16xi1>, vector<16xf32>
      %swap3A_1924 = arith.constant 32 : index
      %swap3A_1925 = tpu.vector_load %arg26[%swap3A_1924] {strides = array<i32>} : memref<128xf32, #tpu.memory_space<vmem>>, vector<16xf32>,
      tpu.vector_store %arg26[%swap3A_1924], %select_n3A_1923 {strides = array<i32>} : memref<128xf32, #tpu.memory_space<vmem>>, vector<16xf32>,
      %add3A_1926 = arith.constant 48 : i32
      %add3A_1927 = vector.broadcast %add3A_1926 : i32 to vector<16xi32>
      %add3A_1928 = arith.addi %iota3A, %add3A_1927 : vector<16xi32>
      %eq3A_1929 = vector.broadcast %while3A_105 : i32 to vector<16xi32>
      %eq3A_1930 = arith.cmpi eq, %add3A_1928, %eq3A_1929 : vector<16xi32>
      %get3A_1931 = arith.constant 48 : index
      %get3A_1932 = tpu.vector_load %arg26[%get3A_1931] {strides = array<i32>} : memref<128xf32, #tpu.memory_space<vmem>>, vector<16xf32>,
      %select_n3A_1933 = arith.select %eq3A_1930, %select_n3A_1895, %get3A_1932 : vector<16xi1>, vector<16xf32>
      %swap3A_1934 = arith.constant 48 : index
      %swap3A_1935 = tpu.vector_load %arg26[%swap3A_1934] {strides = array<i32>} : memref<128xf32, #tpu.memory_space<vmem>>, vector<16xf32>,
      tpu.vector_store %arg26[%swap3A_1934], %select_n3A_1933 {strides = array<i32>} : memref<128xf32, #tpu.memory_space<vmem>>, vector<16xf32>,
      %add3A_1936 = arith.constant 64 : i32
      %add3A_1937 = vector.broadcast %add3A_1936 : i32 to vector<16xi32>
      %add3A_1938 = arith.addi %iota3A, %add3A_1937 : vector<16xi32>
      %eq3A_1939 = vector.broadcast %while3A_105 : i32 to vector<16xi32>
      %eq3A_1940 = arith.cmpi eq, %add3A_1938, %eq3A_1939 : vector<16xi32>
      %get3A_1941 = arith.constant 64 : index
      %get3A_1942 = tpu.vector_load %arg26[%get3A_1941] {strides = array<i32>} : memref<128xf32, #tpu.memory_space<vmem>>, vector<16xf32>,
      %select_n3A_1943 = arith.select %eq3A_1940, %select_n3A_1895, %get3A_1942 : vector<16xi1>, vector<16xf32>
      %swap3A_1944 = arith.constant 64 : index
      %swap3A_1945 = tpu.vector_load %arg26[%swap3A_1944] {strides = array<i32>} : memref<128xf32, #tpu.memory_space<vmem>>, vector<16xf32>,
      tpu.vector_store %arg26[%swap3A_1944], %select_n3A_1943 {strides = array<i32>} : memref<128xf32, #tpu.memory_space<vmem>>, vector<16xf32>,
      %add3A_1946 = arith.constant 80 : i32
      %add3A_1947 = vector.broadcast %add3A_1946 : i32 to vector<16xi32>
      %add3A_1948 = arith.addi %iota3A, %add3A_1947 : vector<16xi32>
      %eq3A_1949 = vector.broadcast %while3A_105 : i32 to vector<16xi32>
      %eq3A_1950 = arith.cmpi eq, %add3A_1948, %eq3A_1949 : vector<16xi32>
      %get3A_1951 = arith.constant 80 : index
      %get3A_1952 = tpu.vector_load %arg26[%get3A_1951] {strides = array<i32>} : memref<128xf32, #tpu.memory_space<vmem>>, vector<16xf32>,
      %select_n3A_1953 = arith.select %eq3A_1950, %select_n3A_1895, %get3A_1952 : vector<16xi1>, vector<16xf32>
      %swap3A_1954 = arith.constant 80 : index
      %swap3A_1955 = tpu.vector_load %arg26[%swap3A_1954] {strides = array<i32>} : memref<128xf32, #tpu.memory_space<vmem>>, vector<16xf32>,
      tpu.vector_store %arg26[%swap3A_1954], %select_n3A_1953 {strides = array<i32>} : memref<128xf32, #tpu.memory_space<vmem>>, vector<16xf32>,
      %add3A_1956 = arith.constant 96 : i32
      %add3A_1957 = vector.broadcast %add3A_1956 : i32 to vector<16xi32>
      %add3A_1958 = arith.addi %iota3A, %add3A_1957 : vector<16xi32>
      %eq3A_1959 = vector.broadcast %while3A_105 : i32 to vector<16xi32>
      %eq3A_1960 = arith.cmpi eq, %add3A_1958, %eq3A_1959 : vector<16xi32>
      %get3A_1961 = arith.constant 96 : index
      %get3A_1962 = tpu.vector_load %arg26[%get3A_1961] {strides = array<i32>} : memref<128xf32, #tpu.memory_space<vmem>>, vector<16xf32>,
      %select_n3A_1963 = arith.select %eq3A_1960, %select_n3A_1895, %get3A_1962 : vector<16xi1>, vector<16xf32>
      %swap3A_1964 = arith.constant 96 : index
      %swap3A_1965 = tpu.vector_load %arg26[%swap3A_1964] {strides = array<i32>} : memref<128xf32, #tpu.memory_space<vmem>>, vector<16xf32>,
      tpu.vector_store %arg26[%swap3A_1964], %select_n3A_1963 {strides = array<i32>} : memref<128xf32, #tpu.memory_space<vmem>>, vector<16xf32>,
      %add3A_1966 = arith.constant 112 : i32
      %add3A_1967 = vector.broadcast %add3A_1966 : i32 to vector<16xi32>
      %add3A_1968 = arith.addi %iota3A, %add3A_1967 : vector<16xi32>
      %eq3A_1969 = vector.broadcast %while3A_105 : i32 to vector<16xi32>
      %eq3A_1970 = arith.cmpi eq, %add3A_1968, %eq3A_1969 : vector<16xi32>
      %get3A_1971 = arith.constant 112 : index
      %get3A_1972 = tpu.vector_load %arg26[%get3A_1971] {strides = array<i32>} : memref<128xf32, #tpu.memory_space<vmem>>, vector<16xf32>,
      %select_n3A_1973 = arith.select %eq3A_1970, %select_n3A_1895, %get3A_1972 : vector<16xi1>, vector<16xf32>
      %swap3A_1974 = arith.constant 112 : index
      %swap3A_1975 = tpu.vector_load %arg26[%swap3A_1974] {strides = array<i32>} : memref<128xf32, #tpu.memory_space<vmem>>, vector<16xf32>,
      tpu.vector_store %arg26[%swap3A_1974], %select_n3A_1973 {strides = array<i32>} : memref<128xf32, #tpu.memory_space<vmem>>, vector<16xf32>,
      %add3A_1976 = arith.constant 0 : i32
      %add3A_1977 = vector.broadcast %add3A_1976 : i32 to vector<16xi32>
      %add3A_1978 = arith.addi %iota3A, %add3A_1977 : vector<16xi32>
      %eq3A_1979 = vector.broadcast %while3A_105 : i32 to vector<16xi32>
      %eq3A_1980 = arith.cmpi eq, %add3A_1978, %eq3A_1979 : vector<16xi32>
      %and3A_1981 = vector.broadcast %and3A_1890 : i1 to vector<16xi1>
      %and3A_1982 = arith.andi %eq3A_1980, %and3A_1981 : vector<16xi1>
      %get3A_1983 = arith.constant 0 : index
      %get3A_1984 = tpu.vector_load %arg17[%get3A_1983] {strides = array<i32>} : memref<128xf32, #tpu.memory_space<vmem>>, vector<16xf32>,
      %select_n3A_1985 = arith.select %and3A_1982, %gather3A_1654, %get3A_1984 : vector<16xi1>, vector<16xf32>
      %swap3A_1986 = arith.constant 0 : index
      %swap3A_1987 = tpu.vector_load %arg17[%swap3A_1986] {strides = array<i32>} : memref<128xf32, #tpu.memory_space<vmem>>, vector<16xf32>,
      tpu.vector_store %arg17[%swap3A_1986], %select_n3A_1985 {strides = array<i32>} : memref<128xf32, #tpu.memory_space<vmem>>, vector<16xf32>,
      %get3A_1988 = arith.constant 0 : index
      %get3A_1989 = tpu.vector_load %arg18[%get3A_1988] {strides = array<i32>} : memref<128xf32, #tpu.memory_space<vmem>>, vector<16xf32>,
      %select_n3A_1990 = arith.select %and3A_1982, %gather3A_1657, %get3A_1989 : vector<16xi1>, vector<16xf32>
      %swap3A_1991 = arith.constant 0 : index
      %swap3A_1992 = tpu.vector_load %arg18[%swap3A_1991] {strides = array<i32>} : memref<128xf32, #tpu.memory_space<vmem>>, vector<16xf32>,
      tpu.vector_store %arg18[%swap3A_1991], %select_n3A_1990 {strides = array<i32>} : memref<128xf32, #tpu.memory_space<vmem>>, vector<16xf32>,
      %get3A_1993 = arith.constant 0 : index
      %get3A_1994 = tpu.vector_load %arg19[%get3A_1993] {strides = array<i32>} : memref<128xf32, #tpu.memory_space<vmem>>, vector<16xf32>,
      %select_n3A_1995 = arith.select %and3A_1982, %gather3A_1660, %get3A_1994 : vector<16xi1>, vector<16xf32>
      %swap3A_1996 = arith.constant 0 : index
      %swap3A_1997 = tpu.vector_load %arg19[%swap3A_1996] {strides = array<i32>} : memref<128xf32, #tpu.memory_space<vmem>>, vector<16xf32>,
      tpu.vector_store %arg19[%swap3A_1996], %select_n3A_1995 {strides = array<i32>} : memref<128xf32, #tpu.memory_space<vmem>>, vector<16xf32>,
      %get3A_1998 = arith.constant 0 : index
      %get3A_1999 = tpu.vector_load %arg20[%get3A_1998] {strides = array<i32>} : memref<128xf32, #tpu.memory_space<vmem>>, vector<16xf32>,
      %select_n3A_2000 = arith.select %and3A_1982, %gather3A_1663, %get3A_1999 : vector<16xi1>, vector<16xf32>
      %swap3A_2001 = arith.constant 0 : index
      %swap3A_2002 = tpu.vector_load %arg20[%swap3A_2001] {strides = array<i32>} : memref<128xf32, #tpu.memory_space<vmem>>, vector<16xf32>,
      tpu.vector_store %arg20[%swap3A_2001], %select_n3A_2000 {strides = array<i32>} : memref<128xf32, #tpu.memory_space<vmem>>, vector<16xf32>,
      %get3A_2003 = arith.constant 0 : index
      %get3A_2004 = tpu.vector_load %arg21[%get3A_2003] {strides = array<i32>} : memref<128xf32, #tpu.memory_space<vmem>>, vector<16xf32>,
      %select_n3A_2005 = arith.select %and3A_1982, %gather3A_1651, %get3A_2004 : vector<16xi1>, vector<16xf32>
      %swap3A_2006 = arith.constant 0 : index
      %swap3A_2007 = tpu.vector_load %arg21[%swap3A_2006] {strides = array<i32>} : memref<128xf32, #tpu.memory_space<vmem>>, vector<16xf32>,
      tpu.vector_store %arg21[%swap3A_2006], %select_n3A_2005 {strides = array<i32>} : memref<128xf32, #tpu.memory_space<vmem>>, vector<16xf32>,
      %get3A_2008 = arith.constant 0 : index
      %get3A_2009 = tpu.vector_load %arg22[%get3A_2008] {strides = array<i32>} : memref<128xf32, #tpu.memory_space<vmem>>, vector<16xf32>,
      %select_n3A_2010 = arith.select %and3A_1982, %mul3A_1672, %get3A_2009 : vector<16xi1>, vector<16xf32>
      %swap3A_2011 = arith.constant 0 : index
      %swap3A_2012 = tpu.vector_load %arg22[%swap3A_2011] {strides = array<i32>} : memref<128xf32, #tpu.memory_space<vmem>>, vector<16xf32>,
      tpu.vector_store %arg22[%swap3A_2011], %select_n3A_2010 {strides = array<i32>} : memref<128xf32, #tpu.memory_space<vmem>>, vector<16xf32>,
      %add3A_2013 = arith.constant 16 : i32
      %add3A_2014 = vector.broadcast %add3A_2013 : i32 to vector<16xi32>
      %add3A_2015 = arith.addi %iota3A, %add3A_2014 : vector<16xi32>
      %eq3A_2016 = vector.broadcast %while3A_105 : i32 to vector<16xi32>
      %eq3A_2017 = arith.cmpi eq, %add3A_2015, %eq3A_2016 : vector<16xi32>
      %and3A_2018 = vector.broadcast %and3A_1890 : i1 to vector<16xi1>
      %and3A_2019 = arith.andi %eq3A_2017, %and3A_2018 : vector<16xi1>
      %get3A_2020 = arith.constant 16 : index
      %get3A_2021 = tpu.vector_load %arg17[%get3A_2020] {strides = array<i32>} : memref<128xf32, #tpu.memory_space<vmem>>, vector<16xf32>,
      %select_n3A_2022 = arith.select %and3A_2019, %gather3A_1654, %get3A_2021 : vector<16xi1>, vector<16xf32>
      %swap3A_2023 = arith.constant 16 : index
      %swap3A_2024 = tpu.vector_load %arg17[%swap3A_2023] {strides = array<i32>} : memref<128xf32, #tpu.memory_space<vmem>>, vector<16xf32>,
      tpu.vector_store %arg17[%swap3A_2023], %select_n3A_2022 {strides = array<i32>} : memref<128xf32, #tpu.memory_space<vmem>>, vector<16xf32>,
      %get3A_2025 = arith.constant 16 : index
      %get3A_2026 = tpu.vector_load %arg18[%get3A_2025] {strides = array<i32>} : memref<128xf32, #tpu.memory_space<vmem>>, vector<16xf32>,
      %select_n3A_2027 = arith.select %and3A_2019, %gather3A_1657, %get3A_2026 : vector<16xi1>, vector<16xf32>
      %swap3A_2028 = arith.constant 16 : index
      %swap3A_2029 = tpu.vector_load %arg18[%swap3A_2028] {strides = array<i32>} : memref<128xf32, #tpu.memory_space<vmem>>, vector<16xf32>,
      tpu.vector_store %arg18[%swap3A_2028], %select_n3A_2027 {strides = array<i32>} : memref<128xf32, #tpu.memory_space<vmem>>, vector<16xf32>,
      %get3A_2030 = arith.constant 16 : index
      %get3A_2031 = tpu.vector_load %arg19[%get3A_2030] {strides = array<i32>} : memref<128xf32, #tpu.memory_space<vmem>>, vector<16xf32>,
      %select_n3A_2032 = arith.select %and3A_2019, %gather3A_1660, %get3A_2031 : vector<16xi1>, vector<16xf32>
      %swap3A_2033 = arith.constant 16 : index
      %swap3A_2034 = tpu.vector_load %arg19[%swap3A_2033] {strides = array<i32>} : memref<128xf32, #tpu.memory_space<vmem>>, vector<16xf32>,
      tpu.vector_store %arg19[%swap3A_2033], %select_n3A_2032 {strides = array<i32>} : memref<128xf32, #tpu.memory_space<vmem>>, vector<16xf32>,
      %get3A_2035 = arith.constant 16 : index
      %get3A_2036 = tpu.vector_load %arg20[%get3A_2035] {strides = array<i32>} : memref<128xf32, #tpu.memory_space<vmem>>, vector<16xf32>,
      %select_n3A_2037 = arith.select %and3A_2019, %gather3A_1663, %get3A_2036 : vector<16xi1>, vector<16xf32>
      %swap3A_2038 = arith.constant 16 : index
      %swap3A_2039 = tpu.vector_load %arg20[%swap3A_2038] {strides = array<i32>} : memref<128xf32, #tpu.memory_space<vmem>>, vector<16xf32>,
      tpu.vector_store %arg20[%swap3A_2038], %select_n3A_2037 {strides = array<i32>} : memref<128xf32, #tpu.memory_space<vmem>>, vector<16xf32>,
      %get3A_2040 = arith.constant 16 : index
      %get3A_2041 = tpu.vector_load %arg21[%get3A_2040] {strides = array<i32>} : memref<128xf32, #tpu.memory_space<vmem>>, vector<16xf32>,
      %select_n3A_2042 = arith.select %and3A_2019, %gather3A_1651, %get3A_2041 : vector<16xi1>, vector<16xf32>
      %swap3A_2043 = arith.constant 16 : index
      %swap3A_2044 = tpu.vector_load %arg21[%swap3A_2043] {strides = array<i32>} : memref<128xf32, #tpu.memory_space<vmem>>, vector<16xf32>,
      tpu.vector_store %arg21[%swap3A_2043], %select_n3A_2042 {strides = array<i32>} : memref<128xf32, #tpu.memory_space<vmem>>, vector<16xf32>,
      %get3A_2045 = arith.constant 16 : index
      %get3A_2046 = tpu.vector_load %arg22[%get3A_2045] {strides = array<i32>} : memref<128xf32, #tpu.memory_space<vmem>>, vector<16xf32>,
      %select_n3A_2047 = arith.select %and3A_2019, %mul3A_1672, %get3A_2046 : vector<16xi1>, vector<16xf32>
      %swap3A_2048 = arith.constant 16 : index
      %swap3A_2049 = tpu.vector_load %arg22[%swap3A_2048] {strides = array<i32>} : memref<128xf32, #tpu.memory_space<vmem>>, vector<16xf32>,
      tpu.vector_store %arg22[%swap3A_2048], %select_n3A_2047 {strides = array<i32>} : memref<128xf32, #tpu.memory_space<vmem>>, vector<16xf32>,
      %add3A_2050 = arith.constant 32 : i32
      %add3A_2051 = vector.broadcast %add3A_2050 : i32 to vector<16xi32>
      %add3A_2052 = arith.addi %iota3A, %add3A_2051 : vector<16xi32>
      %eq3A_2053 = vector.broadcast %while3A_105 : i32 to vector<16xi32>
      %eq3A_2054 = arith.cmpi eq, %add3A_2052, %eq3A_2053 : vector<16xi32>
      %and3A_2055 = vector.broadcast %and3A_1890 : i1 to vector<16xi1>
      %and3A_2056 = arith.andi %eq3A_2054, %and3A_2055 : vector<16xi1>
      %get3A_2057 = arith.constant 32 : index
      %get3A_2058 = tpu.vector_load %arg17[%get3A_2057] {strides = array<i32>} : memref<128xf32, #tpu.memory_space<vmem>>, vector<16xf32>,
      %select_n3A_2059 = arith.select %and3A_2056, %gather3A_1654, %get3A_2058 : vector<16xi1>, vector<16xf32>
      %swap3A_2060 = arith.constant 32 : index
      %swap3A_2061 = tpu.vector_load %arg17[%swap3A_2060] {strides = array<i32>} : memref<128xf32, #tpu.memory_space<vmem>>, vector<16xf32>,
      tpu.vector_store %arg17[%swap3A_2060], %select_n3A_2059 {strides = array<i32>} : memref<128xf32, #tpu.memory_space<vmem>>, vector<16xf32>,
      %get3A_2062 = arith.constant 32 : index
      %get3A_2063 = tpu.vector_load %arg18[%get3A_2062] {strides = array<i32>} : memref<128xf32, #tpu.memory_space<vmem>>, vector<16xf32>,
      %select_n3A_2064 = arith.select %and3A_2056, %gather3A_1657, %get3A_2063 : vector<16xi1>, vector<16xf32>
      %swap3A_2065 = arith.constant 32 : index
      %swap3A_2066 = tpu.vector_load %arg18[%swap3A_2065] {strides = array<i32>} : memref<128xf32, #tpu.memory_space<vmem>>, vector<16xf32>,
      tpu.vector_store %arg18[%swap3A_2065], %select_n3A_2064 {strides = array<i32>} : memref<128xf32, #tpu.memory_space<vmem>>, vector<16xf32>,
      %get3A_2067 = arith.constant 32 : index
      %get3A_2068 = tpu.vector_load %arg19[%get3A_2067] {strides = array<i32>} : memref<128xf32, #tpu.memory_space<vmem>>, vector<16xf32>,
      %select_n3A_2069 = arith.select %and3A_2056, %gather3A_1660, %get3A_2068 : vector<16xi1>, vector<16xf32>
      %swap3A_2070 = arith.constant 32 : index
      %swap3A_2071 = tpu.vector_load %arg19[%swap3A_2070] {strides = array<i32>} : memref<128xf32, #tpu.memory_space<vmem>>, vector<16xf32>,
      tpu.vector_store %arg19[%swap3A_2070], %select_n3A_2069 {strides = array<i32>} : memref<128xf32, #tpu.memory_space<vmem>>, vector<16xf32>,
      %get3A_2072 = arith.constant 32 : index
      %get3A_2073 = tpu.vector_load %arg20[%get3A_2072] {strides = array<i32>} : memref<128xf32, #tpu.memory_space<vmem>>, vector<16xf32>,
      %select_n3A_2074 = arith.select %and3A_2056, %gather3A_1663, %get3A_2073 : vector<16xi1>, vector<16xf32>
      %swap3A_2075 = arith.constant 32 : index
      %swap3A_2076 = tpu.vector_load %arg20[%swap3A_2075] {strides = array<i32>} : memref<128xf32, #tpu.memory_space<vmem>>, vector<16xf32>,
      tpu.vector_store %arg20[%swap3A_2075], %select_n3A_2074 {strides = array<i32>} : memref<128xf32, #tpu.memory_space<vmem>>, vector<16xf32>,
      %get3A_2077 = arith.constant 32 : index
      %get3A_2078 = tpu.vector_load %arg21[%get3A_2077] {strides = array<i32>} : memref<128xf32, #tpu.memory_space<vmem>>, vector<16xf32>,
      %select_n3A_2079 = arith.select %and3A_2056, %gather3A_1651, %get3A_2078 : vector<16xi1>, vector<16xf32>
      %swap3A_2080 = arith.constant 32 : index
      %swap3A_2081 = tpu.vector_load %arg21[%swap3A_2080] {strides = array<i32>} : memref<128xf32, #tpu.memory_space<vmem>>, vector<16xf32>,
      tpu.vector_store %arg21[%swap3A_2080], %select_n3A_2079 {strides = array<i32>} : memref<128xf32, #tpu.memory_space<vmem>>, vector<16xf32>,
      %get3A_2082 = arith.constant 32 : index
      %get3A_2083 = tpu.vector_load %arg22[%get3A_2082] {strides = array<i32>} : memref<128xf32, #tpu.memory_space<vmem>>, vector<16xf32>,
      %select_n3A_2084 = arith.select %and3A_2056, %mul3A_1672, %get3A_2083 : vector<16xi1>, vector<16xf32>
      %swap3A_2085 = arith.constant 32 : index
      %swap3A_2086 = tpu.vector_load %arg22[%swap3A_2085] {strides = array<i32>} : memref<128xf32, #tpu.memory_space<vmem>>, vector<16xf32>,
      tpu.vector_store %arg22[%swap3A_2085], %select_n3A_2084 {strides = array<i32>} : memref<128xf32, #tpu.memory_space<vmem>>, vector<16xf32>,
      %add3A_2087 = arith.constant 48 : i32
      %add3A_2088 = vector.broadcast %add3A_2087 : i32 to vector<16xi32>
      %add3A_2089 = arith.addi %iota3A, %add3A_2088 : vector<16xi32>
      %eq3A_2090 = vector.broadcast %while3A_105 : i32 to vector<16xi32>
      %eq3A_2091 = arith.cmpi eq, %add3A_2089, %eq3A_2090 : vector<16xi32>
      %and3A_2092 = vector.broadcast %and3A_1890 : i1 to vector<16xi1>
      %and3A_2093 = arith.andi %eq3A_2091, %and3A_2092 : vector<16xi1>
      %get3A_2094 = arith.constant 48 : index
      %get3A_2095 = tpu.vector_load %arg17[%get3A_2094] {strides = array<i32>} : memref<128xf32, #tpu.memory_space<vmem>>, vector<16xf32>,
      %select_n3A_2096 = arith.select %and3A_2093, %gather3A_1654, %get3A_2095 : vector<16xi1>, vector<16xf32>
      %swap3A_2097 = arith.constant 48 : index
      %swap3A_2098 = tpu.vector_load %arg17[%swap3A_2097] {strides = array<i32>} : memref<128xf32, #tpu.memory_space<vmem>>, vector<16xf32>,
      tpu.vector_store %arg17[%swap3A_2097], %select_n3A_2096 {strides = array<i32>} : memref<128xf32, #tpu.memory_space<vmem>>, vector<16xf32>,
      %get3A_2099 = arith.constant 48 : index
      %get3A_2100 = tpu.vector_load %arg18[%get3A_2099] {strides = array<i32>} : memref<128xf32, #tpu.memory_space<vmem>>, vector<16xf32>,
      %select_n3A_2101 = arith.select %and3A_2093, %gather3A_1657, %get3A_2100 : vector<16xi1>, vector<16xf32>
      %swap3A_2102 = arith.constant 48 : index
      %swap3A_2103 = tpu.vector_load %arg18[%swap3A_2102] {strides = array<i32>} : memref<128xf32, #tpu.memory_space<vmem>>, vector<16xf32>,
      tpu.vector_store %arg18[%swap3A_2102], %select_n3A_2101 {strides = array<i32>} : memref<128xf32, #tpu.memory_space<vmem>>, vector<16xf32>,
      %get3A_2104 = arith.constant 48 : index
      %get3A_2105 = tpu.vector_load %arg19[%get3A_2104] {strides = array<i32>} : memref<128xf32, #tpu.memory_space<vmem>>, vector<16xf32>,
      %select_n3A_2106 = arith.select %and3A_2093, %gather3A_1660, %get3A_2105 : vector<16xi1>, vector<16xf32>
      %swap3A_2107 = arith.constant 48 : index
      %swap3A_2108 = tpu.vector_load %arg19[%swap3A_2107] {strides = array<i32>} : memref<128xf32, #tpu.memory_space<vmem>>, vector<16xf32>,
      tpu.vector_store %arg19[%swap3A_2107], %select_n3A_2106 {strides = array<i32>} : memref<128xf32, #tpu.memory_space<vmem>>, vector<16xf32>,
      %get3A_2109 = arith.constant 48 : index
      %get3A_2110 = tpu.vector_load %arg20[%get3A_2109] {strides = array<i32>} : memref<128xf32, #tpu.memory_space<vmem>>, vector<16xf32>,
      %select_n3A_2111 = arith.select %and3A_2093, %gather3A_1663, %get3A_2110 : vector<16xi1>, vector<16xf32>
      %swap3A_2112 = arith.constant 48 : index
      %swap3A_2113 = tpu.vector_load %arg20[%swap3A_2112] {strides = array<i32>} : memref<128xf32, #tpu.memory_space<vmem>>, vector<16xf32>,
      tpu.vector_store %arg20[%swap3A_2112], %select_n3A_2111 {strides = array<i32>} : memref<128xf32, #tpu.memory_space<vmem>>, vector<16xf32>,
      %get3A_2114 = arith.constant 48 : index
      %get3A_2115 = tpu.vector_load %arg21[%get3A_2114] {strides = array<i32>} : memref<128xf32, #tpu.memory_space<vmem>>, vector<16xf32>,
      %select_n3A_2116 = arith.select %and3A_2093, %gather3A_1651, %get3A_2115 : vector<16xi1>, vector<16xf32>
      %swap3A_2117 = arith.constant 48 : index
      %swap3A_2118 = tpu.vector_load %arg21[%swap3A_2117] {strides = array<i32>} : memref<128xf32, #tpu.memory_space<vmem>>, vector<16xf32>,
      tpu.vector_store %arg21[%swap3A_2117], %select_n3A_2116 {strides = array<i32>} : memref<128xf32, #tpu.memory_space<vmem>>, vector<16xf32>,
      %get3A_2119 = arith.constant 48 : index
      %get3A_2120 = tpu.vector_load %arg22[%get3A_2119] {strides = array<i32>} : memref<128xf32, #tpu.memory_space<vmem>>, vector<16xf32>,
      %select_n3A_2121 = arith.select %and3A_2093, %mul3A_1672, %get3A_2120 : vector<16xi1>, vector<16xf32>
      %swap3A_2122 = arith.constant 48 : index
      %swap3A_2123 = tpu.vector_load %arg22[%swap3A_2122] {strides = array<i32>} : memref<128xf32, #tpu.memory_space<vmem>>, vector<16xf32>,
      tpu.vector_store %arg22[%swap3A_2122], %select_n3A_2121 {strides = array<i32>} : memref<128xf32, #tpu.memory_space<vmem>>, vector<16xf32>,
      %add3A_2124 = arith.constant 64 : i32
      %add3A_2125 = vector.broadcast %add3A_2124 : i32 to vector<16xi32>
      %add3A_2126 = arith.addi %iota3A, %add3A_2125 : vector<16xi32>
      %eq3A_2127 = vector.broadcast %while3A_105 : i32 to vector<16xi32>
      %eq3A_2128 = arith.cmpi eq, %add3A_2126, %eq3A_2127 : vector<16xi32>
      %and3A_2129 = vector.broadcast %and3A_1890 : i1 to vector<16xi1>
      %and3A_2130 = arith.andi %eq3A_2128, %and3A_2129 : vector<16xi1>
      %get3A_2131 = arith.constant 64 : index
      %get3A_2132 = tpu.vector_load %arg17[%get3A_2131] {strides = array<i32>} : memref<128xf32, #tpu.memory_space<vmem>>, vector<16xf32>,
      %select_n3A_2133 = arith.select %and3A_2130, %gather3A_1654, %get3A_2132 : vector<16xi1>, vector<16xf32>
      %swap3A_2134 = arith.constant 64 : index
      %swap3A_2135 = tpu.vector_load %arg17[%swap3A_2134] {strides = array<i32>} : memref<128xf32, #tpu.memory_space<vmem>>, vector<16xf32>,
      tpu.vector_store %arg17[%swap3A_2134], %select_n3A_2133 {strides = array<i32>} : memref<128xf32, #tpu.memory_space<vmem>>, vector<16xf32>,
      %get3A_2136 = arith.constant 64 : index
      %get3A_2137 = tpu.vector_load %arg18[%get3A_2136] {strides = array<i32>} : memref<128xf32, #tpu.memory_space<vmem>>, vector<16xf32>,
      %select_n3A_2138 = arith.select %and3A_2130, %gather3A_1657, %get3A_2137 : vector<16xi1>, vector<16xf32>
      %swap3A_2139 = arith.constant 64 : index
      %swap3A_2140 = tpu.vector_load %arg18[%swap3A_2139] {strides = array<i32>} : memref<128xf32, #tpu.memory_space<vmem>>, vector<16xf32>,
      tpu.vector_store %arg18[%swap3A_2139], %select_n3A_2138 {strides = array<i32>} : memref<128xf32, #tpu.memory_space<vmem>>, vector<16xf32>,
      %get3A_2141 = arith.constant 64 : index
      %get3A_2142 = tpu.vector_load %arg19[%get3A_2141] {strides = array<i32>} : memref<128xf32, #tpu.memory_space<vmem>>, vector<16xf32>,
      %select_n3A_2143 = arith.select %and3A_2130, %gather3A_1660, %get3A_2142 : vector<16xi1>, vector<16xf32>
      %swap3A_2144 = arith.constant 64 : index
      %swap3A_2145 = tpu.vector_load %arg19[%swap3A_2144] {strides = array<i32>} : memref<128xf32, #tpu.memory_space<vmem>>, vector<16xf32>,
      tpu.vector_store %arg19[%swap3A_2144], %select_n3A_2143 {strides = array<i32>} : memref<128xf32, #tpu.memory_space<vmem>>, vector<16xf32>,
      %get3A_2146 = arith.constant 64 : index
      %get3A_2147 = tpu.vector_load %arg20[%get3A_2146] {strides = array<i32>} : memref<128xf32, #tpu.memory_space<vmem>>, vector<16xf32>,
      %select_n3A_2148 = arith.select %and3A_2130, %gather3A_1663, %get3A_2147 : vector<16xi1>, vector<16xf32>
      %swap3A_2149 = arith.constant 64 : index
      %swap3A_2150 = tpu.vector_load %arg20[%swap3A_2149] {strides = array<i32>} : memref<128xf32, #tpu.memory_space<vmem>>, vector<16xf32>,
      tpu.vector_store %arg20[%swap3A_2149], %select_n3A_2148 {strides = array<i32>} : memref<128xf32, #tpu.memory_space<vmem>>, vector<16xf32>,
      %get3A_2151 = arith.constant 64 : index
      %get3A_2152 = tpu.vector_load %arg21[%get3A_2151] {strides = array<i32>} : memref<128xf32, #tpu.memory_space<vmem>>, vector<16xf32>,
      %select_n3A_2153 = arith.select %and3A_2130, %gather3A_1651, %get3A_2152 : vector<16xi1>, vector<16xf32>
      %swap3A_2154 = arith.constant 64 : index
      %swap3A_2155 = tpu.vector_load %arg21[%swap3A_2154] {strides = array<i32>} : memref<128xf32, #tpu.memory_space<vmem>>, vector<16xf32>,
      tpu.vector_store %arg21[%swap3A_2154], %select_n3A_2153 {strides = array<i32>} : memref<128xf32, #tpu.memory_space<vmem>>, vector<16xf32>,
      %get3A_2156 = arith.constant 64 : index
      %get3A_2157 = tpu.vector_load %arg22[%get3A_2156] {strides = array<i32>} : memref<128xf32, #tpu.memory_space<vmem>>, vector<16xf32>,
      %select_n3A_2158 = arith.select %and3A_2130, %mul3A_1672, %get3A_2157 : vector<16xi1>, vector<16xf32>
      %swap3A_2159 = arith.constant 64 : index
      %swap3A_2160 = tpu.vector_load %arg22[%swap3A_2159] {strides = array<i32>} : memref<128xf32, #tpu.memory_space<vmem>>, vector<16xf32>,
      tpu.vector_store %arg22[%swap3A_2159], %select_n3A_2158 {strides = array<i32>} : memref<128xf32, #tpu.memory_space<vmem>>, vector<16xf32>,
      %add3A_2161 = arith.constant 80 : i32
      %add3A_2162 = vector.broadcast %add3A_2161 : i32 to vector<16xi32>
      %add3A_2163 = arith.addi %iota3A, %add3A_2162 : vector<16xi32>
      %eq3A_2164 = vector.broadcast %while3A_105 : i32 to vector<16xi32>
      %eq3A_2165 = arith.cmpi eq, %add3A_2163, %eq3A_2164 : vector<16xi32>
      %and3A_2166 = vector.broadcast %and3A_1890 : i1 to vector<16xi1>
      %and3A_2167 = arith.andi %eq3A_2165, %and3A_2166 : vector<16xi1>
      %get3A_2168 = arith.constant 80 : index
      %get3A_2169 = tpu.vector_load %arg17[%get3A_2168] {strides = array<i32>} : memref<128xf32, #tpu.memory_space<vmem>>, vector<16xf32>,
      %select_n3A_2170 = arith.select %and3A_2167, %gather3A_1654, %get3A_2169 : vector<16xi1>, vector<16xf32>
      %swap3A_2171 = arith.constant 80 : index
      %swap3A_2172 = tpu.vector_load %arg17[%swap3A_2171] {strides = array<i32>} : memref<128xf32, #tpu.memory_space<vmem>>, vector<16xf32>,
      tpu.vector_store %arg17[%swap3A_2171], %select_n3A_2170 {strides = array<i32>} : memref<128xf32, #tpu.memory_space<vmem>>, vector<16xf32>,
      %get3A_2173 = arith.constant 80 : index
      %get3A_2174 = tpu.vector_load %arg18[%get3A_2173] {strides = array<i32>} : memref<128xf32, #tpu.memory_space<vmem>>, vector<16xf32>,
      %select_n3A_2175 = arith.select %and3A_2167, %gather3A_1657, %get3A_2174 : vector<16xi1>, vector<16xf32>
      %swap3A_2176 = arith.constant 80 : index
      %swap3A_2177 = tpu.vector_load %arg18[%swap3A_2176] {strides = array<i32>} : memref<128xf32, #tpu.memory_space<vmem>>, vector<16xf32>,
      tpu.vector_store %arg18[%swap3A_2176], %select_n3A_2175 {strides = array<i32>} : memref<128xf32, #tpu.memory_space<vmem>>, vector<16xf32>,
      %get3A_2178 = arith.constant 80 : index
      %get3A_2179 = tpu.vector_load %arg19[%get3A_2178] {strides = array<i32>} : memref<128xf32, #tpu.memory_space<vmem>>, vector<16xf32>,
      %select_n3A_2180 = arith.select %and3A_2167, %gather3A_1660, %get3A_2179 : vector<16xi1>, vector<16xf32>
      %swap3A_2181 = arith.constant 80 : index
      %swap3A_2182 = tpu.vector_load %arg19[%swap3A_2181] {strides = array<i32>} : memref<128xf32, #tpu.memory_space<vmem>>, vector<16xf32>,
      tpu.vector_store %arg19[%swap3A_2181], %select_n3A_2180 {strides = array<i32>} : memref<128xf32, #tpu.memory_space<vmem>>, vector<16xf32>,
      %get3A_2183 = arith.constant 80 : index
      %get3A_2184 = tpu.vector_load %arg20[%get3A_2183] {strides = array<i32>} : memref<128xf32, #tpu.memory_space<vmem>>, vector<16xf32>,
      %select_n3A_2185 = arith.select %and3A_2167, %gather3A_1663, %get3A_2184 : vector<16xi1>, vector<16xf32>
      %swap3A_2186 = arith.constant 80 : index
      %swap3A_2187 = tpu.vector_load %arg20[%swap3A_2186] {strides = array<i32>} : memref<128xf32, #tpu.memory_space<vmem>>, vector<16xf32>,
      tpu.vector_store %arg20[%swap3A_2186], %select_n3A_2185 {strides = array<i32>} : memref<128xf32, #tpu.memory_space<vmem>>, vector<16xf32>,
      %get3A_2188 = arith.constant 80 : index
      %get3A_2189 = tpu.vector_load %arg21[%get3A_2188] {strides = array<i32>} : memref<128xf32, #tpu.memory_space<vmem>>, vector<16xf32>,
      %select_n3A_2190 = arith.select %and3A_2167, %gather3A_1651, %get3A_2189 : vector<16xi1>, vector<16xf32>
      %swap3A_2191 = arith.constant 80 : index
      %swap3A_2192 = tpu.vector_load %arg21[%swap3A_2191] {strides = array<i32>} : memref<128xf32, #tpu.memory_space<vmem>>, vector<16xf32>,
      tpu.vector_store %arg21[%swap3A_2191], %select_n3A_2190 {strides = array<i32>} : memref<128xf32, #tpu.memory_space<vmem>>, vector<16xf32>,
      %get3A_2193 = arith.constant 80 : index
      %get3A_2194 = tpu.vector_load %arg22[%get3A_2193] {strides = array<i32>} : memref<128xf32, #tpu.memory_space<vmem>>, vector<16xf32>,
      %select_n3A_2195 = arith.select %and3A_2167, %mul3A_1672, %get3A_2194 : vector<16xi1>, vector<16xf32>
      %swap3A_2196 = arith.constant 80 : index
      %swap3A_2197 = tpu.vector_load %arg22[%swap3A_2196] {strides = array<i32>} : memref<128xf32, #tpu.memory_space<vmem>>, vector<16xf32>,
      tpu.vector_store %arg22[%swap3A_2196], %select_n3A_2195 {strides = array<i32>} : memref<128xf32, #tpu.memory_space<vmem>>, vector<16xf32>,
      %add3A_2198 = arith.constant 96 : i32
      %add3A_2199 = vector.broadcast %add3A_2198 : i32 to vector<16xi32>
      %add3A_2200 = arith.addi %iota3A, %add3A_2199 : vector<16xi32>
      %eq3A_2201 = vector.broadcast %while3A_105 : i32 to vector<16xi32>
      %eq3A_2202 = arith.cmpi eq, %add3A_2200, %eq3A_2201 : vector<16xi32>
      %and3A_2203 = vector.broadcast %and3A_1890 : i1 to vector<16xi1>
      %and3A_2204 = arith.andi %eq3A_2202, %and3A_2203 : vector<16xi1>
      %get3A_2205 = arith.constant 96 : index
      %get3A_2206 = tpu.vector_load %arg17[%get3A_2205] {strides = array<i32>} : memref<128xf32, #tpu.memory_space<vmem>>, vector<16xf32>,
      %select_n3A_2207 = arith.select %and3A_2204, %gather3A_1654, %get3A_2206 : vector<16xi1>, vector<16xf32>
      %swap3A_2208 = arith.constant 96 : index
      %swap3A_2209 = tpu.vector_load %arg17[%swap3A_2208] {strides = array<i32>} : memref<128xf32, #tpu.memory_space<vmem>>, vector<16xf32>,
      tpu.vector_store %arg17[%swap3A_2208], %select_n3A_2207 {strides = array<i32>} : memref<128xf32, #tpu.memory_space<vmem>>, vector<16xf32>,
      %get3A_2210 = arith.constant 96 : index
      %get3A_2211 = tpu.vector_load %arg18[%get3A_2210] {strides = array<i32>} : memref<128xf32, #tpu.memory_space<vmem>>, vector<16xf32>,
      %select_n3A_2212 = arith.select %and3A_2204, %gather3A_1657, %get3A_2211 : vector<16xi1>, vector<16xf32>
      %swap3A_2213 = arith.constant 96 : index
      %swap3A_2214 = tpu.vector_load %arg18[%swap3A_2213] {strides = array<i32>} : memref<128xf32, #tpu.memory_space<vmem>>, vector<16xf32>,
      tpu.vector_store %arg18[%swap3A_2213], %select_n3A_2212 {strides = array<i32>} : memref<128xf32, #tpu.memory_space<vmem>>, vector<16xf32>,
      %get3A_2215 = arith.constant 96 : index
      %get3A_2216 = tpu.vector_load %arg19[%get3A_2215] {strides = array<i32>} : memref<128xf32, #tpu.memory_space<vmem>>, vector<16xf32>,
      %select_n3A_2217 = arith.select %and3A_2204, %gather3A_1660, %get3A_2216 : vector<16xi1>, vector<16xf32>
      %swap3A_2218 = arith.constant 96 : index
      %swap3A_2219 = tpu.vector_load %arg19[%swap3A_2218] {strides = array<i32>} : memref<128xf32, #tpu.memory_space<vmem>>, vector<16xf32>,
      tpu.vector_store %arg19[%swap3A_2218], %select_n3A_2217 {strides = array<i32>} : memref<128xf32, #tpu.memory_space<vmem>>, vector<16xf32>,
      %get3A_2220 = arith.constant 96 : index
      %get3A_2221 = tpu.vector_load %arg20[%get3A_2220] {strides = array<i32>} : memref<128xf32, #tpu.memory_space<vmem>>, vector<16xf32>,
      %select_n3A_2222 = arith.select %and3A_2204, %gather3A_1663, %get3A_2221 : vector<16xi1>, vector<16xf32>
      %swap3A_2223 = arith.constant 96 : index
      %swap3A_2224 = tpu.vector_load %arg20[%swap3A_2223] {strides = array<i32>} : memref<128xf32, #tpu.memory_space<vmem>>, vector<16xf32>,
      tpu.vector_store %arg20[%swap3A_2223], %select_n3A_2222 {strides = array<i32>} : memref<128xf32, #tpu.memory_space<vmem>>, vector<16xf32>,
      %get3A_2225 = arith.constant 96 : index
      %get3A_2226 = tpu.vector_load %arg21[%get3A_2225] {strides = array<i32>} : memref<128xf32, #tpu.memory_space<vmem>>, vector<16xf32>,
      %select_n3A_2227 = arith.select %and3A_2204, %gather3A_1651, %get3A_2226 : vector<16xi1>, vector<16xf32>
      %swap3A_2228 = arith.constant 96 : index
      %swap3A_2229 = tpu.vector_load %arg21[%swap3A_2228] {strides = array<i32>} : memref<128xf32, #tpu.memory_space<vmem>>, vector<16xf32>,
      tpu.vector_store %arg21[%swap3A_2228], %select_n3A_2227 {strides = array<i32>} : memref<128xf32, #tpu.memory_space<vmem>>, vector<16xf32>,
      %get3A_2230 = arith.constant 96 : index
      %get3A_2231 = tpu.vector_load %arg22[%get3A_2230] {strides = array<i32>} : memref<128xf32, #tpu.memory_space<vmem>>, vector<16xf32>,
      %select_n3A_2232 = arith.select %and3A_2204, %mul3A_1672, %get3A_2231 : vector<16xi1>, vector<16xf32>
      %swap3A_2233 = arith.constant 96 : index
      %swap3A_2234 = tpu.vector_load %arg22[%swap3A_2233] {strides = array<i32>} : memref<128xf32, #tpu.memory_space<vmem>>, vector<16xf32>,
      tpu.vector_store %arg22[%swap3A_2233], %select_n3A_2232 {strides = array<i32>} : memref<128xf32, #tpu.memory_space<vmem>>, vector<16xf32>,
      %convert_element_type3A_2235 = arith.extui %and3A_1890 : i1 to i32
      %add3A_2236 = arith.addi %while3A_105, %convert_element_type3A_2235 : i32
      scf.yield %add3A_2236, %gt3A_1610, %reduce_max3A_1608, %reduce_min3A_1623 : i32, i1, f32, i32
    }
    %eq3A = arith.constant 0 : i32
    %eq3A_101 = arith.cmpi eq, %arg0, %eq3A : i32
    %eq3A_102 = arith.constant 0 : i32
    %eq3A_103 = arith.cmpi eq, %arg1, %eq3A_102 : i32
    %and3A = arith.andi %eq3A_101, %eq3A_103 : i1
    %convert_element_type3A = arith.extui %and3A : i1 to i32
    %cond3A = arith.constant 0 : i32
    %cond3A_104 = arith.cmpi ne, %convert_element_type3A, %cond3A : i32
    scf.if %cond3A_104 {
      "tpu.region"() ({
        %run_scoped3A = tpu.sem_alloc : memref<!tpu.dma_semaphore, #tpu.memory_space<semaphore_mem>>
        tpu.enqueue_dma source(%arg17 : memref<128xf32, #tpu.memory_space<vmem>>) target(%arg7 : memref<128xf32, #tpu.memory_space<hbm>>) target_semaphore(%run_scoped3A : memref<!tpu.dma_semaphore, #tpu.memory_space<semaphore_mem>>)
        tpu.wait_dma2 semaphore(%run_scoped3A : memref<!tpu.dma_semaphore, #tpu.memory_space<semaphore_mem>>) src(%arg17 : memref<128xf32, #tpu.memory_space<vmem>>) dst(%arg7 : memref<128xf32, #tpu.memory_space<hbm>>)
        tpu.yield
      }) : () -> ()
      "tpu.region"() ({
        %run_scoped3A = tpu.sem_alloc : memref<!tpu.dma_semaphore, #tpu.memory_space<semaphore_mem>>
        tpu.enqueue_dma source(%arg18 : memref<128xf32, #tpu.memory_space<vmem>>) target(%arg8 : memref<128xf32, #tpu.memory_space<hbm>>) target_semaphore(%run_scoped3A : memref<!tpu.dma_semaphore, #tpu.memory_space<semaphore_mem>>)
        tpu.wait_dma2 semaphore(%run_scoped3A : memref<!tpu.dma_semaphore, #tpu.memory_space<semaphore_mem>>) src(%arg18 : memref<128xf32, #tpu.memory_space<vmem>>) dst(%arg8 : memref<128xf32, #tpu.memory_space<hbm>>)
        tpu.yield
      }) : () -> ()
      "tpu.region"() ({
        %run_scoped3A = tpu.sem_alloc : memref<!tpu.dma_semaphore, #tpu.memory_space<semaphore_mem>>
        tpu.enqueue_dma source(%arg19 : memref<128xf32, #tpu.memory_space<vmem>>) target(%arg9 : memref<128xf32, #tpu.memory_space<hbm>>) target_semaphore(%run_scoped3A : memref<!tpu.dma_semaphore, #tpu.memory_space<semaphore_mem>>)
        tpu.wait_dma2 semaphore(%run_scoped3A : memref<!tpu.dma_semaphore, #tpu.memory_space<semaphore_mem>>) src(%arg19 : memref<128xf32, #tpu.memory_space<vmem>>) dst(%arg9 : memref<128xf32, #tpu.memory_space<hbm>>)
        tpu.yield
      }) : () -> ()
      "tpu.region"() ({
        %run_scoped3A = tpu.sem_alloc : memref<!tpu.dma_semaphore, #tpu.memory_space<semaphore_mem>>
        tpu.enqueue_dma source(%arg20 : memref<128xf32, #tpu.memory_space<vmem>>) target(%arg10 : memref<128xf32, #tpu.memory_space<hbm>>) target_semaphore(%run_scoped3A : memref<!tpu.dma_semaphore, #tpu.memory_space<semaphore_mem>>)
        tpu.wait_dma2 semaphore(%run_scoped3A : memref<!tpu.dma_semaphore, #tpu.memory_space<semaphore_mem>>) src(%arg20 : memref<128xf32, #tpu.memory_space<vmem>>) dst(%arg10 : memref<128xf32, #tpu.memory_space<hbm>>)
        tpu.yield
      }) : () -> ()
      "tpu.region"() ({
        %run_scoped3A = tpu.sem_alloc : memref<!tpu.dma_semaphore, #tpu.memory_space<semaphore_mem>>
        tpu.enqueue_dma source(%arg21 : memref<128xf32, #tpu.memory_space<vmem>>) target(%arg11 : memref<128xf32, #tpu.memory_space<hbm>>) target_semaphore(%run_scoped3A : memref<!tpu.dma_semaphore, #tpu.memory_space<semaphore_mem>>)
        tpu.wait_dma2 semaphore(%run_scoped3A : memref<!tpu.dma_semaphore, #tpu.memory_space<semaphore_mem>>) src(%arg21 : memref<128xf32, #tpu.memory_space<vmem>>) dst(%arg11 : memref<128xf32, #tpu.memory_space<hbm>>)
        tpu.yield
      }) : () -> ()
    } else {
    }
    return
  }
}

</mosaic_0001>

<sc_bundles>
// kernel: kernel.3.cloned.1.call-start
scs
__scs_entry_jumppad:
0x0: {  	(pc) =	sbr.rel $0x88, $3  }
0x1: {  	(tag) =	ssettag $0x0;
	lr =	simm.s32 $0x1  }
0x2: {  	[smem:$0x3F9F] =	sst lr;
	_ =	strace $0xD0000000  }
0x3: {  	_ = 	snop  }
0x4: {  	_ = 	snop  }
0x5: {  	_ = 	snop  }
0x6: {  	_ = 	snop  }
0x7: {  	_ = 	snop  }
__scs_overlays_trampoline_lowered:
0x8: {  	[smem:$0x3FAE] =	sst s0  }
0x9: {  	[smem:$0x3FAF] =	sst s1  }
0xa: {  	[smem:$0x3FB0] =	sst s2  }
0xb: {  	[smem:$0x3FB1] =	sst s3  }
0xc: {  	[smem:$0x3FB2] =	sst s4  }
0xd: {  	[smem:$0x3FB3] =	sst s5  }
0xe: {  	[smem:$0x3FB4] =	sst s6  }
0xf: {  	[smem:$0x3FB5] =	sst s7  }
0x10: {  	[smem:$0x3FB6] =	sst s8  }
0x11: {  	[smem:$0x3FB7] =	sst s9;
	s0 =	simm.s32 @!p0 $0x0  }
0x12: {  	s1 =	sld [smem:$0x3F9D];
	s0 =	simm.s32 @p0 $0x1  }
0x13: {  	[smem:$0x3FB8] =	sst s0;
	s0 =	simm.s32 @!p1 $0x0  }
0x14: {  	s2 =	sld [smem:$0x3F9C];
	s0 =	simm.s32 @p1 $0x1  }
0x15: {  	[smem:$0x3FB9] =	sst s0;
	s0 =	simm.s32 @!p2 $0x0  }
0x16: {  	s3 =	sld [smem:$0x3FDB];
	s0 =	simm.s32 @p2 $0x1  }
0x17: {  	s4 =	simm.s32 $0x1BF5;
	[smem:$0x3FBB] =	sst s0  }
0x18: {  	s0 =	sld [smem:$0x3F9E];
	_ =	swait.ge [sflag:s4], $0x0  }
0x19: {  	s7 =	sld [smem:$0x3F9F]  }
0x1a: {  	s8 =	sadd.s32 $0xFFFFE003, lr  }
0x1b: {  	s9 =	sadd.s32 $0xFFFFFEF7, lr;
	s5 =	simm.s32 $0xFFFFFFFF;
	p2 =	slt.u32 s8, $0xFFFFF086  }
0x1c: {  	p1 =	slt.u32 s9, $0xF7A;
	s5 =	simm.s32 @!p2 $0x0  }
0x1d: {  	s5 =	simm.s32 @p1 $0x1;
	p0 =	seq.s32 s7, s2  }
0x1e: {  	s7 =	smul.u32 @!p0 $0xF7A, s2;
	p2 =	seq.s32 @!p0 s5, $0x0  }
0x1f: {  	s9 =	smul.u32 $0xF7A, s1;
	s8 =	simm.s32 @!p0 $0x1BF5;
	p2 =	por !p2, p0  }
0x20: {  	[sflag:s8] =	ssyncset.s32 @!p0 $0xFFFFF086;
	s6 =	sadd.s32 @!p0 s3, s7;
	s7 =	simm.s32 @!p0 $0x108  }
0x21: {  	s3 =	sadd.s32 s3, s9;
	s6 =	sadd.s32 @!p0 $0x88, s6;
	s7 =	simm.s32 @p2 $0x1082  }
0x22: {  	[simem:s7], [sflag:s8] =	dma.local @!p0 [hbm:s6], $0xF7A  }
0x23: {  	s9 =	sor.u32 $0xD0000000, s2;
	s6 =	simm.s32 $0x108;
	_ =	swait.ge @!p0 [sflag:s8], $0x0  }
0x24: {  	s3 =	sadd.s32 $0x88, s3;
	s6 =	simm.s32 @!p1 $0x1082;
	[sflag:s4] =	ssyncset.s32 $0xFFFFF086  }
0x25: {  	[simem:s6], [sflag:s4] =	dma.local [hbm:s3], $0xF7A  }
0x26: {  	[smem:$0x3F9F] =	sst s1;
	(tag) =	ssettag s2;
	_ =	strace s9  }
0x27: {  	s1 =	sld [smem:$0x3FAF]  }
0x28: {  	s2 =	sld [smem:$0x3FB0]  }
0x29: {  	s4 =	sld [smem:$0x3FB2]  }
0x2a: {  	p0 =	seq.s32 s5, $0x0;
	s5 =	sld [smem:$0x3FB3]  }
0x2b: {  	s6 =	sld [smem:$0x3FB4]  }
0x2c: {  	s7 =	sld [smem:$0x3FB5]  }
0x2d: {  	s3 =	simm.s32 $0x108;
	s8 =	sld [smem:$0x3FB6]  }
0x2e: {  	s3 =	simm.s32 @!p0 $0x1082;
	s9 =	sld [smem:$0x3FB7]  }
0x2f: {  	lr =	sadd.s32 s0, s3;
	s0 =	sld [smem:$0x3FAE]  }
0x30: {  	s3 =	sld [smem:$0x3FB1]  }
0x31: {  	[smem:$0x3FBA] =	sst s10  }
0x32: {  	s10 =	sld [smem:$0x3FB8];
	_ =	sdelay $0x3  }
0x33: {  	p0 =	seq.s32 s10, $0x1;
	s10 =	sld [smem:$0x3FBA];
	_ =	sdelay $0x3  }
0x34: {  	[smem:$0x3FBA] =	sst s10  }
0x35: {  	s10 =	sld [smem:$0x3FB9];
	_ =	sdelay $0x3  }
0x36: {  	p1 =	seq.s32 s10, $0x1;
	s10 =	sld [smem:$0x3FBA];
	_ =	sdelay $0x3  }
0x37: {  	[smem:$0x3FBA] =	sst s10  }
0x38: {  	s10 =	sld [smem:$0x3FBB]  }
0x39: {  	_ = 	snop;
	(pc) =	sbr.ind lr, $3  }
0x3a: {  	_ = 	snop  }
0x3b: {  	_ = 	snop  }
0x3c: {  	p2 =	seq.s32 s10, $0x1;
	s10 =	sld [smem:$0x3FBA]  }
0x3d: {  	_ =	shalt  }
0x3e: {  	_ =	shalt  }
0x3f: {  	_ =	shalt  }
0x40: {  	_ =	shalt  }
0x41: {  	_ =	shalt  }
0x42: {  	_ =	shalt  }
0x43: {  	_ =	shalt  }
0x44: {  	_ =	shalt  }
0x45: {  	_ =	shalt  }
0x46: {  	_ =	shalt  }
0x47: {  	_ =	shalt  }
0x48: {  	_ =	shalt  }
0x49: {  	_ =	shalt  }
0x4a: {  	_ =	shalt  }
0x4b: {  	_ =	shalt  }
0x4c: {  	_ =	shalt  }
0x4d: {  	_ =	shalt  }
0x4e: {  	_ =	shalt  }
0x4f: {  	_ =	shalt  }
0x50: {  	_ =	shalt  }
0x51: {  	_ =	shalt  }
0x52: {  	_ =	shalt  }
0x53: {  	_ =	shalt  }
0x54: {  	_ =	shalt  }
0x55: {  	_ =	shalt  }
0x56: {  	_ =	shalt  }
0x57: {  	_ =	shalt  }
0x58: {  	_ =	shalt  }
0x59: {  	_ =	shalt  }
0x5a: {  	_ =	shalt  }
0x5b: {  	_ =	shalt  }
0x5c: {  	_ =	shalt  }
0x5d: {  	_ =	shalt  }
0x5e: {  	_ =	shalt  }
0x5f: {  	_ =	shalt  }
0x60: {  	_ =	shalt  }
0x61: {  	_ =	shalt  }
0x62: {  	_ =	shalt  }
0x63: {  	_ =	shalt  }
0x64: {  	_ =	shalt  }
0x65: {  	_ =	shalt  }
0x66: {  	_ =	shalt  }
0x67: {  	_ =	shalt  }
0x68: {  	_ =	shalt  }
0x69: {  	_ =	shalt  }
0x6a: {  	_ =	shalt  }
0x6b: {  	_ =	shalt  }
0x6c: {  	_ =	shalt  }
0x6d: {  	_ =	shalt  }
0x6e: {  	_ =	shalt  }
0x6f: {  	_ =	shalt  }
0x70: {  	_ =	shalt  }
0x71: {  	_ =	shalt  }
0x72: {  	_ =	shalt  }
0x73: {  	_ =	shalt  }
0x74: {  	_ =	shalt  }
0x75: {  	_ =	shalt  }
0x76: {  	_ =	shalt  }
0x77: {  	_ =	shalt  }
0x78: {  	_ =	shalt  }
0x79: {  	_ =	shalt  }
0x7a: {  	_ =	shalt  }
0x7b: {  	_ =	shalt  }
0x7c: {  	_ =	shalt  }
0x7d: {  	_ =	shalt  }
0x7e: {  	_ =	shalt  }
0x7f: {  	_ =	shalt  }
0x80: {  	_ =	shalt  }
0x81: {  	_ =	shalt  }
0x82: {  	_ =	shalt  }
0x83: {  	_ =	shalt  }
0x84: {  	_ =	shalt  }
0x85: {  	_ =	shalt  }
0x86: {  	_ =	shalt  }
0x87: {  	_ =	shalt  }
.Lfunc_end0:
.L_simem_size_0:
called_computation_lowered:
.L_overlay_start_0:
0x88: {  	s2 =	sld [smem:$0x3FD9]  }
0x89: {  	s3 =	sld [smem:$0x3FFE];
	_ =	sdelay $0x1  }
0x8a: {  	s1 =	srdreg.scid  }
0x8b: {  	s0 =	sand.u32 $0x1, s1  }
0x8c: {  	s17 =	sshll.u32 s0, $0xA;
	s2 =	sadd.s32 s3, s2  }
0x8d: {  	s2 =	sadd.s32 s2, s17  }
0x8e: {  	[smem:$0x3FC6] =	sst s2  }
0x8f: {  	_ = 	snop  }
0x90: {  	s2 =	sld [smem:$0x3FD0];
	(tm) =	ssettm $0x1  }
0x91: {  	s18 =	sld [smem:$0x3FFB];
	_ =	sdelay $0x3  }
0x92: {  	_ =	strace s18  }
0x93: {  	s3 =	sld [smem:$0x3FFC];
	_ =	sdelay $0x3  }
0x94: {  	_ =	strace s3  }
0x95: {  	s3 =	sld [smem:$0x3FFD];
	_ =	sdelay $0x3  }
0x96: {  	_ =	strace s3  }
0x97: {  	_ =	strace $0x8FFFFFFF  }
0x98: {  	s19 =	sld [smem:$0x3FDB];
	_ =	sdelay $0x1  }
0x99: {  	s4 =	simm.s32 $_scs_section_size  }
0x9a: {  	s5 =	simm.s32 $_size__tile_overlayer_lowered;
	s6 =	simm.s32 $_tile_overlayer_lowered  }
0x9b: {  	s22 =	simm.s32 $0x1BFF;
	s21 =	sshll.u32 s6, $0x1;
	s3 =	sadd.s32 s4, s19  }
0x9c: {  	s7 =	simm.s32 $0x0;
	s20 =	sshll.u32 s5, $0x1;
	s5 =	sadd.s32 s21, s3  }
0x9d: {  	[timem:s7], [sflag:s22] =	dma.local [hbm:s5], s20  }
0x9e: {  	_ =	swait.ge [sflag:s22], s20  }
0x9f: {  	s4 =	ssub.s32 $0x0, s20;
	[sflag:s22] =	ssyncset.done $0x0  }
0xa0: {  	[sflag:s22] =	ssyncadd.s32 s4;
	_ =	sdelay $0x1  }
0xa1: {  	s23 =	simm.s32 $0x1B8B  }
0xa2: {  	_ =	swait.ge [sflag:s23], $0x1  }
0xa3: {  	[sflag:s23] =	ssyncset.done $0x0  }
0xa4: {  	s25 =	simm.s32 $0x1B8E;
	s24 =	sld [smem:$0x3FFE];
	[sflag:s23] =	ssyncadd.s32 $0xFFFFFFFF  }
0xa5: {  	s26 =	simm.s32 $execute0_lowered;
	[smem:$0x3FD2] =	sst s25  }
0xa6: {  	s5 =	sshll.u32 s26, $0x1;
	_ =	strace $0x80000046;
	[dreg:$0x1] =	wrdreg $0xFFFFFFFF  }
0xa7: {  	s28 =	simm.s32 $_size_execute0_lowered;
	s3 =	sadd.s32 s3, s5;
	[dreg:$0x0] =	wrdreg $0x0  }
0xa8: {  	s5 =	sshll.u32 s28, $0x1;
	[dreg:$0x2] =	wrdreg s3  }
0xa9: {  	[dreg:$0x3] =	wrdreg s5  }
0xaa: {  	[dreg:$0x4] =	wrdreg $0xC0  }
0xab: {  	_ =	task [dreg:s7], $0x5FFFF  }
0xac: {  	[dreg:$0x1] =	wrdreg $0xFFFFFFFF  }
0xad: {  	[dreg:$0x0] =	wrdreg $0x60  }
0xae: {  	[dreg:$0x2] =	wrdreg s24  }
0xaf: {  	[dreg:$0x3] =	wrdreg s2  }
0xb0: {  	[dreg:$0x4] =	wrdreg $0x24800  }
0xb1: {  	[dreg:$0x5] =	wrdreg $0x9  }
0xb2: {  	_ =	task.clear_ibuf [dreg:s7], $0x6FFFF;
	_ =	strace $0x90000046  }
0xb3: {  	s29 =	simm.s32 $0x9;
	_ =	strace $0x80000048  }
0xb4: {  	_ =	swait.ge [sflag:s29], $0x1  }
0xb5: {  	[sflag:s29] =	ssyncadd.s32 $0xFFFFFFFF  }
0xb6: {  	_ =	strace $0x90000048  }
0xb7: {  	_ =	sfence  }
0xb8: {  	s30 =	sld [smem:$0x0];
	_ =	sdelay $0x2  }
0xb9: {  	s31 =	sshll.u32 s1, $0xD;
	s1 =	sshrl.u32 s1, $0x2  }
0xba: {  	s3 =	sand.u32 $0x4000, s31;
	s1 =	sadd.s32 s1, s30  }
0xbb: {  	s0 =	sor.u32 s3, s0;
	s1 =	sshll.u32 s1, $0x11  }
0xbc: {  	s0 =	sor.u32 s1, s0  }
0xbd: {  	s0 =	sadd.s32 $0x8F2B, s0  }
0xbe: {  	[sflag:s0] =	ssyncadd.remote.s32 $0x1  }
0xbf: {  	_ =	sfence.sel $0xFFFF  }
0xc0: {  	[dreg:$0x0] =	wrdreg $0xFFFFFFFF;
	(pc) =	sbr.abs _section_cstart, $3  }
0xc1: {  	[dreg:$0x1] =	wrdreg $0xFFFFFFFF  }
0xc2: {  	_ =	task.clear_ibuf [dreg:s7], $0x2FFFF;
	_ =	strace $0x9FFFFFFF  }
0xc3: {  	(tm) =	ssettm $0x7FFFFFFF  }
tec
execute0_lowered:
.L_overlay_start_1:
0x0: {  	(tag) =	ssettag $0x1  }
0x1: {  	s10 =	rddreg [dreg:$0x0]  }
0x2: {  	s5 =	srdreg.scid;
	s3 =	stileid.u32  }
0x3: {  	s1 =	rddreg [dreg:$0x1];
	s16 =	sand.u32 $0x1, s5;
	s5 =	smul.u32 $0x500, s3  }
0x4: {  	s2 =	rddreg [dreg:$0x2];
	s4 =	simm.s32 $0x0;
	v51 =	vlaneseq.u32  }
0x5: {  	[smem:$0x7FF] =	sst s4;
	s15 =	sor.u32 $0x10, s5;
	v20 =	vor.u32 s5, v51  }
0x6: {  	s0 =	rddreg [dreg:$0x3];
	_ =	strace $0x80000047;
	s18 =	sor.u32 $0x20, s5;
	v0 =	vor.u32 s15, v51;
	[tilespmem:$0x1FFF0] =	vst v20  }
0x7: {  	s19 =	sor.u32 $0x50, s5;
	v24 =	vor.u32 s18, v51;
	[tilespmem:$0x1FEF0] =	vst v0  }
0x8: {  	s26 =	sor.u32 $0x30, s5;
	v11 =	vor.u32 s19, v51;
	[tilespmem:$0x1FF20] =	vst v24  }
0x9: {  	s28 =	sor.u32 $0x40, s5;
	s30 =	sor.u32 $0x70, s5;
	v13 =	vor.u32 s26, v51;
	[tilespmem:$0x1FF50] =	vst v11  }
0xa: {  	s31 =	sor.u32 $0x80, s5;
	v26 =	vor.u32 s28, v51;
	v29 =	vor.u32 s30, v51;
	s30 =	sadd.s32 $0x130, s5;
	[tilespmem:$0x1FF80] =	vst v13  }
0xb: {  	s21 =	sor.u32 $0xB0, s5;
	v30 =	vor.u32 s31, v51;
	s31 =	sadd.s32 $0x140, s5;
	v41 =	vor.u32 s30, v51;
	[tilespmem:$0x1FFB0] =	vst v26  }
0xc: {  	s20 =	sor.u32 $0xA0, s5;
	v33 =	vor.u32 s21, v51;
	s21 =	sadd.s32 $0x170, s5;
	v9 =	vor.u32 s31, v51;
	[tilespmem:$0x1FEE0] =	vst v41  }
0xd: {  	s29 =	sor.u32 $0x60, s5;
	s19 =	sor.u32 $0x90, s5;
	v32 =	vor.u32 s20, v51;
	s20 =	sadd.s32 $0x160, s5;
	v53 =	vor.u32 s21, v51;
	[tilespmem:$0x1FF10] =	vst v9  }
0xe: {  	s24 =	sor.u32 $0xE0, s5;
	v28 =	vor.u32 s29, v51;
	v31 =	vor.u32 s19, v51;
	s19 =	sadd.s32 $0x150, s5;
	v44 =	vor.u32 s20, v51;
	s31 =	sadd.s32 $0x200, s5;
	[tilespmem:$0x1FF40] =	vst v53  }
0xf: {  	v36 =	vor.u32 s24, v51;
	s24 =	sadd.s32 $0x1A0, s5;
	s21 =	sadd.s32 $0x230, s5;
	v43 =	vor.u32 s19, v51;
	v8 =	vor.u32 s31, v51;
	s31 =	sadd.s32 $0x2C0, s5;
	[tilespmem:$0x1FFA0] =	vst v44  }
0x10: {  	s29 =	sadd.s32 $0x120, s5;
	v2 =	vor.u32 s24, v51;
	s24 =	sadd.s32 $0x260, s5;
	v55 =	vor.u32 s21, v51;
	s21 =	sadd.s32 $0x2F0, s5;
	v23 =	vor.u32 s31, v51;
	[tilespmem:$0x1FF70] =	vst v43  }
0x11: {  	v40 =	vor.u32 s29, v51;
	s29 =	sadd.s32 $0x1E0, s5;
	v14 =	vor.u32 s24, v51;
	s24 =	sadd.s32 $0x320, s5;
	v45 =	vor.u32 s21, v51;
	[tilespmem:$0x1FF00] =	vst v23  }
0x12: {  	s28 =	sadd.s32 $0x110, s5;
	s20 =	sadd.s32 $0x220, s5;
	v6 =	vor.u32 s29, v51;
	s29 =	sadd.s32 $0x2A0, s5;
	v27 =	vor.u32 s24, v51;
	[tilespmem:$0x1FF30] =	vst v45  }
0x13: {  	s22 =	sor.u32 $0xC0, s5;
	v39 =	vor.u32 s28, v51;
	s28 =	sadd.s32 $0x1D0, s5;
	v10 =	vor.u32 s20, v51;
	s20 =	sadd.s32 $0x2E0, s5;
	v48 =	vor.u32 s29, v51;
	[tilespmem:$0x1FF60] =	vst v27  }
0x14: {  	s23 =	sor.u32 $0xD0, s5;
	s25 =	sor.u32 $0xF0, s5;
	v34 =	vor.u32 s22, v51;
	v5 =	vor.u32 s28, v51;
	s28 =	sadd.s32 $0x290, s5;
	v42 =	vor.u32 s20, v51;
	[tilespmem:$0x1FFC0] =	vst v48  }
0x15: {  	v35 =	vor.u32 s23, v51;
	s26 =	sadd.s32 $0x100, s5;
	v37 =	vor.u32 s25, v51;
	s22 =	sadd.s32 $0x180, s5;
	v17 =	vor.u32 s28, v51;
	s20 =	sadd.s32 $0x3B0, s5;
	[tilespmem:$0x1FFD0] =	vst v42  }
0x16: {  	s23 =	sadd.s32 $0x190, s5;
	v38 =	vor.u32 s26, v51;
	v46 =	vor.u32 s22, v51;
	s22 =	sadd.s32 $0x240, s5;
	s28 =	sadd.s32 $0x350, s5;
	v18 =	vor.u32 s20, v51;
	[tilespmem:$0x1FFE0] =	vst v17  }
0x17: {  	v1 =	vor.u32 s23, v51;
	s23 =	sadd.s32 $0x250, s5;
	v12 =	vor.u32 s22, v51;
	s22 =	sadd.s32 $0x300, s5;
	s21 =	sadd.s32 $0x3C0, s5;
	v25 =	vor.u32 s28, v51;
	[tilespmem:$0x1FD90] =	vst v18  }
0x18: {  	s25 =	sadd.s32 $0x1B0, s5;
	v58 =	vor.u32 s23, v51;
	s23 =	sadd.s32 $0x310, s5;
	v52 =	vor.u32 s22, v51;
	s22 =	sadd.s32 $0x3D0, s5;
	v18 =	vor.u32 s21, v51;
	[tilespmem:$0x1FF90] =	vst v25  }
0x19: {  	s26 =	sadd.s32 $0x1C0, s5;
	v3 =	vor.u32 s25, v51;
	s25 =	sadd.s32 $0x270, s5;
	v54 =	vor.u32 s23, v51;
	s23 =	sadd.s32 $0x3E0, s5;
	[tilespmem:$0x1FDA0] =	vst v18;
	v18 =	vor.u32 s22, v51  }
0x1a: {  	v4 =	vor.u32 s26, v51;
	s26 =	sadd.s32 $0x280, s5;
	v15 =	vor.u32 s25, v51;
	s25 =	sadd.s32 $0x330, s5;
	s24 =	sadd.s32 $0x3F0, s5;
	[tilespmem:$0x1FDB0] =	vst v18;
	v18 =	vor.u32 s23, v51  }
0x1b: {  	v16 =	vor.u32 s26, v51;
	s26 =	sadd.s32 $0x340, s5;
	v56 =	vor.u32 s25, v51;
	s25 =	sadd.s32 $0x400, s5;
	[tilespmem:$0x1FDC0] =	vst v18;
	v18 =	vor.u32 s24, v51  }
0x1c: {  	s6 =	sadd.s32 $0x3600, s10;
	v57 =	vor.u32 s26, v51;
	s26 =	sadd.s32 $0x410, s5;
	[tilespmem:$0x1FDD0] =	vst v18;
	v18 =	vor.u32 s25, v51  }
0x1d: {  	s7 =	sadd.s32 $0x3800, s10;
	s8 =	sadd.s32 $0x3200, s10;
	s28 =	sadd.s32 $0x420, s5;
	[tilespmem:$0x1FDE0] =	vst v18;
	v18 =	vor.u32 s26, v51  }
0x1e: {  	s9 =	sadd.s32 $0x3400, s10;
	s11 =	ssub.s32 $0x2, s16;
	s20 =	sadd.s32 $0x430, s5;
	[tilespmem:$0x1FDF0] =	vst v18;
	v18 =	vor.u32 s28, v51  }
0x1f: {  	s12 =	sshrl.u32 s11, $0x1;
	s13 =	sshrl.u32 s5, $0x3;
	s21 =	sadd.s32 $0x440, s5;
	[tilespmem:$0x1FE00] =	vst v18;
	v18 =	vor.u32 s20, v51  }
0x20: {  	s17 =	ssub.s32 s11, s12;
	s10 =	sadd.s32 s10, s13;
	s22 =	sadd.s32 $0x450, s5;
	[tilespmem:$0x1FE10] =	vst v18;
	v18 =	vor.u32 s21, v51  }
0x21: {  	s18 =	sadd.s32 $0x390, s5;
	s19 =	sadd.s32 $0x210, s5;
	s23 =	sadd.s32 $0x460, s5;
	[tilespmem:$0x1FE20] =	vst v18;
	v18 =	vor.u32 s22, v51  }
0x22: {  	s11 =	sadd.s32 $0xA00, s10;
	v50 =	vor.u32 s19, v51;
	s19 =	sadd.s32 $0x2D0, s5;
	s24 =	sadd.s32 $0x470, s5;
	[tilespmem:$0x1FE30] =	vst v18;
	v18 =	vor.u32 s23, v51  }
0x23: {  	s12 =	sadd.s32 $0x1400, s10;
	v62 =	vor.u32 s18, v51;
	s18 =	sadd.s32 $0x480, s5;
	v49 =	vor.u32 s19, v51;
	s19 =	sadd.s32 $0x3A0, s5;
	[tilespmem:$0x1FE40] =	vst v18;
	v18 =	vor.u32 s24, v51  }
0x24: {  	s13 =	sadd.s32 $0x1E00, s10;
	s30 =	sadd.s32 $0x1F0, s5;
	v63 =	vor.u32 s19, v51;
	s19 =	sadd.s32 $0x490, s5;
	[tilespmem:$0x1FE50] =	vst v18;
	v18 =	vor.u32 s18, v51  }
0x25: {  	s14 =	sadd.s32 $0x2800, s10;
	v7 =	vor.u32 s30, v51;
	s30 =	sadd.s32 $0x2B0, s5;
	s25 =	sadd.s32 $0x4A0, s5;
	[tilespmem:$0x1FE60] =	vst v18;
	v18 =	vor.u32 s19, v51  }
0x26: {  	v47 =	vor.u32 s30, v51;
	s29 =	sadd.s32 $0x360, s5;
	s30 =	sadd.s32 $0x370, s5;
	s20 =	sadd.s32 $0x4B0, s5;
	[tilespmem:$0x1FE70] =	vst v18;
	v18 =	vor.u32 s25, v51  }
0x27: {  	s31 =	sadd.s32 $0x380, s5;
	v59 =	vor.u32 s29, v51;
	s29 =	sadd.s32 $0x4E0, s5;
	s21 =	sadd.s32 $0x4C0, s5;
	[tilespmem:$0x1FE80] =	vst v18;
	v18 =	vor.u32 s20, v51  }
0x28: {  	v60 =	vor.u32 s30, v51;
	v61 =	vor.u32 s31, v51;
	s30 =	sadd.s32 $0x4F0, s5;
	s31 =	sshll.u32 s3, $0x7;
	s26 =	sadd.s32 $0x4D0, s5;
	[tilespmem:$0x1FE90] =	vst v18;
	v18 =	vor.u32 s21, v51  }
0x29: {  	s15 =	sadd.s32 s31, s2;
	s28 =	sor.u32 s3, s16;
	s16 =	smax.u32 s17, $0x1;
	[tilespmem:$0x1FEA0] =	vst v18;
	v18 =	vor.u32 s26, v51  }
0x2a: {  	s17 =	simm.s32 $0x1;
	p0 =	sne.s32 s28, $0x0;
	s22 =	simm.s32 $0x1C00;
	[tilespmem:$0x1FEB0] =	vst v18;
	v18 =	vor.u32 s29, v51  }
0x2b: {  	vm6 =	vcmask $0x3F10;
	s23 =	simm.s32 $0x1C80;
	s24 =	simm.s32 $0x0;
	s18 =	simm.s32 $0x500;
	[tilespmem:$0x1FEC0] =	vst v18;
	v18 =	vor.u32 s30, v51  }
0x2c: {  	vm4 =	vcmask $0x3F0C;
	vm3 =	vcmask $0x3F08;
	s19 =	simm.s32 $0xA00;
	s20 =	simm.s32 $0xF00;
	s21 =	simm.s32 $0x1400;
	[tilespmem:$0x1FED0] =	vst v18  }
.LBB2_1:
0x2d: {  	[tilespmem:s4], [sflag:$0x1] =	stream.linear.gather [hbm4b:s10+s4], $0x500, $0x38;
	[tilespmem:$0x2510] =	vst v63  }
0x2e: {  	_ =	swait.ge [sflag:s17], $0x500  }
0x2f: {  	[sflag:s17] =	ssyncset.done $0x0  }
0x30: {  	[sflag:s17] =	ssyncadd.s32 $0xFFFFFB00  }
0x31: {  	[tilespmem:s18], [sflag:$0x1] =	stream.linear.gather [hbm4b:s11+s4], $0x500, $0x38;
	[tilespmem:$0x2510] =	vst v63  }
0x32: {  	_ =	swait.ge [sflag:s17], $0x500  }
0x33: {  	[sflag:s17] =	ssyncset.done $0x0  }
0x34: {  	[sflag:s17] =	ssyncadd.s32 $0xFFFFFB00  }
0x35: {  	[tilespmem:s19], [sflag:$0x1] =	stream.linear.gather [hbm4b:s12+s4], $0x500, $0x38;
	[tilespmem:$0x2510] =	vst v63  }
0x36: {  	_ =	swait.ge [sflag:s17], $0x500  }
0x37: {  	[sflag:s17] =	ssyncset.done $0x0  }
0x38: {  	[sflag:s17] =	ssyncadd.s32 $0xFFFFFB00  }
0x39: {  	[tilespmem:s20], [sflag:$0x1] =	stream.linear.gather [hbm4b:s13+s4], $0x500, $0x38;
	[tilespmem:$0x2510] =	vst v63  }
0x3a: {  	_ =	swait.ge [sflag:s17], $0x500  }
0x3b: {  	[sflag:s17] =	ssyncset.done $0x0  }
0x3c: {  	[sflag:s17] =	ssyncadd.s32 $0xFFFFFB00  }
0x3d: {  	[tilespmem:s21], [sflag:$0x1] =	stream.linear.gather [hbm4b:s14+s4], $0x500, $0x38;
	[tilespmem:$0x2510] =	vst v63  }
0x3e: {  	_ =	swait.ge [sflag:s17], $0x500  }
0x3f: {  	[sflag:s17] =	ssyncset.done $0x0  }
0x40: {  	v18 =	vimm.f32 $0.0e+00;
	[sflag:s17] =	ssyncadd.s32 $0xFFFFFB00  }
0x41: {  	[tilespmem:$0x1900] =	vst v18  }
0x42: {  	[tilespmem:$0x1980] =	vst v18  }
0x43: {  	[tilespmem:$0x1A00] =	vst v18  }
0x44: {  	[tilespmem:$0x1A80] =	vst v18  }
0x45: {  	[tilespmem:$0x1B00] =	vst v18  }
0x46: {  	[tilespmem:$0x1B80] =	vst v18  }
0x47: {  	[tilespmem:$0x1910] =	vst v18  }
0x48: {  	[tilespmem:$0x1990] =	vst v18  }
0x49: {  	[tilespmem:$0x1A10] =	vst v18  }
0x4a: {  	[tilespmem:$0x1A90] =	vst v18  }
0x4b: {  	[tilespmem:$0x1B10] =	vst v18  }
0x4c: {  	[tilespmem:$0x1B90] =	vst v18  }
0x4d: {  	[tilespmem:$0x1920] =	vst v18  }
0x4e: {  	[tilespmem:$0x19A0] =	vst v18  }
0x4f: {  	[tilespmem:$0x1A20] =	vst v18  }
0x50: {  	[tilespmem:$0x1AA0] =	vst v18  }
0x51: {  	[tilespmem:$0x1B20] =	vst v18  }
0x52: {  	[tilespmem:$0x1BA0] =	vst v18  }
0x53: {  	[tilespmem:$0x1930] =	vst v18  }
0x54: {  	[tilespmem:$0x19B0] =	vst v18  }
0x55: {  	[tilespmem:$0x1A30] =	vst v18  }
0x56: {  	[tilespmem:$0x1AB0] =	vst v18  }
0x57: {  	[tilespmem:$0x1B30] =	vst v18  }
0x58: {  	[tilespmem:$0x1BB0] =	vst v18  }
0x59: {  	[tilespmem:$0x1940] =	vst v18  }
0x5a: {  	[tilespmem:$0x19C0] =	vst v18  }
0x5b: {  	[tilespmem:$0x1A40] =	vst v18  }
0x5c: {  	[tilespmem:$0x1AC0] =	vst v18  }
0x5d: {  	[tilespmem:$0x1B40] =	vst v18  }
0x5e: {  	[tilespmem:$0x1BC0] =	vst v18  }
0x5f: {  	[tilespmem:$0x1950] =	vst v18  }
0x60: {  	[tilespmem:$0x19D0] =	vst v18  }
0x61: {  	[tilespmem:$0x1A50] =	vst v18  }
0x62: {  	[tilespmem:$0x1AD0] =	vst v18  }
0x63: {  	[tilespmem:$0x1B50] =	vst v18  }
0x64: {  	[tilespmem:$0x1BD0] =	vst v18  }
0x65: {  	[tilespmem:$0x1960] =	vst v18  }
0x66: {  	[tilespmem:$0x19E0] =	vst v18  }
0x67: {  	[tilespmem:$0x1A60] =	vst v18  }
0x68: {  	[tilespmem:$0x1AE0] =	vst v18  }
0x69: {  	[tilespmem:$0x1B60] =	vst v18  }
0x6a: {  	[tilespmem:$0x1BE0] =	vst v18  }
0x6b: {  	[tilespmem:$0x1970] =	vst v18  }
0x6c: {  	[tilespmem:$0x19F0] =	vst v18  }
0x6d: {  	[tilespmem:$0x1A70] =	vst v18  }
0x6e: {  	[tilespmem:$0x1AF0] =	vst v18  }
0x6f: {  	[tilespmem:$0x1B70] =	vst v18  }
0x70: {  	s26 =	simm.f32 $+Inf;
	s28 =	simm.s32 $0xFFFFFFFF;
	s25 =	simm.s32 $0x0;
	[tilespmem:$0x1BF0] =	vst v18  }
.LBB2_2:
0x71: {  	v18 =	vld [tilespmem:$0x1400];
	_ =	sdelay $0x2  }
0x72: {  	v19 =	vld [tilespmem:$0x1410];
	_ =	sdelay $0x1  }
0x73: {  	vm7 =	vgt.s32 v20, s28;
	vm0 =	vlt.f32 v18, s26;
	vm1 =	veq.f32 v18, s26  }
0x74: {  	v20 =	vld [tilespmem:$0x1420];
	vm8 =	vgt.f32 v18, $-Inf;
	vm1 =	vmand vm7, vm1;
	vm7 =	vlt.f32 v18, $-Inf  }
0x75: {  	vm0 =	vmor vm0, vm1;
	vm1 =	vmor vm8, vm7  }
0x76: {  	vm8 =	vmand vm1, vm0;
	vm0 =	veq.f32 v19, s26;
	vm1 =	vgt.s32 v0, s28  }
0x77: {  	v21 =	vld [tilespmem:$0x1430];
	vm7 =	vlt.f32 v19, s26;
	v18 =	vnsel vm8, $0xFF800000, v18;
	vm0 =	vmand vm1, vm0  }
0x78: {  	vm0 =	vmor vm7, vm0;
	vm1 =	vgt.f32 v19, v18  }
0x79: {  	vm9 =	vmand vm0, vm1;
	vm0 =	veq.f32 v20, s26;
	vm1 =	vgt.s32 v24, s28  }
0x7a: {  	vm7 =	vlt.f32 v20, s26;
	v18 =	vsel vm9, v19, v18;
	vm0 =	vmand vm1, vm0;
	v19 =	vld [tilespmem:$0x1440]  }
0x7b: {  	vm0 =	vmor vm7, vm0;
	vm1 =	vgt.f32 v20, v18  }
0x7c: {  	vm10 =	vmand vm0, vm1;
	vm0 =	veq.f32 v21, s26;
	vm1 =	vgt.s32 v13, s28  }
0x7d: {  	vm7 =	vlt.f32 v21, s26;
	v18 =	vsel vm10, v20, v18;
	vm0 =	vmand vm1, vm0;
	v20 =	vld [tilespmem:$0x1450]  }
0x7e: {  	vm0 =	vmor vm7, vm0;
	vm1 =	vgt.f32 v21, v18  }
0x7f: {  	vm11 =	vmand vm0, vm1;
	vm0 =	veq.f32 v19, s26;
	vm1 =	vgt.s32 v26, s28  }
0x80: {  	vm7 =	vlt.f32 v19, s26;
	v18 =	vsel vm11, v21, v18;
	vm0 =	vmand vm1, vm0;
	v21 =	vld [tilespmem:$0x1460]  }
0x81: {  	vm0 =	vmor vm7, vm0;
	vm1 =	vgt.f32 v19, v18  }
0x82: {  	vm12 =	vmand vm0, vm1;
	vm0 =	veq.f32 v20, s26;
	vm1 =	vgt.s32 v11, s28  }
0x83: {  	vm7 =	vlt.f32 v20, s26;
	v18 =	vsel vm12, v19, v18;
	vm0 =	vmand vm1, vm0;
	v19 =	vld [tilespmem:$0x1470]  }
0x84: {  	vm0 =	vmor vm7, vm0;
	vm1 =	vgt.f32 v20, v18  }
0x85: {  	vm13 =	vmand vm0, vm1;
	vm0 =	veq.f32 v21, s26;
	vm1 =	vgt.s32 v28, s28  }
0x86: {  	vm7 =	vlt.f32 v21, s26;
	v18 =	vsel vm13, v20, v18;
	vm0 =	vmand vm1, vm0;
	v20 =	vld [tilespmem:$0x1480]  }
0x87: {  	vm0 =	vmor vm7, vm0;
	vm1 =	vgt.f32 v21, v18  }
0x88: {  	vm14 =	vmand vm0, vm1;
	vm0 =	veq.f32 v19, s26;
	vm1 =	vgt.s32 v29, s28  }
0x89: {  	vm7 =	vlt.f32 v19, s26;
	v18 =	vsel vm14, v21, v18;
	vm0 =	vmand vm1, vm0;
	v21 =	vld [tilespmem:$0x1490]  }
0x8a: {  	vm5 =	vmmov vm4;
	vm0 =	vmor vm7, vm0;
	vm1 =	vgt.f32 v19, v18  }
0x8b: {  	v22 =	vld [tilespmem:$0x1FFF0];
	vm15 =	vmand vm0, vm1;
	vm0 =	veq.f32 v20, s26;
	vm1 =	vgt.s32 v30, s28  }
0x8c: {  	vm7 =	vlt.f32 v20, s26;
	v18 =	vsel vm15, v19, v18;
	vm0 =	vmand vm1, vm0;
	v19 =	vld [tilespmem:$0x14A0]  }
0x8d: {  	vm4 =	vmmov vm3;
	vm0 =	vmor vm7, vm0;
	vm1 =	vgt.f32 v20, v18  }
0x8e: {  	vm7 =	vgt.s32 v31, s28;
	vm0 =	vmand vm0, vm1;
	vm1 =	veq.f32 v21, s26  }
0x8f: {  	vm2 =	vlt.f32 v21, s26;
	v18 =	vsel vm0, v20, v18;
	vm1 =	vmand vm7, vm1;
	v20 =	vld [tilespmem:$0x14B0]  }
0x90: {  	v22 =	vnsel vm8, $0x0, v22;
	vm1 =	vmor vm2, vm1;
	vm2 =	vgt.f32 v21, v18  }
0x91: {  	vm7 =	vgt.s32 v32, s28;
	vm1 =	vmand vm1, vm2;
	vm2 =	veq.f32 v19, s26  }
0x92: {  	vm3 =	vlt.f32 v19, s26;
	v18 =	vsel vm1, v21, v18;
	vm2 =	vmand vm7, vm2;
	v21 =	vld [tilespmem:$0x14C0]  }
0x93: {  	v22 =	vsel vm9, v0, v22;
	vm2 =	vmor vm3, vm2;
	vm3 =	vgt.f32 v19, v18  }
0x94: {  	vm7 =	vmand vm2, vm3;
	vm2 =	veq.f32 v20, s26;
	vm3 =	vgt.s32 v33, s28  }
0x95: {  	v18 =	vsel vm7, v19, v18;
	vm2 =	vmand vm3, vm2;
	vm3 =	vlt.f32 v20, s26;
	v19 =	vld [tilespmem:$0x14D0]  }
0x96: {  	v22 =	vsel vm10, v24, v22;
	vm2 =	vmor vm3, vm2;
	vm3 =	vgt.f32 v20, v18  }
0x97: {  	vm8 =	vmand vm2, vm3;
	vm2 =	veq.f32 v21, s26;
	vm3 =	vgt.s32 v34, s28  }
0x98: {  	v18 =	vsel vm8, v20, v18;
	vm2 =	vmand vm3, vm2;
	vm3 =	vlt.f32 v21, s26;
	v20 =	vld [tilespmem:$0x14E0]  }
0x99: {  	v22 =	vsel vm11, v13, v22;
	vm2 =	vmor vm3, vm2;
	vm3 =	vgt.f32 v21, v18  }
0x9a: {  	vm9 =	vmand vm2, vm3;
	vm2 =	veq.f32 v19, s26;
	vm3 =	vgt.s32 v35, s28  }
0x9b: {  	v18 =	vsel vm9, v21, v18;
	vm2 =	vmand vm3, vm2;
	vm3 =	vlt.f32 v19, s26;
	v21 =	vld [tilespmem:$0x14F0]  }
0x9c: {  	v22 =	vsel vm12, v26, v22;
	vm2 =	vmor vm3, vm2;
	vm3 =	vgt.f32 v19, v18  }
0x9d: {  	vm10 =	vmand vm2, vm3;
	vm2 =	veq.f32 v20, s26;
	vm3 =	vgt.s32 v36, s28  }
0x9e: {  	v18 =	vsel vm10, v19, v18;
	vm2 =	vmand vm3, vm2;
	vm3 =	vlt.f32 v20, s26;
	v19 =	vld [tilespmem:$0x1500]  }
0x9f: {  	v22 =	vsel vm13, v11, v22;
	vm2 =	vmor vm3, vm2;
	vm3 =	vgt.f32 v20, v18  }
0xa0: {  	vm11 =	vmand vm2, vm3;
	vm2 =	veq.f32 v21, s26;
	vm3 =	vgt.s32 v37, s28  }
0xa1: {  	v18 =	vsel vm11, v20, v18;
	vm2 =	vmand vm3, vm2;
	vm3 =	vlt.f32 v21, s26;
	v20 =	vld [tilespmem:$0x1510]  }
0xa2: {  	v22 =	vsel vm14, v28, v22;
	vm2 =	vmor vm3, vm2;
	vm3 =	vgt.f32 v21, v18  }
0xa3: {  	vm12 =	vmand vm2, vm3;
	vm2 =	veq.f32 v19, s26;
	vm3 =	vgt.s32 v38, s28  }
0xa4: {  	v18 =	vsel vm12, v21, v18;
	vm2 =	vmand vm3, vm2;
	vm3 =	vlt.f32 v19, s26;
	v21 =	vld [tilespmem:$0x1520]  }
0xa5: {  	v22 =	vsel vm15, v29, v22;
	vm2 =	vmor vm3, vm2;
	vm3 =	vgt.f32 v19, v18  }
0xa6: {  	vm13 =	vmand vm2, vm3;
	vm2 =	veq.f32 v20, s26;
	vm3 =	vgt.s32 v39, s28  }
0xa7: {  	v18 =	vsel vm13, v19, v18;
	vm2 =	vmand vm3, vm2;
	vm3 =	vlt.f32 v20, s26;
	v19 =	vld [tilespmem:$0x1530]  }
0xa8: {  	v22 =	vsel vm0, v30, v22;
	vm2 =	vmor vm3, vm2;
	vm3 =	vgt.f32 v20, v18  }
0xa9: {  	vm14 =	vmand vm2, vm3;
	vm2 =	veq.f32 v21, s26;
	vm3 =	vgt.s32 v40, s28  }
0xaa: {  	v18 =	vsel vm14, v20, v18;
	vm2 =	vmand vm3, vm2;
	vm3 =	vlt.f32 v21, s26;
	v20 =	vld [tilespmem:$0x1540]  }
0xab: {  	v22 =	vsel vm1, v31, v22;
	vm2 =	vmor vm3, vm2;
	vm3 =	vgt.f32 v21, v18  }
0xac: {  	vm15 =	vmand vm2, vm3;
	vm2 =	veq.f32 v19, s26;
	vm3 =	vgt.s32 v41, s28  }
0xad: {  	v18 =	vsel vm15, v21, v18;
	vm2 =	vmand vm3, vm2;
	vm3 =	vlt.f32 v19, s26;
	v21 =	vld [tilespmem:$0x1550]  }
0xae: {  	v22 =	vsel vm7, v32, v22;
	vm0 =	vmor vm3, vm2;
	vm2 =	vgt.f32 v19, v18  }
0xaf: {  	vm3 =	vgt.s32 v9, s28;
	vm0 =	vmand vm0, vm2;
	vm2 =	veq.f32 v20, s26  }
0xb0: {  	v18 =	vsel vm0, v19, v18;
	vm2 =	vmand vm3, vm2;
	vm3 =	vlt.f32 v20, s26;
	v19 =	vld [tilespmem:$0x1560]  }
0xb1: {  	v22 =	vsel vm8, v33, v22;
	vm1 =	vmor vm3, vm2;
	vm2 =	vgt.f32 v20, v18  }
0xb2: {  	vm3 =	vgt.s32 v43, s28;
	vm1 =	vmand vm1, vm2;
	vm2 =	veq.f32 v21, s26  }
0xb3: {  	v18 =	vsel vm1, v20, v18;
	vm2 =	vmand vm3, vm2;
	vm3 =	vlt.f32 v21, s26;
	v20 =	vld [tilespmem:$0x1570]  }
0xb4: {  	v22 =	vsel vm9, v34, v22;
	vm2 =	vmor vm3, vm2;
	vm3 =	vgt.f32 v21, v18  }
0xb5: {  	vm7 =	vmand vm2, vm3;
	vm2 =	veq.f32 v19, s26;
	vm3 =	vgt.s32 v44, s28  }
0xb6: {  	v18 =	vsel vm7, v21, v18;
	vm2 =	vmand vm3, vm2;
	vm3 =	vlt.f32 v19, s26;
	v21 =	vld [tilespmem:$0x1580]  }
0xb7: {  	v22 =	vsel vm10, v35, v22;
	vm2 =	vmor vm3, vm2;
	vm3 =	vgt.f32 v19, v18  }
0xb8: {  	vm8 =	vmand vm2, vm3;
	vm2 =	veq.f32 v20, s26;
	vm3 =	vgt.s32 v53, s28  }
0xb9: {  	v18 =	vsel vm8, v19, v18;
	vm2 =	vmand vm3, vm2;
	vm3 =	vlt.f32 v20, s26;
	v19 =	vld [tilespmem:$0x1590]  }
0xba: {  	v22 =	vsel vm11, v36, v22;
	vm2 =	vmor vm3, vm2;
	vm3 =	vgt.f32 v20, v18  }
0xbb: {  	vm9 =	vmand vm2, vm3;
	vm2 =	veq.f32 v21, s26;
	vm3 =	vgt.s32 v46, s28  }
0xbc: {  	v18 =	vsel vm9, v20, v18;
	vm2 =	vmand vm3, vm2;
	vm3 =	vlt.f32 v21, s26;
	v20 =	vld [tilespmem:$0x15A0]  }
0xbd: {  	v22 =	vsel vm12, v37, v22;
	vm2 =	vmor vm3, vm2;
	vm3 =	vgt.f32 v21, v18  }
0xbe: {  	vm10 =	vmand vm2, vm3;
	vm2 =	veq.f32 v19, s26;
	vm3 =	vgt.s32 v1, s28  }
0xbf: {  	v18 =	vsel vm10, v21, v18;
	vm2 =	vmand vm3, vm2;
	vm3 =	vlt.f32 v19, s26;
	v21 =	vld [tilespmem:$0x15B0]  }
0xc0: {  	v22 =	vsel vm13, v38, v22;
	vm2 =	vmor vm3, vm2;
	vm3 =	vgt.f32 v19, v18  }
0xc1: {  	vm11 =	vmand vm2, vm3;
	vm2 =	veq.f32 v20, s26;
	vm3 =	vgt.s32 v2, s28  }
0xc2: {  	v18 =	vsel vm11, v19, v18;
	vm2 =	vmand vm3, vm2;
	vm3 =	vlt.f32 v20, s26;
	v19 =	vld [tilespmem:$0x15C0]  }
0xc3: {  	v22 =	vsel vm14, v39, v22;
	vm2 =	vmor vm3, vm2;
	vm3 =	vgt.f32 v20, v18  }
0xc4: {  	vm12 =	vmand vm2, vm3;
	vm2 =	veq.f32 v21, s26;
	vm3 =	vgt.s32 v3, s28  }
0xc5: {  	v18 =	vsel vm12, v20, v18;
	vm2 =	vmand vm3, vm2;
	vm3 =	vlt.f32 v21, s26;
	v20 =	vld [tilespmem:$0x15D0]  }
0xc6: {  	v22 =	vsel vm15, v40, v22;
	vm2 =	vmor vm3, vm2;
	vm3 =	vgt.f32 v21, v18  }
0xc7: {  	vm13 =	vmand vm2, vm3;
	vm2 =	veq.f32 v19, s26;
	vm3 =	vgt.s32 v4, s28  }
0xc8: {  	v18 =	vsel vm13, v21, v18;
	vm2 =	vmand vm3, vm2;
	vm3 =	vlt.f32 v19, s26;
	v21 =	vld [tilespmem:$0x15E0]  }
0xc9: {  	v22 =	vsel vm0, v41, v22;
	vm2 =	vmor vm3, vm2;
	vm3 =	vgt.f32 v19, v18  }
0xca: {  	vm14 =	vmand vm2, vm3;
	vm2 =	veq.f32 v20, s26;
	vm3 =	vgt.s32 v5, s28  }
0xcb: {  	v18 =	vsel vm14, v19, v18;
	vm2 =	vmand vm3, vm2;
	vm3 =	vlt.f32 v20, s26;
	v19 =	vld [tilespmem:$0x15F0]  }
0xcc: {  	v22 =	vsel vm1, v9, v22;
	vm2 =	vmor vm3, vm2;
	vm3 =	vgt.f32 v20, v18  }
0xcd: {  	vm15 =	vmand vm2, vm3;
	vm2 =	veq.f32 v21, s26;
	vm3 =	vgt.s32 v6, s28  }
0xce: {  	v18 =	vsel vm15, v20, v18;
	vm2 =	vmand vm3, vm2;
	vm3 =	vlt.f32 v21, s26;
	v20 =	vld [tilespmem:$0x1600]  }
0xcf: {  	v22 =	vsel vm7, v43, v22;
	vm0 =	vmor vm3, vm2;
	vm2 =	vgt.f32 v21, v18  }
0xd0: {  	vm3 =	vgt.s32 v7, s28;
	vm0 =	vmand vm0, vm2;
	vm2 =	veq.f32 v19, s26  }
0xd1: {  	v18 =	vsel vm0, v21, v18;
	vm2 =	vmand vm3, vm2;
	vm3 =	vlt.f32 v19, s26;
	v21 =	vld [tilespmem:$0x1610]  }
0xd2: {  	v22 =	vsel vm8, v44, v22;
	vm1 =	vmor vm3, vm2;
	vm2 =	vgt.f32 v19, v18  }
0xd3: {  	vm3 =	vgt.s32 v8, s28;
	vm1 =	vmand vm1, vm2;
	vm2 =	veq.f32 v20, s26  }
0xd4: {  	v18 =	vsel vm1, v19, v18;
	vm2 =	vmand vm3, vm2;
	vm3 =	vlt.f32 v20, s26;
	v19 =	vld [tilespmem:$0x1620]  }
0xd5: {  	v22 =	vsel vm9, v53, v22;
	vm2 =	vmor vm3, vm2;
	vm3 =	vgt.f32 v20, v18  }
0xd6: {  	vm7 =	vmand vm2, vm3;
	vm2 =	veq.f32 v21, s26;
	vm3 =	vgt.s32 v50, s28  }
0xd7: {  	v18 =	vsel vm7, v20, v18;
	vm2 =	vmand vm3, vm2;
	vm3 =	vlt.f32 v21, s26;
	v20 =	vld [tilespmem:$0x1630]  }
0xd8: {  	v22 =	vsel vm10, v46, v22;
	vm2 =	vmor vm3, vm2;
	vm3 =	vgt.f32 v21, v18  }
0xd9: {  	vm8 =	vmand vm2, vm3;
	vm2 =	veq.f32 v19, s26;
	vm3 =	vgt.s32 v10, s28  }
0xda: {  	v18 =	vsel vm8, v21, v18;
	vm2 =	vmand vm3, vm2;
	vm3 =	vlt.f32 v19, s26;
	v21 =	vld [tilespmem:$0x1640]  }
0xdb: {  	v22 =	vsel vm11, v1, v22;
	vm2 =	vmor vm3, vm2;
	vm3 =	vgt.f32 v19, v18  }
0xdc: {  	vm9 =	vmand vm2, vm3;
	vm2 =	veq.f32 v20, s26;
	vm3 =	vgt.s32 v55, s28  }
0xdd: {  	v18 =	vsel vm9, v19, v18;
	vm2 =	vmand vm3, vm2;
	vm3 =	vlt.f32 v20, s26;
	v19 =	vld [tilespmem:$0x1650]  }
0xde: {  	v22 =	vsel vm12, v2, v22;
	vm2 =	vmor vm3, vm2;
	vm3 =	vgt.f32 v20, v18  }
0xdf: {  	vm10 =	vmand vm2, vm3;
	vm2 =	veq.f32 v21, s26;
	vm3 =	vgt.s32 v12, s28  }
0xe0: {  	v18 =	vsel vm10, v20, v18;
	vm2 =	vmand vm3, vm2;
	vm3 =	vlt.f32 v21, s26;
	v20 =	vld [tilespmem:$0x1660]  }
0xe1: {  	v22 =	vsel vm13, v3, v22;
	vm2 =	vmor vm3, vm2;
	vm3 =	vgt.f32 v21, v18  }
0xe2: {  	vm11 =	vmand vm2, vm3;
	vm2 =	veq.f32 v19, s26;
	vm3 =	vgt.s32 v58, s28  }
0xe3: {  	v18 =	vsel vm11, v21, v18;
	vm2 =	vmand vm3, vm2;
	vm3 =	vlt.f32 v19, s26;
	v21 =	vld [tilespmem:$0x1670]  }
0xe4: {  	v22 =	vsel vm14, v4, v22;
	vm2 =	vmor vm3, vm2;
	vm3 =	vgt.f32 v19, v18  }
0xe5: {  	vm12 =	vmand vm2, vm3;
	vm2 =	veq.f32 v20, s26;
	vm3 =	vgt.s32 v14, s28  }
0xe6: {  	v18 =	vsel vm12, v19, v18;
	vm2 =	vmand vm3, vm2;
	vm3 =	vlt.f32 v20, s26;
	v19 =	vld [tilespmem:$0x1680]  }
0xe7: {  	v22 =	vsel vm15, v5, v22;
	vm2 =	vmor vm3, vm2;
	vm3 =	vgt.f32 v20, v18  }
0xe8: {  	vm13 =	vmand vm2, vm3;
	vm2 =	veq.f32 v21, s26;
	vm3 =	vgt.s32 v15, s28  }
0xe9: {  	v18 =	vsel vm13, v20, v18;
	vm2 =	vmand vm3, vm2;
	vm3 =	vlt.f32 v21, s26;
	v20 =	vld [tilespmem:$0x1690]  }
0xea: {  	v22 =	vsel vm0, v6, v22;
	vm2 =	vmor vm3, vm2;
	vm3 =	vgt.f32 v21, v18  }
0xeb: {  	vm14 =	vmand vm2, vm3;
	vm2 =	veq.f32 v19, s26;
	vm3 =	vgt.s32 v16, s28  }
0xec: {  	v18 =	vsel vm14, v21, v18;
	vm2 =	vmand vm3, vm2;
	vm3 =	vlt.f32 v19, s26;
	v21 =	vld [tilespmem:$0x16A0]  }
0xed: {  	v22 =	vsel vm1, v7, v22;
	vm2 =	vmor vm3, vm2;
	vm3 =	vgt.f32 v19, v18  }
0xee: {  	vm15 =	vmand vm2, vm3;
	vm2 =	veq.f32 v20, s26;
	vm3 =	vgt.s32 v17, s28  }
0xef: {  	v18 =	vsel vm15, v19, v18;
	vm2 =	vmand vm3, vm2;
	vm3 =	vlt.f32 v20, s26;
	v19 =	vld [tilespmem:$0x16B0]  }
0xf0: {  	v22 =	vsel vm7, v8, v22;
	vm0 =	vmor vm3, vm2;
	vm2 =	vgt.f32 v20, v18  }
0xf1: {  	vm3 =	vgt.s32 v48, s28;
	vm0 =	vmand vm0, vm2;
	vm2 =	veq.f32 v21, s26  }
0xf2: {  	v18 =	vsel vm0, v20, v18;
	vm2 =	vmand vm3, vm2;
	vm3 =	vlt.f32 v21, s26;
	v20 =	vld [tilespmem:$0x16C0]  }
0xf3: {  	v22 =	vsel vm8, v50, v22;
	vm1 =	vmor vm3, vm2;
	vm2 =	vgt.f32 v21, v18  }
0xf4: {  	vm3 =	vgt.s32 v47, s28;
	vm1 =	vmand vm1, vm2;
	vm2 =	veq.f32 v19, s26  }
0xf5: {  	v18 =	vsel vm1, v21, v18;
	vm2 =	vmand vm3, vm2;
	vm3 =	vlt.f32 v19, s26;
	v21 =	vld [tilespmem:$0x16D0]  }
0xf6: {  	v22 =	vsel vm9, v10, v22;
	vm2 =	vmor vm3, vm2;
	vm3 =	vgt.f32 v19, v18  }
0xf7: {  	vm7 =	vmand vm2, vm3;
	vm2 =	veq.f32 v20, s26;
	vm3 =	vgt.s32 v23, s28  }
0xf8: {  	v18 =	vsel vm7, v19, v18;
	vm2 =	vmand vm3, vm2;
	vm3 =	vlt.f32 v20, s26;
	v19 =	vld [tilespmem:$0x16E0]  }
0xf9: {  	v22 =	vsel vm10, v55, v22;
	vm2 =	vmor vm3, vm2;
	vm3 =	vgt.f32 v20, v18  }
0xfa: {  	vm8 =	vmand vm2, vm3;
	vm2 =	veq.f32 v21, s26;
	vm3 =	vgt.s32 v49, s28  }
0xfb: {  	v18 =	vsel vm8, v20, v18;
	vm2 =	vmand vm3, vm2;
	vm3 =	vlt.f32 v21, s26;
	v20 =	vld [tilespmem:$0x16F0]  }
0xfc: {  	v22 =	vsel vm11, v12, v22;
	vm2 =	vmor vm3, vm2;
	vm3 =	vgt.f32 v21, v18  }
0xfd: {  	vm9 =	vmand vm2, vm3;
	vm2 =	veq.f32 v19, s26;
	vm3 =	vgt.s32 v42, s28  }
0xfe: {  	v18 =	vsel vm9, v21, v18;
	vm2 =	vmand vm3, vm2;
	vm3 =	vlt.f32 v19, s26;
	v21 =	vld [tilespmem:$0x1700]  }
0xff: {  	v22 =	vsel vm12, v58, v22;
	vm2 =	vmor vm3, vm2;
	vm3 =	vgt.f32 v19, v18  }
0x100: {  	vm10 =	vmand vm2, vm3;
	vm2 =	veq.f32 v20, s26;
	vm3 =	vgt.s32 v45, s28  }
0x101: {  	v18 =	vsel vm10, v19, v18;
	vm2 =	vmand vm3, vm2;
	vm3 =	vlt.f32 v20, s26;
	v19 =	vld [tilespmem:$0x1710]  }
0x102: {  	v22 =	vsel vm13, v14, v22;
	vm2 =	vmor vm3, vm2;
	vm3 =	vgt.f32 v20, v18  }
0x103: {  	vm11 =	vmand vm2, vm3;
	vm2 =	veq.f32 v21, s26;
	vm3 =	vgt.s32 v52, s28  }
0x104: {  	v18 =	vsel vm11, v20, v18;
	vm2 =	vmand vm3, vm2;
	vm3 =	vlt.f32 v21, s26;
	v20 =	vld [tilespmem:$0x1720]  }
0x105: {  	v22 =	vsel vm14, v15, v22;
	vm2 =	vmor vm3, vm2;
	vm3 =	vgt.f32 v21, v18  }
0x106: {  	vm12 =	vmand vm2, vm3;
	vm2 =	veq.f32 v19, s26;
	vm3 =	vgt.s32 v54, s28  }
0x107: {  	v18 =	vsel vm12, v21, v18;
	vm2 =	vmand vm3, vm2;
	vm3 =	vlt.f32 v19, s26;
	v21 =	vld [tilespmem:$0x1730]  }
0x108: {  	v22 =	vsel vm15, v16, v22;
	vm2 =	vmor vm3, vm2;
	vm3 =	vgt.f32 v19, v18  }
0x109: {  	vm13 =	vmand vm2, vm3;
	vm2 =	veq.f32 v20, s26;
	vm3 =	vgt.s32 v27, s28  }
0x10a: {  	v18 =	vsel vm13, v19, v18;
	vm2 =	vmand vm3, vm2;
	vm3 =	vlt.f32 v20, s26;
	v19 =	vld [tilespmem:$0x1740]  }
0x10b: {  	v22 =	vsel vm0, v17, v22;
	vm2 =	vmor vm3, vm2;
	vm3 =	vgt.f32 v20, v18  }
0x10c: {  	vm14 =	vmand vm2, vm3;
	vm2 =	veq.f32 v21, s26;
	vm3 =	vgt.s32 v56, s28  }
0x10d: {  	v18 =	vsel vm14, v20, v18;
	vm2 =	vmand vm3, vm2;
	vm3 =	vlt.f32 v21, s26;
	v20 =	vld [tilespmem:$0x1750]  }
0x10e: {  	v22 =	vsel vm1, v48, v22;
	vm2 =	vmor vm3, vm2;
	vm3 =	vgt.f32 v21, v18  }
0x10f: {  	vm15 =	vmand vm2, vm3;
	vm2 =	veq.f32 v19, s26;
	vm3 =	vgt.s32 v57, s28  }
0x110: {  	v18 =	vsel vm15, v21, v18;
	vm2 =	vmand vm3, vm2;
	vm3 =	vlt.f32 v19, s26;
	v21 =	vld [tilespmem:$0x1760]  }
0x111: {  	v22 =	vsel vm7, v47, v22;
	vm0 =	vmor vm3, vm2;
	vm2 =	vgt.f32 v19, v18  }
0x112: {  	vm3 =	vgt.s32 v25, s28;
	vm0 =	vmand vm0, vm2;
	vm2 =	veq.f32 v20, s26  }
0x113: {  	v18 =	vsel vm0, v19, v18;
	vm2 =	vmand vm3, vm2;
	vm3 =	vlt.f32 v20, s26;
	v19 =	vld [tilespmem:$0x1770]  }
0x114: {  	v22 =	vsel vm8, v23, v22;
	vm1 =	vmor vm3, vm2;
	vm2 =	vgt.f32 v20, v18  }
0x115: {  	vm3 =	vgt.s32 v59, s28;
	vm1 =	vmand vm1, vm2;
	vm2 =	veq.f32 v21, s26  }
0x116: {  	v18 =	vsel vm1, v20, v18;
	vm2 =	vmand vm3, vm2;
	vm3 =	vlt.f32 v21, s26;
	v20 =	vld [tilespmem:$0x1780]  }
0x117: {  	v22 =	vsel vm9, v49, v22;
	vm2 =	vmor vm3, vm2;
	vm3 =	vgt.f32 v21, v18  }
0x118: {  	vm7 =	vmand vm2, vm3;
	vm2 =	veq.f32 v19, s26;
	vm3 =	vgt.s32 v60, s28  }
0x119: {  	v18 =	vsel vm7, v21, v18;
	vm2 =	vmand vm3, vm2;
	vm3 =	vlt.f32 v19, s26;
	v21 =	vld [tilespmem:$0x1790]  }
0x11a: {  	v22 =	vsel vm10, v42, v22;
	vm2 =	vmor vm3, vm2;
	vm3 =	vgt.f32 v19, v18  }
0x11b: {  	vm8 =	vmand vm2, vm3;
	vm2 =	veq.f32 v20, s26;
	vm3 =	vgt.s32 v61, s28  }
0x11c: {  	v18 =	vsel vm8, v19, v18;
	vm2 =	vmand vm3, vm2;
	vm3 =	vlt.f32 v20, s26;
	v19 =	vld [tilespmem:$0x17A0]  }
0x11d: {  	v22 =	vsel vm11, v45, v22;
	vm2 =	vmor vm3, vm2;
	vm3 =	vgt.f32 v20, v18  }
0x11e: {  	v0 =	vld [tilespmem:$0x1FD90];
	vm9 =	vmand vm2, vm3;
	vm2 =	veq.f32 v21, s26;
	vm3 =	vgt.s32 v62, s28  }
0x11f: {  	v18 =	vsel vm9, v20, v18;
	vm2 =	vmand vm3, vm2;
	vm3 =	vlt.f32 v21, s26;
	v20 =	vld [tilespmem:$0x17B0]  }
0x120: {  	v22 =	vsel vm12, v52, v22;
	vm2 =	vmor vm3, vm2;
	vm3 =	vgt.f32 v21, v18  }
0x121: {  	v9 =	vld [tilespmem:$0x1FDA0];
	vm10 =	vmand vm2, vm3;
	vm2 =	veq.f32 v19, s26;
	vm3 =	vgt.s32 v63, s28  }
0x122: {  	v18 =	vsel vm10, v21, v18;
	vm2 =	vmand vm3, vm2;
	vm3 =	vlt.f32 v19, s26;
	v21 =	vld [tilespmem:$0x17C0]  }
0x123: {  	v22 =	vsel vm13, v54, v22;
	vm2 =	vmor vm3, vm2;
	vm3 =	vgt.f32 v19, v18  }
0x124: {  	v11 =	vld [tilespmem:$0x1FDB0];
	vm11 =	vmand vm2, vm3;
	vm2 =	veq.f32 v20, s26;
	vm3 =	vgt.s32 v0, s28  }
0x125: {  	v18 =	vsel vm11, v19, v18;
	vm2 =	vmand vm3, vm2;
	vm3 =	vlt.f32 v20, s26;
	v19 =	vld [tilespmem:$0x17D0]  }
0x126: {  	v22 =	vsel vm14, v27, v22;
	vm2 =	vmor vm3, vm2;
	vm3 =	vgt.f32 v20, v18  }
0x127: {  	v13 =	vld [tilespmem:$0x1FDC0];
	vm12 =	vmand vm2, vm3;
	vm2 =	veq.f32 v21, s26;
	vm3 =	vgt.s32 v9, s28  }
0x128: {  	v18 =	vsel vm12, v20, v18;
	vm2 =	vmand vm3, vm2;
	vm3 =	vlt.f32 v21, s26;
	v20 =	vld [tilespmem:$0x17E0]  }
0x129: {  	v22 =	vsel vm15, v56, v22;
	vm2 =	vmor vm3, vm2;
	vm3 =	vgt.f32 v21, v18  }
0x12a: {  	v17 =	vld [tilespmem:$0x1FDD0];
	vm13 =	vmand vm2, vm3;
	vm2 =	veq.f32 v19, s26;
	vm3 =	vgt.s32 v11, s28  }
0x12b: {  	v18 =	vsel vm13, v21, v18;
	vm2 =	vmand vm3, vm2;
	vm3 =	vlt.f32 v19, s26;
	v21 =	vld [tilespmem:$0x17F0]  }
0x12c: {  	v22 =	vsel vm0, v57, v22;
	vm2 =	vmor vm3, vm2;
	vm3 =	vgt.f32 v19, v18  }
0x12d: {  	v23 =	vld [tilespmem:$0x1FDE0];
	vm14 =	vmand vm2, vm3;
	vm2 =	veq.f32 v20, s26;
	vm3 =	vgt.s32 v13, s28  }
0x12e: {  	v18 =	vsel vm14, v19, v18;
	vm2 =	vmand vm3, vm2;
	vm3 =	vlt.f32 v20, s26;
	v19 =	vld [tilespmem:$0x1800]  }
0x12f: {  	v22 =	vsel vm1, v25, v22;
	vm2 =	vmor vm3, vm2;
	vm3 =	vgt.f32 v20, v18  }
0x130: {  	v24 =	vld [tilespmem:$0x1FDF0];
	vm15 =	vmand vm2, vm3;
	vm2 =	veq.f32 v21, s26;
	vm3 =	vgt.s32 v17, s28  }
0x131: {  	v18 =	vsel vm15, v20, v18;
	vm2 =	vmand vm3, vm2;
	vm3 =	vlt.f32 v21, s26;
	v20 =	vld [tilespmem:$0x1810]  }
0x132: {  	v22 =	vsel vm7, v59, v22;
	vm0 =	vmor vm3, vm2;
	vm2 =	vgt.f32 v21, v18  }
0x133: {  	v25 =	vld [tilespmem:$0x1FE00];
	vm3 =	vgt.s32 v23, s28;
	vm0 =	vmand vm0, vm2;
	vm2 =	veq.f32 v19, s26  }
0x134: {  	v18 =	vsel vm0, v21, v18;
	vm2 =	vmand vm3, vm2;
	vm3 =	vlt.f32 v19, s26;
	v21 =	vld [tilespmem:$0x1820]  }
0x135: {  	v22 =	vsel vm8, v60, v22;
	vm1 =	vmor vm3, vm2;
	vm2 =	vgt.f32 v19, v18  }
0x136: {  	v26 =	vld [tilespmem:$0x1FE10];
	vm3 =	vgt.s32 v24, s28;
	vm1 =	vmand vm1, vm2;
	vm2 =	veq.f32 v20, s26  }
0x137: {  	v18 =	vsel vm1, v19, v18;
	vm2 =	vmand vm3, vm2;
	vm3 =	vlt.f32 v20, s26;
	v19 =	vld [tilespmem:$0x1830]  }
0x138: {  	v22 =	vsel vm9, v61, v22;
	vm2 =	vmor vm3, vm2;
	vm3 =	vgt.f32 v20, v18  }
0x139: {  	v27 =	vld [tilespmem:$0x1FE20];
	vm7 =	vmand vm2, vm3;
	vm2 =	veq.f32 v21, s26;
	vm3 =	vgt.s32 v25, s28  }
0x13a: {  	v18 =	vsel vm7, v20, v18;
	vm2 =	vmand vm3, vm2;
	vm3 =	vlt.f32 v21, s26;
	v20 =	vld [tilespmem:$0x1840]  }
0x13b: {  	v22 =	vsel vm10, v62, v22;
	vm2 =	vmor vm3, vm2;
	vm3 =	vgt.f32 v21, v18  }
0x13c: {  	v48 =	vld [tilespmem:$0x1FE30];
	vm8 =	vmand vm2, vm3;
	vm2 =	veq.f32 v19, s26;
	vm3 =	vgt.s32 v26, s28  }
0x13d: {  	v18 =	vsel vm8, v21, v18;
	vm2 =	vmand vm3, vm2;
	vm3 =	vlt.f32 v19, s26;
	v21 =	vld [tilespmem:$0x1850]  }
0x13e: {  	v22 =	vsel vm11, v63, v22;
	vm2 =	vmor vm3, vm2;
	vm3 =	vgt.f32 v19, v18  }
0x13f: {  	v53 =	vld [tilespmem:$0x1FE40];
	vm9 =	vmand vm2, vm3;
	vm2 =	veq.f32 v20, s26;
	vm3 =	vgt.s32 v27, s28  }
0x140: {  	v18 =	vsel vm9, v19, v18;
	vm2 =	vmand vm3, vm2;
	vm3 =	vlt.f32 v20, s26;
	v19 =	vld [tilespmem:$0x1860]  }
0x141: {  	v22 =	vsel vm12, v0, v22;
	vm2 =	vmor vm3, vm2;
	vm3 =	vgt.f32 v20, v18  }
0x142: {  	v0 =	vld [tilespmem:$0x1FE50];
	vm10 =	vmand vm2, vm3;
	vm2 =	veq.f32 v21, s26;
	vm3 =	vgt.s32 v48, s28  }
0x143: {  	v18 =	vsel vm10, v20, v18;
	vm2 =	vmand vm3, vm2;
	vm3 =	vlt.f32 v21, s26;
	v20 =	vld [tilespmem:$0x1870]  }
0x144: {  	v22 =	vsel vm13, v9, v22;
	vm2 =	vmor vm3, vm2;
	vm3 =	vgt.f32 v21, v18  }
0x145: {  	v9 =	vld [tilespmem:$0x1FE60];
	vm11 =	vmand vm2, vm3;
	vm2 =	veq.f32 v19, s26;
	vm3 =	vgt.s32 v53, s28  }
0x146: {  	v18 =	vsel vm11, v21, v18;
	vm2 =	vmand vm3, vm2;
	vm3 =	vlt.f32 v19, s26;
	v21 =	vld [tilespmem:$0x1880]  }
0x147: {  	v22 =	vsel vm14, v11, v22;
	vm2 =	vmor vm3, vm2;
	vm3 =	vgt.f32 v19, v18  }
0x148: {  	v11 =	vld [tilespmem:$0x1FE70];
	vm12 =	vmand vm2, vm3;
	vm2 =	veq.f32 v20, s26;
	vm3 =	vgt.s32 v0, s28  }
0x149: {  	v18 =	vsel vm12, v19, v18;
	vm2 =	vmand vm3, vm2;
	vm3 =	vlt.f32 v20, s26;
	v19 =	vld [tilespmem:$0x1890]  }
0x14a: {  	v22 =	vsel vm15, v13, v22;
	vm2 =	vmor vm3, vm2;
	vm3 =	vgt.f32 v20, v18  }
0x14b: {  	v13 =	vld [tilespmem:$0x1FE80];
	vm13 =	vmand vm2, vm3;
	vm2 =	veq.f32 v21, s26;
	vm3 =	vgt.s32 v9, s28  }
0x14c: {  	v18 =	vsel vm13, v20, v18;
	vm2 =	vmand vm3, vm2;
	vm3 =	vlt.f32 v21, s26;
	v20 =	vld [tilespmem:$0x18A0]  }
0x14d: {  	v22 =	vsel vm0, v17, v22;
	vm2 =	vmor vm3, vm2;
	vm3 =	vgt.f32 v21, v18  }
0x14e: {  	v17 =	vld [tilespmem:$0x1FE90];
	vm14 =	vmand vm2, vm3;
	vm2 =	veq.f32 v19, s26;
	vm3 =	vgt.s32 v11, s28  }
0x14f: {  	v18 =	vsel vm14, v21, v18;
	vm2 =	vmand vm3, vm2;
	vm3 =	vlt.f32 v19, s26;
	v21 =	vld [tilespmem:$0x18B0]  }
0x150: {  	v22 =	vsel vm1, v23, v22;
	vm2 =	vmor vm3, vm2;
	vm3 =	vgt.f32 v19, v18  }
0x151: {  	v23 =	vld [tilespmem:$0x1FEA0];
	vm15 =	vmand vm2, vm3;
	vm2 =	veq.f32 v20, s26;
	vm3 =	vgt.s32 v13, s28  }
0x152: {  	v18 =	vsel vm15, v19, v18;
	vm2 =	vmand vm3, vm2;
	vm3 =	vlt.f32 v20, s26;
	v19 =	vld [tilespmem:$0x18C0]  }
0x153: {  	v22 =	vsel vm7, v24, v22;
	vm0 =	vmor vm3, vm2;
	vm2 =	vgt.f32 v20, v18  }
0x154: {  	v24 =	vld [tilespmem:$0x1FEB0];
	vm3 =	vgt.s32 v17, s28;
	vm0 =	vmand vm0, vm2;
	vm2 =	veq.f32 v21, s26  }
0x155: {  	v18 =	vsel vm0, v20, v18;
	vm2 =	vmand vm3, vm2;
	vm3 =	vlt.f32 v21, s26;
	v20 =	vld [tilespmem:$0x18D0]  }
0x156: {  	vm1 =	vmor vm3, vm2;
	vm2 =	vgt.f32 v21, v18  }
0x157: {  	vm3 =	vgt.s32 v23, s28;
	vm1 =	vmand vm1, vm2;
	vm2 =	veq.f32 v19, s26  }
0x158: {  	v18 =	vsel vm1, v21, v18;
	vm2 =	vmand vm3, vm2;
	vm3 =	vlt.f32 v19, s26  }
0x159: {  	v22 =	vsel vm8, v25, v22;
	vm2 =	vmor vm3, vm2;
	vm3 =	vgt.f32 v19, v18  }
0x15a: {  	v25 =	vld [tilespmem:$0x1FEC0];
	vm7 =	vmand vm2, vm3;
	vm2 =	veq.f32 v20, s26;
	vm3 =	vgt.s32 v24, s28  }
0x15b: {  	v21 =	vld [tilespmem:$0x18E0];
	v18 =	vsel vm7, v19, v18;
	vm2 =	vmand vm3, vm2;
	vm3 =	vlt.f32 v20, s26  }
0x15c: {  	vm2 =	vmor vm3, vm2;
	vm3 =	vgt.f32 v20, v18  }
0x15d: {  	v19 =	vld [tilespmem:$0x18F0];
	vm2 =	vmand vm2, vm3  }
0x15e: {  	v18 =	vsel vm2, v20, v18;
	v20 =	vsel vm9, v26, v22;
	v22 =	vld [tilespmem:$0x1FED0];
	_ =	sdelay $0x1  }
0x15f: {  	vm8 =	vgt.s32 v25, s28;
	vm3 =	veq.f32 v21, s26  }
0x160: {  	vm3 =	vmand vm8, vm3;
	vm8 =	vlt.f32 v21, s26  }
0x161: {  	vm3 =	vmor vm8, vm3;
	vm8 =	vgt.f32 v21, v18  }
0x162: {  	vm3 =	vmand vm3, vm8;
	vm8 =	veq.f32 v19, s26;
	vm9 =	vgt.s32 v22, s28  }
0x163: {  	v18 =	vsel vm3, v21, v18;
	vm8 =	vmand vm9, vm8;
	vm9 =	vlt.f32 v19, s26  }
0x164: {  	v20 =	vsel vm10, v27, v20;
	vm8 =	vmor vm9, vm8;
	vm9 =	vgt.f32 v19, v18  }
0x165: {  	v20 =	vsel vm11, v48, v20;
	vm8 =	vmand vm8, vm9  }
0x166: {  	v20 =	vsel vm12, v53, v20;
	v18 =	vsel vm8, v19, v18  }
0x167: {  	v19 =	vsel vm13, v0, v20;
	(xrf0) =	vmax.scan.msk.f32 $0xffff, v18  }
0x168: {  	v19 =	vsel vm14, v9, v19  }
0x169: {  	v19 =	vsel vm15, v11, v19  }
0x16a: {  	v19 =	vsel vm0, v13, v19  }
0x16b: {  	v19 =	vsel vm1, v17, v19  }
0x16c: {  	v19 =	vsel vm7, v23, v19  }
0x16d: {  	v19 =	vsel vm2, v24, v19;
	v20, _, _ =	vpop (xrf0)  }
0x16e: {  	v19 =	vsel vm3, v25, v19;
	v20 =	vbroadcast v20, $0xF  }
0x16f: {  	v19 =	vsel vm8, v22, v19  }
0x170: {  	vm0 =	veq.f32 v18, v20;
	v18 =	vxor.u32 $0x80000000, v19  }
0x171: {  	v18 =	vnsel vm0, $0xC0000000, v18  }
0x172: {  	(xrf0) =	vmin.scan.msk.u32 $0xffff, v18;
	_ =	sdelay $0x5  }
0x173: {  	v18, _, _ =	vpop (xrf0)  }
0x174: {  	(v2sf) =	vpush v18, $0xF;
	_ =	sdelay $0xe  }
0x175: {  	s30 =	spop (v2sf)  }
0x176: {  	s26 =	sxor.u32 $0x80000000, s30  }
0x177: {  	s28 =	ssub.s32 s26, s5  }
0x178: {  	p1 =	sgt.s32 s28, $0x0  }
0x179: {  	s28 =	simm.s32 @!p1 $0x0  }
0x17a: {  	s28 =	smin.u32 s28, $0x4FF  }
0x17b: {  	v18 =	vmov s28  }
0x17c: {  	v18 =	vbroadcast v18, $0x0;
	_ =	sdelay $0x5  }
0x17d: {  	v19 =	vld.idx.msk [tilespmem:v18+s20+$0x0], $0xffff  }
0x17e: {  	v21 =	vld.idx.msk [tilespmem:v18+s19+$0x0], $0xffff  }
0x17f: {  	v22 =	vld.idx.msk [tilespmem:v18+s18+$0x0], $0xffff  }
0x180: {  	v18 =	vld.idx.msk [tilespmem:v18+s4+$0x0], $0xffff  }
0x181: {  	vm1 =	vcmask $0x3F18  }
0x182: {  	vm2 =	vcmask $0x3F14;
	v19 =	vsel vm1, $0x0, v19  }
0x183: {  	vm3 =	vmmov vm4;
	v23 =	vmov s26;
	v19 =	vsel vm2, v19, v21  }
0x184: {  	vm4 =	vmmov vm5;
	v21 =	vbroadcast v23, $0x0;
	v19 =	vsel vm6, v19, v22  }
0x185: {  	v18 =	vsel vm4, v19, v18  }
0x186: {  	vm5 =	vcmask $0x3F04;
	v18 =	vsel vm3, v18, v21  }
0x187: {  	v18 =	vsel vm5, v18, v20  }
0x188: {  	[tilespmem:$0x1C00] =	vst v18  }
0x189: {  	[spmem:s15] =	stream.linear.scatter [tilespmem:s22], [sflag:$0x1], $0x80, $0x38;
	[tilespmem:$0x2510] =	vst v63  }
0x18a: {  	_ =	swait.ge [sflag:s17], $0x80  }
0x18b: {  	[sflag:s17] =	ssyncset.done $0x0  }
0x18c: {  	[sflag:s17] =	ssyncadd.s32 $0xFFFFFF80  }
0x18d: {  	v18 =	vmul.u32 $0x80, v51;
	[bflag:$0x0] =	sbarrier.arrive $0xFFFF  }
0x18e: {  	[tilespmem:s23], [sflag:$0x1] =	stream.linear.gather [spmem:s2], $0x800, $0x38;
	[tilespmem:$0x2510] =	vst v63  }
0x18f: {  	_ =	swait.ge [sflag:s17], $0x800  }
0x190: {  	[sflag:s17] =	ssyncset.done $0x0  }
0x191: {  	[sflag:s17] =	ssyncadd.s32 $0xFFFFF800  }
0x192: {  	[bflag:$0x0] =	sbarrier.arrive $0xFFFF  }
0x193: {  	v19 =	vld.idx.msk [tilespmem:v18+s23+$0x0], $0xffff;
	_ =	sdelay $0x3  }
0x194: {  	v18 =	vor.u32 $0x1, v18  }
0x195: {  	(xrf0) =	vmax.scan.msk.f32 $0xffff, v19;
	_ =	sdelay $0x3  }
0x196: {  	v18 =	vld.idx.msk [tilespmem:v18+s23+$0x0], $0xffff;
	_ =	sdelay $0x1  }
0x197: {  	v20, _, _ =	vpop (xrf0)  }
0x198: {  	v21 =	vbroadcast v20, $0xF;
	_ =	sdelay $0x1  }
0x199: {  	v18 =	vxor.u32 $0x80000000, v18;
	vm0 =	veq.f32 v19, v21  }
0x19a: {  	v18 =	vnsel vm0, $0xC0000000, v18  }
0x19b: {  	(xrf0) =	vmin.scan.msk.u32 $0xffff, v18;
	_ =	sdelay $0x5  }
0x19c: {  	(v2sf) =	vpush v20, $0xF;
	v18, _, _ =	vpop (xrf0)  }
0x19d: {  	(v2sf) =	vpush v18, $0xF;
	_ =	sdelay $0xd  }
0x19e: {  	s26 =	spop (v2sf)  }
0x19f: {  	s29 =	spop (v2sf)  }
0x1a0: {  	s28 =	sxor.u32 $0x80000000, s29  }
0x1a1: {  	s30 =	smulhi.u32 $0x66666667, s28;
	s31 =	sshra.s32 s28, $0x1F  }
0x1a2: {  	s31 =	smul.u32 $0x66666667, s31;
	_ =	sdelay $0x1  }
0x1a3: {  	s30 =	sadd.s32 s31, s30  }
0x1a4: {  	s31 =	sshrl.u32 s30, $0x1F;
	s30 =	sshra.s32 s30, $0x9  }
0x1a5: {  	s30 =	sadd.s32 s31, s30  }
0x1a6: {  	s31 =	smul.u32 $0xFFFFFB00, s30  }
0x1a7: {  	p2 =	sgt.s32 s29, $0xFFFFFFFF;
	p3 =	slt.s32 s28, $0x1;
	s29 =	ssub.s32 $0x0, s28  }
0x1a8: {  	p1 =	por p2, p3;
	p4 =	sne.s32 s31, s29  }
0x1a9: {  	p1 =	por !p1, !p4  }
0x1aa: {  	s29 =	simm.s32 $0x1;
	p1 =	por !p1, !p1  }
0x1ab: {  	s29 =	simm.s32 @!p1 $0x0  }
0x1ac: {  	s29 =	ssub.s32 s30, s29  }
0x1ad: {  	p1 =	sgt.s32 s29, $0x0  }
0x1ae: {  	s29 =	simm.s32 @!p1 $0x0  }
0x1af: {  	s29 =	smin.u32 s29, $0xF  }
0x1b0: {  	v25 =	vld [tilespmem:$0x1A00];
	s29 =	sshll.u32 s29, $0x7  }
0x1b1: {  	v26 =	vld [tilespmem:$0x1A80];
	v23 =	vmov s29  }
0x1b2: {  	v45 =	vmov v16;
	v27 =	vld [tilespmem:$0x1B80];
	v18 =	vor.u32 $0x2, v23  }
0x1b3: {  	v16 =	vmovc v10;
	v10 =	vmovc v5;
	v5 =	vmov v46;
	v46 =	vmov v28;
	v28 =	vld [tilespmem:$0x1910];
	v19 =	vor.u32 $0x3, v23  }
0x1b4: {  	v13 =	vmov v29;
	v29 =	vld [tilespmem:$0x1990];
	v22 =	vor.u32 $0x4, v23  }
0x1b5: {  	v48 =	vmov v30;
	v30 =	vld [tilespmem:$0x1A10];
	v24 =	vor.u32 $0x5, v23  }
0x1b6: {  	v44 =	vmov v15;
	v15 =	vmov v50;
	v50 =	vmov v32;
	v32 =	vld [tilespmem:$0x1A90]  }
0x1b7: {  	v21 =	vld.idx.msk [tilespmem:v18+s23+$0x0], $0xffff  }
0x1b8: {  	v20 =	vld.idx.msk [tilespmem:v19+s23+$0x0], $0xffff  }
0x1b9: {  	v19 =	vld.idx.msk [tilespmem:v22+s23+$0x0], $0xffff  }
0x1ba: {  	v18 =	vld.idx.msk [tilespmem:v24+s23+$0x0], $0xffff  }
0x1bb: {  	v22 =	vld [tilespmem:$0x1900]  }
0x1bc: {  	v24 =	vld [tilespmem:$0x1980]  }
0x1bd: {  	v51 =	vmov v33;
	v33 =	vld [tilespmem:$0x1B90]  }
0x1be: {  	v41 =	vmovc v12;
	v43 =	vmov v14;
	v12 =	vmov v7;
	v53 =	vmov v35;
	v35 =	vld [tilespmem:$0x1920]  }
0x1bf: {  	v7 =	vmovc v2;
	v2 =	vmovc v36;
	v42 =	vmov v58;
	v0 =	vmov v38;
	v9 =	vmov v4;
	v36 =	vld [tilespmem:$0x19A0]  }
0x1c0: {  	v4 =	vmovc v31;
	v11 =	vmovc v6;
	v17 =	vmov v55;
	v55 =	vmov v37;
	v37 =	vld [tilespmem:$0x19B0];
	v31 =	vsub.f32 v19, v21  }
0x1c1: {  	v6 =	vmovc v1;
	v38 =	vld [tilespmem:$0x1A30];
	v58 =	vsub.f32 v18, v20;
	v22 =	vmax.f32 v22, v21;
	v24 =	vmax.f32 v24, v20  }
0x1c2: {  	v1 =	vmovc v39;
	v39 =	vld [tilespmem:$0x1AB0];
	v25 =	vmin.f32 v25, v19;
	v26 =	vmin.f32 v26, v18;
	v28 =	vmax.f32 v28, v21  }
0x1c3: {  	v14 =	vmovc v8;
	v30 =	vmin.f32 v30, v19;
	v29 =	vmax.f32 v29, v20;
	v24 =	vsub.f32 v26, v24;
	v26 =	vld [tilespmem:$0x1A20]  }
0x1c4: {  	v8 =	vmovc v3;
	v3 =	vmovc v34;
	v28 =	vsub.f32 v30, v28;
	v30 =	vld [tilespmem:$0x19C0];
	v31 =	vmax.f32 v31, $0.0e+00;
	v34 =	vmax.f32 v58, $0.0e+00  }
0x1c5: {  	v32 =	vmin.f32 v32, v18;
	v25 =	vsub.f32 v25, v22;
	v22 =	vmul.f32 v34, v31;
	v31 =	vld [tilespmem:$0x1AA0]  }
0x1c6: {  	v29 =	vsub.f32 v32, v29;
	v32 =	vmax.f32 v35, v21;
	v35 =	vld [tilespmem:$0x1A40]  }
0x1c7: {  	v25 =	vmax.f32 v25, $0.0e+00;
	v24 =	vmax.f32 v24, $0.0e+00;
	v58 =	vmov v40;
	v40 =	vld [tilespmem:$0x1940]  }
0x1c8: {  	v36 =	vmax.f32 v36, v20;
	v34 =	vld [tilespmem:$0x1BA0];
	v24 =	vmul.f32 v24, v25;
	v25 =	vadd.f32 v27, v22  }
0x1c9: {  	v37 =	vmax.f32 v37, v20;
	v39 =	vmin.f32 v39, v18;
	v27 =	vld [tilespmem:$0x1930];
	v26 =	vmin.f32 v26, v19  }
0x1ca: {  	v25 =	vsub.f32 v25, v24;
	v26 =	vsub.f32 v26, v32;
	v32 =	vld [tilespmem:$0x1AC0];
	v31 =	vmin.f32 v31, v18  }
0x1cb: {  	v37 =	vsub.f32 v39, v37;
	v31 =	vsub.f32 v31, v36;
	v36 =	vld [tilespmem:$0x1950]  }
0x1cc: {  	v35 =	vmin.f32 v35, v19;
	v25 =	vadd.f32 $9.999999710e-10, v25;
	v39 =	vmax.f32 v40, v21;
	v40 =	vld [tilespmem:$0x19E0]  }
0x1cd: {  	v28 =	vmax.f32 v28, $0.0e+00;
	v29 =	vmax.f32 v29, $0.0e+00;
	v35 =	vsub.f32 v35, v39;
	v39 =	vld [tilespmem:$0x1A60]  }
0x1ce: {  	(erf) = vrcp.f32 v25;
	v25 =	vmul.f32 v29, v28;
	v28 =	vld [tilespmem:$0x19D0]  }
0x1cf: {  	v26 =	vmax.f32 v26, $0.0e+00;
	v29 =	vadd.f32 v33, v22;
	v31 =	vmax.f32 v31, $0.0e+00;
	v33 =	vld [tilespmem:$0x1A50]  }
0x1d0: {  	v27 =	vmax.f32 v27, v21;
	v26 =	vmul.f32 v31, v26;
	v31 =	vmin.f32 v38, v19;
	v38 =	vld [tilespmem:$0x1AD0]  }
0x1d1: {  	v30 =	vmax.f32 v30, v20;
	v32 =	vmin.f32 v32, v18;
	v27 =	vsub.f32 v31, v27;
	v31 =	vld [tilespmem:$0x1960]  }
0x1d2: {  	v37 =	vmax.f32 v37, $0.0e+00;
	v34 =	vadd.f32 v34, v22;
	v30 =	vsub.f32 v32, v30;
	v32 =	vld [tilespmem:$0x1AE0]  }
0x1d3: {  	v29 =	vsub.f32 v29, v25;
	v36 =	vmax.f32 v36, v21;
	v27 =	vmax.f32 v27, $0.0e+00  }
0x1d4: {  	v34 =	vsub.f32 v34, v26;
	v33 =	vmin.f32 v33, v19;
	v27 =	vmul.f32 v37, v27  }
0x1d5: {  	v28 =	vmax.f32 v28, v20;
	v33 =	vsub.f32 v33, v36;
	v36 =	vld [tilespmem:$0x1BB0];
	v37 =	vmin.f32 v38, v18  }
0x1d6: {  	v38 =	vmin.f32 v39, v19;
	v28 =	vsub.f32 v37, v28;
	v37 =	vld [tilespmem:$0x1BC0];
	v31 =	vmax.f32 v31, v21  }
0x1d7: {  	v39 =	vmax.f32 v40, v20;
	v32 =	vmin.f32 v32, v18;
	v31 =	vsub.f32 v38, v31;
	v38 =	vld [tilespmem:$0x1BD0]  }
0x1d8: {  	v35 =	vmax.f32 v35, $0.0e+00;
	v30 =	vmax.f32 v30, $0.0e+00;
	v32 =	vsub.f32 v32, v39;
	v39 =	vld [tilespmem:$0x1BE0]  }
0x1d9: {  	v29 =	vadd.f32 $9.999999710e-10, v29;
	v30 =	vmul.f32 v30, v35;
	v34 =	vadd.f32 $9.999999710e-10, v34  }
0x1da: {  	v33 =	vmax.f32 v33, $0.0e+00;
	v28 =	vmax.f32 v28, $0.0e+00;
	v36 =	vadd.f32 v36, v22  }
0x1db: {  	v40 =	vmovc v58;
	v28 =	vmul.f32 v28, v33;
	v31 =	vmax.f32 v31, $0.0e+00;
	v58 =	vadd.f32 v37, v22  }
0x1dc: {  	v32 =	vmax.f32 v32, $0.0e+00;
	v37 =	vmovc v55;
	v33 =	vsub.f32 v36, v27;
	v55 =	vadd.f32 v38, v22  }
0x1dd: {  	v31 =	vmul.f32 v32, v31;
	v32 =	vsub.f32 v58, v30;
	v58 =	vadd.f32 v39, v22  }
0x1de: {  	(erf) = vrcp.f32 v29;
	v29 =	vadd.f32 $9.999999710e-10, v33;
	v55 =	vsub.f32 v55, v28  }
0x1df: {  	(erf) = vrcp.f32 v34;
	v32 =	vadd.f32 $9.999999710e-10, v32;
	v58 =	vsub.f32 v58, v31  }
0x1e0: {  	(erf) = vrcp.f32 v29;
	v29 =	vadd.f32 $9.999999710e-10, v55  }
0x1e1: {  	(erf) = vrcp.f32 v32;
	v55 =	vadd.f32 $9.999999710e-10, v58  }
0x1e2: {  	(erf) = vrcp.f32 v29  }
0x1e3: {  	(erf) = vrcp.f32 v55;
	_ =	sdelay $0x2  }
0x1e4: {  	v29 =	vpop (erf)  }
0x1e5: {  	v58 =	vpop (erf);
	v24 =	vmul.f32 v29, v24  }
0x1e6: {  	v29 =	vpop (erf);
	v25 =	vmul.f32 v58, v25  }
0x1e7: {  	v35 =	vmov v53;
	v24 =	vmax.f32 v24, $0.0e+00;
	v26 =	vmul.f32 v29, v26;
	v53 =	vpop (erf)  }
0x1e8: {  	v24 =	vmax.f32 v24, v25;
	v29 =	vpop (erf);
	v25 =	vmul.f32 v53, v27  }
0x1e9: {  	v24 =	vmax.f32 v24, v26;
	v27 =	vpop (erf);
	v26 =	vmul.f32 v29, v30  }
0x1ea: {  	v24 =	vmax.f32 v24, v25;
	v25 =	vmul.f32 v27, v28;
	v27 =	vpop (erf)  }
0x1eb: {  	v24 =	vmax.f32 v24, v26;
	v26 =	vmul.f32 v27, v31  }
0x1ec: {  	v24 =	vmax.f32 v24, v25  }
0x1ed: {  	v24 =	vmax.f32 v24, v26  }
0x1ee: {  	(xrf0) =	vmax.scan.msk.f32 $0xffff, v24;
	_ =	sdelay $0x5  }
0x1ef: {  	v24, _, _ =	vpop (xrf0)  }
0x1f0: {  	(v2sf) =	vpush v24, $0xF;
	_ =	sdelay $0x7  }
0x1f1: {  	v23 =	vld.idx.msk [tilespmem:v23+s23+$0x0], $0xffff  }
0x1f2: {  	v34 =	vmovc v3;
	v3 =	vmov v8;
	v8 =	vmov v14;
	v14 =	vmov v43;
	v43 =	vld [tilespmem:$0x1FF70]  }
0x1f3: {  	v39 =	vmov v1;
	v1 =	vmov v6;
	v6 =	vmov v11;
	v11 =	vld [tilespmem:$0x1FF50]  }
0x1f4: {  	v36 =	vmovc v2;
	v2 =	vmov v7;
	v7 =	vmov v12;
	v12 =	vmov v41;
	v41 =	vld [tilespmem:$0x1FEE0]  }
0x1f5: {  	v55 =	vld [tilespmem:$0x24E0]  }
0x1f6: {  	v32 =	vmov v50;
	v50 =	vmov v15;
	v15 =	vmov v44;
	v44 =	vld [tilespmem:$0x1FFA0]  }
0x1f7: {  	v58 =	vld [tilespmem:$0x1A00]  }
0x1f8: {  	v53 =	vld [tilespmem:$0x1FF40];
	s31 =	spop (v2sf)  }
0x1f9: {  	p5 =	sgt.f32 s26, $-Inf;
	v24 =	vld [tilespmem:$0x2490];
	p6 =	sle.f32 s31, $5.000000000e-01  }
0x1fa: {  	v25 =	vld [tilespmem:$0x24A0]  }
0x1fb: {  	v33 =	vmov v51;
	v51 =	vlaneseq.u32;
	v27 =	vmov s25;
	v26 =	vld [tilespmem:$0x24B0];
	p1 =	por !p5, !p6  }
0x1fc: {  	v38 =	vmovc v0;
	v0 =	vimm.f32 $1.000000000e+00;
	v30 =	vor.u32 $0x10, v51;
	v28 =	vld [tilespmem:$0x24C0];
	vm12 =	veq.s32 v27, v51;
	p1 =	por !p1, !p1  }
0x1fd: {  	v31 =	vld [tilespmem:$0x24D0];
	vm13 =	veq.s32 v27, v30;
	v30 =	vor.u32 $0x20, v51;
	v29 =	vpsel !p1, $0x0, v0  }
0x1fe: {  	vm14 =	veq.s32 v27, v30;
	v30 =	vld [tilespmem:$0x24F0];
	v24 =	vsel vm12, v29, v24  }
0x1ff: {  	v0 =	vld [tilespmem:$0x1FEF0];
	[tilespmem:$0x2490] =	vst v24;
	v24 =	vsel vm13, v29, v25;
	v25 =	vor.u32 $0x30, v51  }
0x200: {  	[tilespmem:$0x24A0] =	vst v24;
	v24 =	vsel vm14, v29, v26;
	vm1 =	veq.s32 v27, v25;
	v25 =	vor.u32 $0x40, v51;
	v26 =	vld [tilespmem:$0x2500]  }
0x201: {  	[tilespmem:$0x24B0] =	vst v24;
	v24 =	vsel vm1, v29, v28;
	vm0 =	veq.s32 v27, v25;
	v25 =	vor.u32 $0x50, v51;
	v28 =	vld [tilespmem:$0x1900]  }
0x202: {  	[tilespmem:$0x24C0] =	vst v24;
	v24 =	vsel vm0, v29, v31;
	vm15 =	veq.s32 v27, v25;
	v25 =	vor.u32 $0x60, v51;
	v31 =	vld [tilespmem:$0x1980]  }
0x203: {  	[tilespmem:$0x24D0] =	vst v24;
	v24 =	vsel vm15, v29, v55;
	vm7 =	veq.s32 v27, v25;
	v25 =	vor.u32 $0x70, v51;
	v55 =	vmovc v17;
	v17 =	vld [tilespmem:$0x1FFE0]  }
0x204: {  	vm2 =	veq.s32 v27, v25;
	v25 =	vld [tilespmem:$0x1A80]  }
0x205: {  	v27 =	vld [tilespmem:$0x1B80]  }
0x206: {  	vm8 =	vmxor vm8, vm8;
	[tilespmem:$0x24E0] =	vst v24;
	v24 =	vsel vm7, v29, v30;
	v30 =	vmov v48;
	v48 =	vld [tilespmem:$0x1FFC0]  }
0x207: {  	vm8 =	vmneg @p1 vm8;
	[tilespmem:$0x24F0] =	vst v24;
	v24 =	vld [tilespmem:$0x1B00]  }
0x208: {  	v26 =	vsel vm2, v29, v26;
	vm2 =	vmand vm12, vm8;
	v29 =	vld [tilespmem:$0x1990]  }
0x209: {  	[tilespmem:$0x2500] =	vst v26;
	v26 =	vsel vm2, v21, v28;
	v28 =	vld [tilespmem:$0x1910]  }
0x20a: {  	[tilespmem:$0x1900] =	vst v26;
	v26 =	vsel vm2, v20, v31;
	v31 =	vmov v4;
	v4 =	vmov v9;
	v9 =	vld [tilespmem:$0x1FF10]  }
0x20b: {  	[tilespmem:$0x1980] =	vst v26;
	v26 =	vsel vm2, v19, v58;
	v58 =	vmov v42;
	v42 =	vld [tilespmem:$0x1FFD0]  }
0x20c: {  	[tilespmem:$0x1A00] =	vst v26;
	v25 =	vsel vm2, v18, v25;
	v26 =	vld [tilespmem:$0x1A10]  }
0x20d: {  	[tilespmem:$0x1A80] =	vst v25;
	v24 =	vsel vm2, v23, v24;
	v25 =	vld [tilespmem:$0x1A90]  }
0x20e: {  	[tilespmem:$0x1B00] =	vst v24;
	v24 =	vsel vm2, v22, v27;
	vm2 =	vmand vm13, vm8;
	v27 =	vld [tilespmem:$0x1B10]  }
0x20f: {  	[tilespmem:$0x1B80] =	vst v24;
	v24 =	vsel vm2, v21, v28;
	v28 =	vld [tilespmem:$0x1B90]  }
0x210: {  	[tilespmem:$0x1910] =	vst v24;
	v24 =	vsel vm2, v20, v29;
	v29 =	vld [tilespmem:$0x1920]  }
0x211: {  	[tilespmem:$0x1990] =	vst v24;
	v24 =	vsel vm2, v19, v26;
	v26 =	vld [tilespmem:$0x19A0]  }
0x212: {  	[tilespmem:$0x1A10] =	vst v24;
	v24 =	vsel vm2, v18, v25;
	v25 =	vld [tilespmem:$0x1A20]  }
0x213: {  	[tilespmem:$0x1A90] =	vst v24;
	v24 =	vsel vm2, v23, v27;
	v27 =	vld [tilespmem:$0x1AA0]  }
0x214: {  	[tilespmem:$0x1B10] =	vst v24;
	v24 =	vsel vm2, v22, v28;
	vm2 =	vmand vm14, vm8;
	v28 =	vld [tilespmem:$0x1B20]  }
0x215: {  	[tilespmem:$0x1B90] =	vst v24;
	v24 =	vsel vm2, v21, v29;
	v29 =	vld [tilespmem:$0x1BA0]  }
0x216: {  	[tilespmem:$0x1920] =	vst v24;
	v24 =	vsel vm2, v20, v26;
	v26 =	vld [tilespmem:$0x1930]  }
0x217: {  	[tilespmem:$0x19A0] =	vst v24;
	v24 =	vsel vm2, v19, v25;
	v25 =	vld [tilespmem:$0x19B0]  }
0x218: {  	[tilespmem:$0x1A20] =	vst v24;
	v24 =	vsel vm2, v18, v27;
	v27 =	vld [tilespmem:$0x1A30]  }
0x219: {  	[tilespmem:$0x1AA0] =	vst v24;
	v24 =	vsel vm2, v23, v28;
	v28 =	vld [tilespmem:$0x1AB0]  }
0x21a: {  	vm1 =	vmand vm1, vm8;
	[tilespmem:$0x1B20] =	vst v24;
	v24 =	vsel vm2, v22, v29;
	v29 =	vld [tilespmem:$0x1B30]  }
0x21b: {  	[tilespmem:$0x1BA0] =	vst v24;
	v24 =	vsel vm1, v21, v26;
	v26 =	vld [tilespmem:$0x1BB0]  }
0x21c: {  	[tilespmem:$0x1930] =	vst v24;
	v24 =	vsel vm1, v20, v25;
	v25 =	vld [tilespmem:$0x1940]  }
0x21d: {  	[tilespmem:$0x19B0] =	vst v24;
	v24 =	vsel vm1, v19, v27;
	v27 =	vld [tilespmem:$0x19C0]  }
0x21e: {  	[tilespmem:$0x1A30] =	vst v24;
	v24 =	vsel vm1, v18, v28;
	v28 =	vld [tilespmem:$0x1A40]  }
0x21f: {  	[tilespmem:$0x1AB0] =	vst v24;
	v24 =	vsel vm1, v23, v29;
	v29 =	vld [tilespmem:$0x1AC0]  }
0x220: {  	vm0 =	vmand vm0, vm8;
	[tilespmem:$0x1B30] =	vst v24;
	v24 =	vsel vm1, v22, v26;
	v26 =	vld [tilespmem:$0x1B40]  }
0x221: {  	[tilespmem:$0x1BB0] =	vst v24;
	v24 =	vsel vm0, v21, v25;
	v25 =	vld [tilespmem:$0x1BC0]  }
0x222: {  	[tilespmem:$0x1940] =	vst v24;
	v24 =	vsel vm0, v20, v27;
	v27 =	vld [tilespmem:$0x1950]  }
0x223: {  	[tilespmem:$0x19C0] =	vst v24;
	v24 =	vsel vm0, v19, v28;
	v28 =	vld [tilespmem:$0x19D0]  }
0x224: {  	[tilespmem:$0x1A40] =	vst v24;
	v24 =	vsel vm0, v18, v29;
	v29 =	vld [tilespmem:$0x1A50]  }
0x225: {  	[tilespmem:$0x1AC0] =	vst v24;
	v24 =	vsel vm0, v23, v26;
	v26 =	vld [tilespmem:$0x1AD0]  }
0x226: {  	[tilespmem:$0x1B40] =	vst v24;
	v24 =	vsel vm0, v22, v25;
	vm0 =	vmand vm15, vm8;
	v25 =	vld [tilespmem:$0x1B50]  }
0x227: {  	[tilespmem:$0x1BC0] =	vst v24;
	v24 =	vsel vm0, v21, v27;
	v27 =	vld [tilespmem:$0x1BD0]  }
0x228: {  	[tilespmem:$0x1950] =	vst v24;
	v24 =	vsel vm0, v20, v28;
	v28 =	vld [tilespmem:$0x1960]  }
0x229: {  	[tilespmem:$0x19D0] =	vst v24;
	v24 =	vsel vm0, v19, v29;
	v29 =	vld [tilespmem:$0x19E0]  }
0x22a: {  	s29 =	simm.s32 $0x1;
	[tilespmem:$0x1A50] =	vst v24;
	v24 =	vsel vm0, v18, v26;
	v26 =	vld [tilespmem:$0x1A60]  }
0x22b: {  	s29 =	simm.s32 @!p1 $0x0;
	[tilespmem:$0x1AD0] =	vst v24;
	v24 =	vsel vm0, v23, v25;
	v25 =	vld [tilespmem:$0x1AE0]  }
0x22c: {  	s25 =	sadd.s32 s29, s25;
	[tilespmem:$0x1B50] =	vst v24;
	v24 =	vsel vm0, v22, v27;
	vm0 =	vmand vm7, vm8;
	v27 =	vld [tilespmem:$0x1B60]  }
0x22d: {  	p1 =	sgt.u32 s25, $0x63;
	[tilespmem:$0x1BD0] =	vst v24;
	v21 =	vsel vm0, v21, v28;
	v24 =	vld [tilespmem:$0x1BE0]  }
0x22e: {  	p2 =	sgt.f32 @!p1 s26, $-Inf;
	v28 =	vmovc v46;
	v46 =	vmovc v5;
	v5 =	vmov v10;
	v10 =	vmov v16;
	v16 =	vmov v45;
	v45 =	vld [tilespmem:$0x1FF30]  }
0x22f: {  	v20 =	vsel vm0, v20, v29;
	v29 =	vmov v13;
	v13 =	vld [tilespmem:$0x1FF80]  }
0x230: {  	p1 =	por p1, !p2;
	[tilespmem:$0x1960] =	vst v21;
	v19 =	vsel vm0, v19, v26;
	v26 =	vld [tilespmem:$0x1FFB0]  }
.Ltmp0:
0x231: {  	[tilespmem:$0x19E0] =	vst v20;
	v20 =	vld [tilespmem:$0x1FFF0];
	(pc) =	sbr.rel @!p1 .LBB2_2-.Ltmp0, $4  }
0x232: {  	[tilespmem:$0x1A60] =	vst v19;
	v18 =	vsel vm0, v18, v25;
	v25 =	vld [tilespmem:$0x1FF90]  }
0x233: {  	[tilespmem:$0x1AE0] =	vst v18;
	v18 =	vsel vm0, v23, v27;
	v27 =	vld [tilespmem:$0x1FF60]  }
0x234: {  	v23 =	vld [tilespmem:$0x1FF00];
	[tilespmem:$0x1B60] =	vst v18;
	v18 =	vsel vm0, v22, v24  }
0x235: {  	v24 =	vld [tilespmem:$0x1FF20];
	[tilespmem:$0x1BE0] =	vst v18  }
0x236: {  	s25 =	simm.s32 @!p0 $0x0;
	s26 =	simm.s32 @!p0 $0x1900  }
0x237: {  	[hbm4b:s1+s25] =	stream.linear.scatter @!p0 [tilespmem:s26], [sflag:$0x1], $0x80, $0x38;
	[tilespmem:$0x2510] =	vst v63  }
0x238: {  	s26 =	simm.s32 @!p0 $0x1  }
0x239: {  	_ =	swait.ge @!p0 [sflag:s26], $0x80  }
0x23a: {  	[sflag:s26] =	ssyncset.done @!p0 $0x0  }
0x23b: {  	s28 =	simm.s32 @!p0 $0x1980;
	[sflag:s26] =	ssyncadd.s32 @!p0 $0xFFFFFF80  }
0x23c: {  	[hbm4b:s6+s25] =	stream.linear.scatter @!p0 [tilespmem:s28], [sflag:$0x1], $0x80, $0x38;
	[tilespmem:$0x2510] =	vst v63  }
0x23d: {  	_ =	swait.ge @!p0 [sflag:s26], $0x80  }
0x23e: {  	[sflag:s26] =	ssyncset.done @!p0 $0x0  }
0x23f: {  	s28 =	simm.s32 @!p0 $0x1A00;
	[sflag:s26] =	ssyncadd.s32 @!p0 $0xFFFFFF80  }
0x240: {  	[hbm4b:s7+s25] =	stream.linear.scatter @!p0 [tilespmem:s28], [sflag:$0x1], $0x80, $0x38;
	[tilespmem:$0x2510] =	vst v63  }
0x241: {  	_ =	swait.ge @!p0 [sflag:s26], $0x80  }
0x242: {  	[sflag:s26] =	ssyncset.done @!p0 $0x0  }
0x243: {  	s28 =	simm.s32 @!p0 $0x1A80;
	[sflag:s26] =	ssyncadd.s32 @!p0 $0xFFFFFF80  }
0x244: {  	[hbm4b:s8+s25] =	stream.linear.scatter @!p0 [tilespmem:s28], [sflag:$0x1], $0x80, $0x38;
	[tilespmem:$0x2510] =	vst v63  }
0x245: {  	s24 =	sadd.s32 $0x1, s24;
	_ =	swait.ge @!p0 [sflag:s26], $0x80  }
0x246: {  	p1 =	sne.s32 s24, s16;
	[sflag:s26] =	ssyncset.done @!p0 $0x0  }
.Ltmp1:
0x247: {  	s28 =	simm.s32 @!p0 $0x1B00;
	[sflag:s26] =	ssyncadd.s32 @!p0 $0xFFFFFF80;
	(pc) =	sbr.rel @p1 .LBB2_1-.Ltmp1, $4  }
0x248: {  	[hbm4b:s9+s25] =	stream.linear.scatter @!p0 [tilespmem:s28], [sflag:$0x1], $0x80, $0x38;
	[tilespmem:$0x2510] =	vst v63  }
0x249: {  	_ =	swait.ge @!p0 [sflag:s26], $0x80  }
0x24a: {  	[sflag:s26] =	ssyncset.done @!p0 $0x0  }
0x24b: {  	[sflag:s26] =	ssyncadd.s32 @!p0 $0xFFFFFF80  }
0x24c: {  	_ =	sfence.sel $0x180000  }
0x24d: {  	[bflag:$0x0] =	sbarrier.arrive $0xFFFF  }
0x24e: {  	p0 =	sne.s32 s3, $0x0;
	_ =	strace $0x90000047  }
0x24f: {  	s0 =	sadd.s32 @!p0 $0x100000, s0;
	[bflag:$0x2] =	sbarrier.arrive $0xFFFF  }
0x250: {  	[sflag:s0] =	ssyncadd.tile.s32 @!p0 $0x1;
	_ =	shalt  }
.Lfunc_end2:
_tile_overlayer_lowered:
.L_overlay_start_2:
0x251: {  	(tag) =	ssettag $0x2  }
0x252: {  	s0 =	rddreg [dreg:$0x0];
	s2 =	stileid.u32  }
0x253: {  	s1 =	rddreg [dreg:$0x1];
	p0 =	sne.s32 s2, $0x0  }
0x254: {  	s3 =	rddreg [dreg:$0x2];
	[bflag:$0x3] =	sbarrier.arrive $0xFFFF;
	s2 =	simm.s32 @!p0 $0x1C01  }
0x255: {  	[timem:s3], [sflag:s2] =	dma.local @!p0 [hbm:s0], s1  }
0x256: {  	s0 =	simm.s32 @!p0 $0x1  }
0x257: {  	_ =	swait.ge @!p0 [sflag:s0], s1  }
0x258: {  	s1 =	ssub.s32 @!p0 $0x0, s1;
	[sflag:s0] =	ssyncset.done @!p0 $0x0  }
0x259: {  	[sflag:s0] =	ssyncadd.s32 @!p0 s1  }
0x25a: {  	[bflag:$0x3] =	sbarrier.arrive $0xFFFF  }
0x25b: {  	_ =	shalt  }

</sc_bundles>
